<compile_context>
chip_gen: v7x
topology: tpu7x:2x2x1
jax: 0.10.2.dev20260603
libtpu: 0.0.44.dev20260713+nightly
codegen_flags: <defaults>
</compile_context>

<pallas_src>
import functools

import jax
import jax.numpy as jnp
from jax import lax
from jax.experimental import pallas as pl
from jax.experimental.pallas import tpu as pltpu
from jax.experimental.pallas import tpu_sc as plsc

N_CORES = 2
N_SUBCORES = 16
N_WORKERS = N_CORES * N_SUBCORES
CHUNK = 72
LANES = 16
NBUF = 5
GDEPTH = 4
NIDX = 10


def _sc_mesh():
    return plsc.VectorSubcoreMesh(core_axis_name="c", subcore_axis_name="s")


def _make_deg_kernel(chunks_per_worker, n_acc):
    C = chunks_per_worker

    @functools.partial(
        pl.kernel,
        out_type=jax.ShapeDtypeStruct((N_WORKERS, n_acc), jnp.float32),
        mesh=_sc_mesh(),
        compiler_params=pltpu.CompilerParams(needs_layout_passes=False),
        scratch_types=[
            pltpu.VMEM((C * CHUNK,), jnp.int32),
            pltpu.VMEM((n_acc,), jnp.float32),
        ],
    )
    def deg_kernel(col_hbm, out_hbm, cidx_v, hist_v):
        c = lax.axis_index("c")
        s = lax.axis_index("s")
        w = c * N_SUBCORES + s

        def zero(i, _):
            hist_v[pl.ds(i * LANES, LANES)] = jnp.zeros((LANES,), jnp.float32)
            return 0

        lax.fori_loop(0, n_acc // LANES, zero, 0)
        pltpu.sync_copy(col_hbm.at[pl.ds(w * C * CHUNK, C * CHUNK)], cidx_v)

        ones = jnp.ones((LANES,), jnp.float32)

        def body(k, _):
            idx = cidx_v[pl.ds(k * LANES, LANES)]
            plsc.addupdate_scatter(hist_v, [idx], ones)
            return 0

        lax.fori_loop(0, C * CHUNK // LANES, body, 0)
        pltpu.sync_copy(hist_v, out_hbm.at[w])

    return deg_kernel


def _make_scatter_kernel(chunks_per_worker, n_acc, rows_per_sub, d):
    C = chunks_per_worker
    assert C % NIDX == 0 and C // NIDX >= 3

    @functools.partial(
        pl.kernel,
        out_type=jax.ShapeDtypeStruct((N_CORES, n_acc, d), jnp.float32),
        mesh=_sc_mesh(),
        scratch_types=[
            [pltpu.VMEM((CHUNK,), jnp.int32) for _ in range(NIDX)],
            [pltpu.VMEM((CHUNK,), jnp.int32) for _ in range(NIDX)],
            [pltpu.VMEM((CHUNK, d), jnp.float32) for _ in range(NBUF)],
            pltpu.VMEM_SHARED((n_acc, d), jnp.float32),
            [pltpu.SemaphoreType.DMA for _ in range(NBUF)],
            [pltpu.SemaphoreType.DMA for _ in range(NBUF)],
            [pltpu.SemaphoreType.DMA for _ in range(NIDX)],
            [pltpu.SemaphoreType.DMA for _ in range(NIDX)],
        ],
    )
    def scat_kernel(row_hbm, col_hbm, z_hbm, out_hbm,
                    rib, cib, rows, acc_sh, gsem, ssem, risem, cisem):
        c = lax.axis_index("c")
        s = lax.axis_index("s")
        w = c * N_SUBCORES + s

        def fill(k, _):
            i = k // (d // LANES)
            jj = k % (d // LANES)
            rows[0][i, pl.ds(jj * LANES, LANES)] = jnp.zeros(
                (LANES,), jnp.float32
            )
            return 0

        lax.fori_loop(0, CHUNK * (d // LANES), fill, 0)
        full = rows_per_sub // CHUNK
        rem = rows_per_sub % CHUNK
        base_row = s * rows_per_sub
        for t in range(full):
            pltpu.sync_copy(
                rows[0], acc_sh.at[pl.ds(base_row + t * CHUNK, CHUNK)]
            )
        if rem:
            pltpu.sync_copy(
                rows[0].at[pl.ds(0, rem)],
                acc_sh.at[pl.ds(base_row + full * CHUNK, rem)],
            )
        plsc.subcore_barrier()

        def start_gather(ui, u):
            pltpu.async_copy(z_hbm.at[rib[ui]], rows[u], gsem[u])

        def wait_gather(u):
            pltpu.make_async_copy(
                z_hbm.at[rib[0]], rows[u], gsem[u]
            ).wait()

        def start_ridx(j, ui):
            pltpu.async_copy(
                row_hbm.at[pl.ds(pl.multiple_of(j * CHUNK, 8), CHUNK)],
                rib[ui], risem[ui],
            )

        def wait_ridx(ui):
            pltpu.make_async_copy(
                row_hbm.at[pl.ds(0, CHUNK)], rib[ui], risem[ui]
            ).wait()

        def start_cidx(j, ui):
            pltpu.async_copy(
                col_hbm.at[pl.ds(pl.multiple_of(j * CHUNK, 8), CHUNK)],
                cib[ui], cisem[ui],
            )

        def wait_cidx(ui):
            pltpu.make_async_copy(
                col_hbm.at[pl.ds(0, CHUNK)], cib[ui], cisem[ui]
            ).wait()

        def start_scatter(u, ui):
            pltpu.async_copy(rows[u], acc_sh.at[cib[ui]], ssem[u], add=True)

        def wait_scatter(u):
            pltpu.make_async_copy(
                rows[u], acc_sh.at[cib[0]], ssem[u]
            ).wait()

        cbase = w * C
        sdepth = NBUF - GDEPTH
        K = NIDX - sdepth

        def emit(j, u, ui, no_swait=False, no_idx=False, no_gather=False):
            wait_gather(u)
            wait_cidx(ui)
            start_scatter(u, ui)
            if not no_swait:
                wait_scatter((u + GDEPTH) % NBUF)
            if not no_idx:
                start_ridx(cbase + j + K, (ui + K) % NIDX)
                start_cidx(cbase + j + K, (ui + K) % NIDX)
            if not no_gather:
                wait_ridx((ui + GDEPTH) % NIDX)
                start_gather((ui + GDEPTH) % NIDX, (u + GDEPTH) % NBUF)

        for t in range(K):
            start_ridx(cbase + t, t)
            start_cidx(cbase + t, t)
        for t in range(GDEPTH):
            wait_ridx(t)
            start_gather(t, t)

        for j in range(NIDX):
            emit(j, j % NBUF, j, no_swait=(j < sdepth))

        n_groups = C // NIDX

        def group(g, _):
            for uu in range(NIDX):
                j = g * NIDX + uu
                emit(j, uu % NBUF, uu)
            return 0

        lax.fori_loop(1, n_groups - 1, group, 0)

        for uu in range(NIDX):
            j = C - NIDX + uu
            emit(j, uu % NBUF, uu,
                 no_idx=(j + K >= C), no_gather=(j + GDEPTH >= C))

        for jj in range(C - sdepth, C):
            wait_scatter(jj % NBUF)

        plsc.subcore_barrier()
        pltpu.sync_copy(
            acc_sh.at[pl.ds(base_row, rows_per_sub)],
            out_hbm.at[c, pl.ds(base_row, rows_per_sub)],
        )

    return scat_kernel


def _linear_body(x_ref, w_ref, degt_ref, z_ref):
    deg = jnp.sum(degt_ref[...], axis=1, keepdims=True) + 1.0
    dinv = lax.rsqrt(deg)
    y = x_ref[...] * dinv
    z_ref[...] = lax.dot_general(
        y, w_ref[...], (((1,), (1,)), ((), ())),
        preferred_element_type=jnp.float32,
    )


def _make_final_body(n):
    def final_body(s_ref, z_ref, degt_ref, b_ref, o_ref):
        deg = jnp.sum(degt_ref[...], axis=1, keepdims=True) + 1.0
        dinv = lax.rsqrt(deg)
        o_ref[...] = (
            dinv * (s_ref[0, :n, :] + s_ref[1, :n, :] + z_ref[...])
            + b_ref[...]
        )

    return final_body


def kernel(x, edge_index, W, b):
    n, d = x.shape
    e = edge_index.shape[1]

    row = edge_index[0].astype(jnp.int32)
    col = edge_index[1].astype(jnp.int32)

    rows_per_sub = 8 * (-(-(n + 1) // (N_SUBCORES * 8)))
    n_acc = rows_per_sub * N_SUBCORES

    per_round = N_WORKERS * CHUNK * NIDX
    chunks_per_worker = NIDX * (-(-e // per_round))
    e_pad = chunks_per_worker * N_WORKERS * CHUNK
    pad = e_pad - e
    pad_ar = jnp.arange(pad, dtype=jnp.int32)
    row_p = jnp.concatenate([row, pad_ar % n])
    col_p = jnp.concatenate([col, n + pad_ar % (n_acc - n)])

    deg_kernel = _make_deg_kernel(chunks_per_worker, n_acc)
    degp = deg_kernel(col_p)
    degt = degp[:, :n].T

    z = pl.pallas_call(
        _linear_body,
        out_shape=jax.ShapeDtypeStruct((n, d), jnp.float32),
    )(x, W, degt)

    scat_kernel = _make_scatter_kernel(
        chunks_per_worker, n_acc, rows_per_sub, d
    )
    s_part = scat_kernel(row_p, col_p, z)

    out = pl.pallas_call(
        _make_final_body(n),
        out_shape=jax.ShapeDtypeStruct((n, d), jnp.float32),
    )(s_part, z, degt, b.reshape(1, d))
    return out

# --- scband reference (transcript-rebuilt; emitter-appended) ---
"""Pipeline reference for scband-my-gcn-conv-67980742361645 (READ-ONLY COPY).

The authoritative reference and input builder live on the scoring server;
editing this copy changes nothing except your own understanding.
"""

import jax, jax.numpy as jnp
import numpy as np

N_NODES = 10000
N_EDGES = 320000
D_IN = 128
D_OUT = 128


def setup_inputs(seed: int = 0) -> dict:
    key = jax.random.key(seed)
    k1, k2, k3, k4 = jax.random.split(key, 4)
    x = jax.random.normal(k1, (N_NODES, D_IN), dtype=jnp.float32)
    edge_index = jax.random.randint(k2, (2, N_EDGES), 0, N_NODES, dtype=jnp.int64)
    # Linear params: torch Linear weight is [d_out, d_in]
    W = jax.random.normal(k3, (D_OUT, D_IN), dtype=jnp.float32) * (1.0 / np.sqrt(D_IN))
    b = jax.random.normal(k4, (D_OUT,), dtype=jnp.float32) * 0.01
    return {"x": x, "edge_index": edge_index, "W": W, "b": b}


def reference(x, edge_index, W, b):
    N = x.shape[0]
    row = edge_index[0]
    col = edge_index[1]
    # gcn_norm with add_self_loops=True, improved=False, edge_weight=None
    loop = jnp.arange(N, dtype=row.dtype)
    row = jnp.concatenate([row, loop])
    col = jnp.concatenate([col, loop])
    edge_weight = jnp.ones(row.shape[0], dtype=x.dtype)
    deg = jax.ops.segment_sum(edge_weight, col, num_segments=N)
    deg_inv_sqrt = jnp.where(deg > 0, jax.lax.rsqrt(jnp.maximum(deg, 1e-12)), 0.0)
    norm = deg_inv_sqrt[row] * deg_inv_sqrt[col]
    # message: edge_weight.view(-1,1) * x_j  (x_j = x[row], source nodes)
    msg = norm[:, None] * x[row]
    # aggregate (sum) at destination nodes
    out = jax.ops.segment_sum(msg, col, num_segments=N)
    # lin
    out = out @ W.T + b
    return out

if __name__ == "__main__":
    import jax
    _d = setup_inputs()
    print(jax.jit(kernel)(*tuple(_d.values())))

</pallas_src>

<mosaic_0001>
#map = affine_map<(d0, d1) -> (0)>
#map1 = affine_map<(d0, d1) -> (0, 0)>
module attributes {stable_mosaic.version = 14 : i64} {
  func.func @deg_kernel(%arg0: i32, %arg1: i32, %arg2: memref<322560xi32, #tpu.memory_space<hbm>>, %arg3: memref<32x10112xf32, #tpu.memory_space<hbm>>, %arg4: memref<10080xi32, #tpu.memory_space<vmem>>, %arg5: memref<10112xf32, #tpu.memory_space<vmem>>) attributes {dimension_semantics = [#tpu.dimension_semantics<core_parallel>, #tpu.dimension_semantics<subcore_parallel>], iteration_bounds = array<i64: 2, 16>, scalar_prefetch = 0 : i64, scratch_operands = 2 : i64, tpu.core_type = #tpu.core_type<sc_vector_subcore>, window_params = [{transform_indices = #map}, {transform_indices = #map1}]} {
    %mul3A = arith.constant 16 : i32
    %mul3A_0 = arith.muli %arg0, %mul3A : i32
    %add3A = arith.addi %mul3A_0, %arg1 : i32
    %scan3A = arith.constant 0 : i32
    %scan3A_1 = arith.constant 0 : i32
    %scan3A_2 = arith.constant 632 : i32
    %scan3A_3 = arith.addi %scan3A_1, %scan3A_2 : i32
    %scan3A_4 = arith.constant 1 : i32
    %scan3A_5 = scf.for %scan3A_19 = %scan3A_1 to %scan3A_3 step %scan3A_4 iter_args(%scan3A_20 = %scan3A) -> (i32)  : i32 {
      %broadcast_in_dim3A_21 = arith.constant 0.000000e+00 : f32
      %broadcast_in_dim3A_22 = vector.broadcast %broadcast_in_dim3A_21 : f32 to vector<16xf32>
      %mul3A_23 = arith.constant 16 : i32
      %mul3A_24 = arith.muli %scan3A_19, %mul3A_23 : i32
      %swap3A = arith.index_cast %mul3A_24 : i32 to index
      %swap3A_25 = tpu.vector_load %arg5[%swap3A] {strides = array<i32>} : memref<10112xf32, #tpu.memory_space<vmem>>, vector<16xf32>,
      tpu.vector_store %arg5[%swap3A], %broadcast_in_dim3A_22 {strides = array<i32>} : memref<10112xf32, #tpu.memory_space<vmem>>, vector<16xf32>,
      %scan3A_26 = arith.constant 0 : i32
      scf.yield %scan3A_26 : i32
    }
    %scan3A_6 = arith.constant 632 : i32
    %mul3A_7 = arith.constant 140 : i32
    %mul3A_8 = arith.muli %add3A, %mul3A_7 : i32
    %mul3A_9 = arith.constant 72 : i32
    %mul3A_10 = arith.muli %mul3A_8, %mul3A_9 : i32
    "tpu.region"() ({
      %run_scoped3A = tpu.sem_alloc : memref<!tpu.dma_semaphore, #tpu.memory_space<semaphore_mem>>
      %dma_start3A = tpu.memref_slice %arg2[%mul3A_10] : memref<322560xi32, #tpu.memory_space<hbm>> -> memref<10080xi32, #tpu.memory_space<hbm>>
      %dma_start3A_19 = tpu.memref_slice %arg2[%mul3A_10] : memref<322560xi32, #tpu.memory_space<hbm>> -> memref<10080xi32, #tpu.memory_space<hbm>>
      tpu.enqueue_dma source(%dma_start3A_19 : memref<10080xi32, #tpu.memory_space<hbm>>) target(%arg4 : memref<10080xi32, #tpu.memory_space<vmem>>) target_semaphore(%run_scoped3A : memref<!tpu.dma_semaphore, #tpu.memory_space<semaphore_mem>>)
      %dma_wait3A = tpu.memref_slice %arg2[%mul3A_10] : memref<322560xi32, #tpu.memory_space<hbm>> -> memref<10080xi32, #tpu.memory_space<hbm>>
      %dma_wait3A_20 = tpu.memref_slice %arg2[%mul3A_10] : memref<322560xi32, #tpu.memory_space<hbm>> -> memref<10080xi32, #tpu.memory_space<hbm>>
      tpu.wait_dma2 semaphore(%run_scoped3A : memref<!tpu.dma_semaphore, #tpu.memory_space<semaphore_mem>>) src(%dma_wait3A_20 : memref<10080xi32, #tpu.memory_space<hbm>>) dst(%arg4 : memref<10080xi32, #tpu.memory_space<vmem>>)
      tpu.yield
    }) : () -> ()
    %broadcast_in_dim3A = arith.constant 1.000000e+00 : f32
    %broadcast_in_dim3A_11 = vector.broadcast %broadcast_in_dim3A : f32 to vector<16xf32>
    %scan3A_12 = arith.constant 0 : i32
    %scan3A_13 = arith.constant 0 : i32
    %scan3A_14 = arith.constant 630 : i32
    %scan3A_15 = arith.addi %scan3A_13, %scan3A_14 : i32
    %scan3A_16 = arith.constant 1 : i32
    %scan3A_17 = scf.for %scan3A_19 = %scan3A_13 to %scan3A_15 step %scan3A_16 iter_args(%scan3A_20 = %scan3A_12) -> (i32)  : i32 {
      %mul3A_21 = arith.constant 16 : i32
      %mul3A_22 = arith.muli %scan3A_19, %mul3A_21 : i32
      %get3A = arith.index_cast %mul3A_22 : i32 to index
      %get3A_23 = tpu.vector_load %arg4[%get3A] {strides = array<i32>} : memref<10080xi32, #tpu.memory_space<vmem>>, vector<16xi32>,
      tpu.vector_store_idx %arg5[%get3A_23], %broadcast_in_dim3A_11 {add = true} : memref<10112xf32, #tpu.memory_space<vmem>>[vector<16xi32>], vector<16xf32>,
      %scan3A_24 = arith.constant 0 : i32
      scf.yield %scan3A_24 : i32
    }
    %scan3A_18 = arith.constant 630 : i32
    "tpu.region"() ({
      %run_scoped3A = tpu.sem_alloc : memref<!tpu.dma_semaphore, #tpu.memory_space<semaphore_mem>>
      %dma_start3A = arith.constant 0 : i32
      %dma_start3A_19 = tpu.memref_slice %arg3[%add3A, %dma_start3A] : memref<32x10112xf32, #tpu.memory_space<hbm>> -> memref<1x10112xf32, #tpu.memory_space<hbm>>
      %dma_start3A_20 = tpu.memref_squeeze %dma_start3A_19 : memref<1x10112xf32, #tpu.memory_space<hbm>> -> memref<10112xf32, #tpu.memory_space<hbm>>
      %dma_start3A_21 = arith.constant 0 : i32
      %dma_start3A_22 = tpu.memref_slice %arg3[%add3A, %dma_start3A_21] : memref<32x10112xf32, #tpu.memory_space<hbm>> -> memref<1x10112xf32, #tpu.memory_space<hbm>>
      %dma_start3A_23 = tpu.memref_squeeze %dma_start3A_22 : memref<1x10112xf32, #tpu.memory_space<hbm>> -> memref<10112xf32, #tpu.memory_space<hbm>>
      tpu.enqueue_dma source(%arg5 : memref<10112xf32, #tpu.memory_space<vmem>>) target(%dma_start3A_23 : memref<10112xf32, #tpu.memory_space<hbm>>) target_semaphore(%run_scoped3A : memref<!tpu.dma_semaphore, #tpu.memory_space<semaphore_mem>>)
      %dma_wait3A = arith.constant 0 : i32
      %dma_wait3A_24 = tpu.memref_slice %arg3[%add3A, %dma_wait3A] : memref<32x10112xf32, #tpu.memory_space<hbm>> -> memref<1x10112xf32, #tpu.memory_space<hbm>>
      %dma_wait3A_25 = tpu.memref_squeeze %dma_wait3A_24 : memref<1x10112xf32, #tpu.memory_space<hbm>> -> memref<10112xf32, #tpu.memory_space<hbm>>
      %dma_wait3A_26 = arith.constant 0 : i32
      %dma_wait3A_27 = tpu.memref_slice %arg3[%add3A, %dma_wait3A_26] : memref<32x10112xf32, #tpu.memory_space<hbm>> -> memref<1x10112xf32, #tpu.memory_space<hbm>>
      %dma_wait3A_28 = tpu.memref_squeeze %dma_wait3A_27 : memref<1x10112xf32, #tpu.memory_space<hbm>> -> memref<10112xf32, #tpu.memory_space<hbm>>
      tpu.wait_dma2 semaphore(%run_scoped3A : memref<!tpu.dma_semaphore, #tpu.memory_space<semaphore_mem>>) src(%arg5 : memref<10112xf32, #tpu.memory_space<vmem>>) dst(%dma_wait3A_28 : memref<10112xf32, #tpu.memory_space<hbm>>)
      tpu.yield
    }) : () -> ()
    return
  }
}

#map = affine_map<(d0, d1) -> (0)>
#map1 = affine_map<(d0, d1) -> (0, 0)>
#map2 = affine_map<(d0, d1) -> (0, 0, 0)>
module attributes {stable_mosaic.version = 14 : i64} {
  func.func @scat_kernel(%arg0: i32, %arg1: i32, %arg2: memref<322560xi32, #tpu.memory_space<hbm>>, %arg3: memref<322560xi32, #tpu.memory_space<hbm>>, %arg4: memref<10000x128xf32, #tpu.memory_space<hbm>>, %arg5: memref<2x10112x128xf32, #tpu.memory_space<hbm>>, %arg6: memref<72xi32, #tpu.memory_space<vmem>>, %arg7: memref<72xi32, #tpu.memory_space<vmem>>, %arg8: memref<72xi32, #tpu.memory_space<vmem>>, %arg9: memref<72xi32, #tpu.memory_space<vmem>>, %arg10: memref<72xi32, #tpu.memory_space<vmem>>, %arg11: memref<72xi32, #tpu.memory_space<vmem>>, %arg12: memref<72xi32, #tpu.memory_space<vmem>>, %arg13: memref<72xi32, #tpu.memory_space<vmem>>, %arg14: memref<72xi32, #tpu.memory_space<vmem>>, %arg15: memref<72xi32, #tpu.memory_space<vmem>>, %arg16: memref<72xi32, #tpu.memory_space<vmem>>, %arg17: memref<72xi32, #tpu.memory_space<vmem>>, %arg18: memref<72xi32, #tpu.memory_space<vmem>>, %arg19: memref<72xi32, #tpu.memory_space<vmem>>, %arg20: memref<72xi32, #tpu.memory_space<vmem>>, %arg21: memref<72xi32, #tpu.memory_space<vmem>>, %arg22: memref<72xi32, #tpu.memory_space<vmem>>, %arg23: memref<72xi32, #tpu.memory_space<vmem>>, %arg24: memref<72xi32, #tpu.memory_space<vmem>>, %arg25: memref<72xi32, #tpu.memory_space<vmem>>, %arg26: memref<72x128xf32, #tpu.memory_space<vmem>>, %arg27: memref<72x128xf32, #tpu.memory_space<vmem>>, %arg28: memref<72x128xf32, #tpu.memory_space<vmem>>, %arg29: memref<72x128xf32, #tpu.memory_space<vmem>>, %arg30: memref<72x128xf32, #tpu.memory_space<vmem>>, %arg31: memref<10112x128xf32, #tpu.memory_space<vmem_shared>>, %arg32: memref<!tpu.dma_semaphore, #tpu.memory_space<semaphore_mem>>, %arg33: memref<!tpu.dma_semaphore, #tpu.memory_space<semaphore_mem>>, %arg34: memref<!tpu.dma_semaphore, #tpu.memory_space<semaphore_mem>>, %arg35: memref<!tpu.dma_semaphore, #tpu.memory_space<semaphore_mem>>, %arg36: memref<!tpu.dma_semaphore, #tpu.memory_space<semaphore_mem>>, %arg37: memref<!tpu.dma_semaphore, #tpu.memory_space<semaphore_mem>>, %arg38: memref<!tpu.dma_semaphore, #tpu.memory_space<semaphore_mem>>, %arg39: memref<!tpu.dma_semaphore, #tpu.memory_space<semaphore_mem>>, %arg40: memref<!tpu.dma_semaphore, #tpu.memory_space<semaphore_mem>>, %arg41: memref<!tpu.dma_semaphore, #tpu.memory_space<semaphore_mem>>, %arg42: memref<!tpu.dma_semaphore, #tpu.memory_space<semaphore_mem>>, %arg43: memref<!tpu.dma_semaphore, #tpu.memory_space<semaphore_mem>>, %arg44: memref<!tpu.dma_semaphore, #tpu.memory_space<semaphore_mem>>, %arg45: memref<!tpu.dma_semaphore, #tpu.memory_space<semaphore_mem>>, %arg46: memref<!tpu.dma_semaphore, #tpu.memory_space<semaphore_mem>>, %arg47: memref<!tpu.dma_semaphore, #tpu.memory_space<semaphore_mem>>, %arg48: memref<!tpu.dma_semaphore, #tpu.memory_space<semaphore_mem>>, %arg49: memref<!tpu.dma_semaphore, #tpu.memory_space<semaphore_mem>>, %arg50: memref<!tpu.dma_semaphore, #tpu.memory_space<semaphore_mem>>, %arg51: memref<!tpu.dma_semaphore, #tpu.memory_space<semaphore_mem>>, %arg52: memref<!tpu.dma_semaphore, #tpu.memory_space<semaphore_mem>>, %arg53: memref<!tpu.dma_semaphore, #tpu.memory_space<semaphore_mem>>, %arg54: memref<!tpu.dma_semaphore, #tpu.memory_space<semaphore_mem>>, %arg55: memref<!tpu.dma_semaphore, #tpu.memory_space<semaphore_mem>>, %arg56: memref<!tpu.dma_semaphore, #tpu.memory_space<semaphore_mem>>, %arg57: memref<!tpu.dma_semaphore, #tpu.memory_space<semaphore_mem>>, %arg58: memref<!tpu.dma_semaphore, #tpu.memory_space<semaphore_mem>>, %arg59: memref<!tpu.dma_semaphore, #tpu.memory_space<semaphore_mem>>, %arg60: memref<!tpu.dma_semaphore, #tpu.memory_space<semaphore_mem>>, %arg61: memref<!tpu.dma_semaphore, #tpu.memory_space<semaphore_mem>>) attributes {dimension_semantics = [#tpu.dimension_semantics<core_parallel>, #tpu.dimension_semantics<subcore_parallel>], iteration_bounds = array<i64: 2, 16>, scalar_prefetch = 0 : i64, scratch_operands = 56 : i64, tpu.core_type = #tpu.core_type<sc_vector_subcore>, window_params = [{transform_indices = #map}, {transform_indices = #map}, {transform_indices = #map1}, {transform_indices = #map2}]} {
    %mul3A = arith.constant 16 : i32
    %mul3A_0 = arith.muli %arg0, %mul3A : i32
    %add3A = arith.addi %mul3A_0, %arg1 : i32
    %scan3A = arith.constant 0 : i32
    %scan3A_1 = arith.constant 0 : i32
    %scan3A_2 = arith.constant 576 : i32
    %scan3A_3 = arith.addi %scan3A_1, %scan3A_2 : i32
    %scan3A_4 = arith.constant 1 : i32
    %scan3A_5 = scf.for %scan3A_758 = %scan3A_1 to %scan3A_3 step %scan3A_4 iter_args(%scan3A_759 = %scan3A) -> (i32)  : i32 {
      %jit3A = arith.constant 8 : i32
      %div3A = arith.divsi %scan3A_758, %jit3A : i32
      %sign3A = arith.constant 0 : i32
      %sign3A_760 = arith.cmpi sgt, %scan3A_758, %sign3A : i32
      %sign3A_761 = arith.extui %sign3A_760 : i1 to i32
      %sign3A_762 = arith.constant 0 : i32
      %sign3A_763 = arith.cmpi slt, %scan3A_758, %sign3A_762 : i32
      %sign3A_764 = arith.extui %sign3A_763 : i1 to i32
      %sign3A_765 = arith.subi %sign3A_761, %sign3A_764 : i32
      %sign3A_766 = arith.constant 0 : i32
      %sign3A_767 = arith.cmpi sgt, %jit3A, %sign3A_766 : i32
      %sign3A_768 = arith.extui %sign3A_767 : i1 to i32
      %sign3A_769 = arith.constant 0 : i32
      %sign3A_770 = arith.cmpi slt, %jit3A, %sign3A_769 : i32
      %sign3A_771 = arith.extui %sign3A_770 : i1 to i32
      %sign3A_772 = arith.subi %sign3A_768, %sign3A_771 : i32
      %ne3A = arith.cmpi ne, %sign3A_765, %sign3A_772 : i32
      %rem3A = arith.remsi %scan3A_758, %jit3A : i32
      %ne3A_773 = arith.constant 0 : i32
      %ne3A_774 = arith.cmpi ne, %rem3A, %ne3A_773 : i32
      %and3A = arith.andi %ne3A, %ne3A_774 : i1
      %sub3A = arith.constant 1 : i32
      %sub3A_775 = arith.subi %div3A, %sub3A : i32
      %select_n3A = arith.select %and3A, %sub3A_775, %div3A : i32
      %jit3A_776 = arith.constant 8 : i32
      %eq3A = arith.constant 0 : i32
      %eq3A_777 = arith.cmpi eq, %jit3A_776, %eq3A : i32
      %jit3A_778 = arith.constant 1 : i32
      %select_n3A_779 = arith.select %eq3A_777, %jit3A_778, %jit3A_776 : i32
      %rem3A_780 = arith.remsi %scan3A_758, %select_n3A_779 : i32
      %ne3A_781 = arith.constant 0 : i32
      %ne3A_782 = arith.cmpi ne, %rem3A_780, %ne3A_781 : i32
      %lt3A = arith.constant 0 : i32
      %lt3A_783 = arith.cmpi slt, %rem3A_780, %lt3A : i32
      %lt3A_784 = arith.constant 0 : i32
      %lt3A_785 = arith.cmpi slt, %select_n3A_779, %lt3A_784 : i32
      %ne3A_786 = arith.xori %lt3A_783, %lt3A_785 : i1
      %and3A_787 = arith.andi %ne3A_786, %ne3A_782 : i1
      %add3A_788 = arith.addi %rem3A_780, %select_n3A_779 : i32
      %select_n3A_789 = arith.select %and3A_787, %add3A_788, %rem3A_780 : i32
      %broadcast_in_dim3A = arith.constant 0.000000e+00 : f32
      %broadcast_in_dim3A_790 = vector.broadcast %broadcast_in_dim3A : f32 to vector<16xf32>
      %mul3A_791 = arith.constant 16 : i32
      %mul3A_792 = arith.muli %select_n3A_789, %mul3A_791 : i32
      %swap3A = arith.index_cast %select_n3A : i32 to index
      %swap3A_793 = arith.index_cast %mul3A_792 : i32 to index
      %swap3A_794 = tpu.vector_load %arg26[%swap3A, %swap3A_793] {strides = array<i32>} : memref<72x128xf32, #tpu.memory_space<vmem>>, vector<1x16xf32>,
      %swap3A_795 = vector.shape_cast %swap3A_794 : vector<1x16xf32> to vector<16xf32>
      %swap3A_796 = vector.shape_cast %broadcast_in_dim3A_790 : vector<16xf32> to vector<1x16xf32>
      tpu.vector_store %arg26[%swap3A, %swap3A_793], %swap3A_796 {strides = array<i32>} : memref<72x128xf32, #tpu.memory_space<vmem>>, vector<1x16xf32>,
      %scan3A_797 = arith.constant 0 : i32
      scf.yield %scan3A_797 : i32
    }
    %scan3A_6 = arith.constant 576 : i32
    %mul3A_7 = arith.constant 632 : i32
    %mul3A_8 = arith.muli %arg1, %mul3A_7 : i32
    %add3A_9 = arith.constant 0 : i32
    %add3A_10 = arith.addi %mul3A_8, %add3A_9 : i32
    "tpu.region"() ({
      %run_scoped3A = tpu.sem_alloc : memref<!tpu.dma_semaphore, #tpu.memory_space<semaphore_mem>>
      %dma_start3A_758 = arith.constant 0 : i32
      %dma_start3A_759 = tpu.memref_slice %arg31[%add3A_10, %dma_start3A_758] : memref<10112x128xf32, #tpu.memory_space<vmem_shared>> -> memref<72x128xf32, #tpu.memory_space<vmem_shared>>
      %dma_start3A_760 = arith.constant 0 : i32
      %dma_start3A_761 = tpu.memref_slice %arg31[%add3A_10, %dma_start3A_760] : memref<10112x128xf32, #tpu.memory_space<vmem_shared>> -> memref<72x128xf32, #tpu.memory_space<vmem_shared>>
      tpu.enqueue_dma source(%arg26 : memref<72x128xf32, #tpu.memory_space<vmem>>) target(%dma_start3A_761 : memref<72x128xf32, #tpu.memory_space<vmem_shared>>) target_semaphore(%run_scoped3A : memref<!tpu.dma_semaphore, #tpu.memory_space<semaphore_mem>>)
      %dma_wait3A_762 = arith.constant 0 : i32
      %dma_wait3A_763 = tpu.memref_slice %arg31[%add3A_10, %dma_wait3A_762] : memref<10112x128xf32, #tpu.memory_space<vmem_shared>> -> memref<72x128xf32, #tpu.memory_space<vmem_shared>>
      %dma_wait3A_764 = arith.constant 0 : i32
      %dma_wait3A_765 = tpu.memref_slice %arg31[%add3A_10, %dma_wait3A_764] : memref<10112x128xf32, #tpu.memory_space<vmem_shared>> -> memref<72x128xf32, #tpu.memory_space<vmem_shared>>
      tpu.wait_dma2 semaphore(%run_scoped3A : memref<!tpu.dma_semaphore, #tpu.memory_space<semaphore_mem>>) src(%arg26 : memref<72x128xf32, #tpu.memory_space<vmem>>) dst(%dma_wait3A_765 : memref<72x128xf32, #tpu.memory_space<vmem_shared>>)
      tpu.yield
    }) : () -> ()
    %add3A_11 = arith.constant 72 : i32
    %add3A_12 = arith.addi %mul3A_8, %add3A_11 : i32
    "tpu.region"() ({
      %run_scoped3A = tpu.sem_alloc : memref<!tpu.dma_semaphore, #tpu.memory_space<semaphore_mem>>
      %dma_start3A_758 = arith.constant 0 : i32
      %dma_start3A_759 = tpu.memref_slice %arg31[%add3A_12, %dma_start3A_758] : memref<10112x128xf32, #tpu.memory_space<vmem_shared>> -> memref<72x128xf32, #tpu.memory_space<vmem_shared>>
      %dma_start3A_760 = arith.constant 0 : i32
      %dma_start3A_761 = tpu.memref_slice %arg31[%add3A_12, %dma_start3A_760] : memref<10112x128xf32, #tpu.memory_space<vmem_shared>> -> memref<72x128xf32, #tpu.memory_space<vmem_shared>>
      tpu.enqueue_dma source(%arg26 : memref<72x128xf32, #tpu.memory_space<vmem>>) target(%dma_start3A_761 : memref<72x128xf32, #tpu.memory_space<vmem_shared>>) target_semaphore(%run_scoped3A : memref<!tpu.dma_semaphore, #tpu.memory_space<semaphore_mem>>)
      %dma_wait3A_762 = arith.constant 0 : i32
      %dma_wait3A_763 = tpu.memref_slice %arg31[%add3A_12, %dma_wait3A_762] : memref<10112x128xf32, #tpu.memory_space<vmem_shared>> -> memref<72x128xf32, #tpu.memory_space<vmem_shared>>
      %dma_wait3A_764 = arith.constant 0 : i32
      %dma_wait3A_765 = tpu.memref_slice %arg31[%add3A_12, %dma_wait3A_764] : memref<10112x128xf32, #tpu.memory_space<vmem_shared>> -> memref<72x128xf32, #tpu.memory_space<vmem_shared>>
      tpu.wait_dma2 semaphore(%run_scoped3A : memref<!tpu.dma_semaphore, #tpu.memory_space<semaphore_mem>>) src(%arg26 : memref<72x128xf32, #tpu.memory_space<vmem>>) dst(%dma_wait3A_765 : memref<72x128xf32, #tpu.memory_space<vmem_shared>>)
      tpu.yield
    }) : () -> ()
    %add3A_13 = arith.constant 144 : i32
    %add3A_14 = arith.addi %mul3A_8, %add3A_13 : i32
    "tpu.region"() ({
      %run_scoped3A = tpu.sem_alloc : memref<!tpu.dma_semaphore, #tpu.memory_space<semaphore_mem>>
      %dma_start3A_758 = arith.constant 0 : i32
      %dma_start3A_759 = tpu.memref_slice %arg31[%add3A_14, %dma_start3A_758] : memref<10112x128xf32, #tpu.memory_space<vmem_shared>> -> memref<72x128xf32, #tpu.memory_space<vmem_shared>>
      %dma_start3A_760 = arith.constant 0 : i32
      %dma_start3A_761 = tpu.memref_slice %arg31[%add3A_14, %dma_start3A_760] : memref<10112x128xf32, #tpu.memory_space<vmem_shared>> -> memref<72x128xf32, #tpu.memory_space<vmem_shared>>
      tpu.enqueue_dma source(%arg26 : memref<72x128xf32, #tpu.memory_space<vmem>>) target(%dma_start3A_761 : memref<72x128xf32, #tpu.memory_space<vmem_shared>>) target_semaphore(%run_scoped3A : memref<!tpu.dma_semaphore, #tpu.memory_space<semaphore_mem>>)
      %dma_wait3A_762 = arith.constant 0 : i32
      %dma_wait3A_763 = tpu.memref_slice %arg31[%add3A_14, %dma_wait3A_762] : memref<10112x128xf32, #tpu.memory_space<vmem_shared>> -> memref<72x128xf32, #tpu.memory_space<vmem_shared>>
      %dma_wait3A_764 = arith.constant 0 : i32
      %dma_wait3A_765 = tpu.memref_slice %arg31[%add3A_14, %dma_wait3A_764] : memref<10112x128xf32, #tpu.memory_space<vmem_shared>> -> memref<72x128xf32, #tpu.memory_space<vmem_shared>>
      tpu.wait_dma2 semaphore(%run_scoped3A : memref<!tpu.dma_semaphore, #tpu.memory_space<semaphore_mem>>) src(%arg26 : memref<72x128xf32, #tpu.memory_space<vmem>>) dst(%dma_wait3A_765 : memref<72x128xf32, #tpu.memory_space<vmem_shared>>)
      tpu.yield
    }) : () -> ()
    %add3A_15 = arith.constant 216 : i32
    %add3A_16 = arith.addi %mul3A_8, %add3A_15 : i32
    "tpu.region"() ({
      %run_scoped3A = tpu.sem_alloc : memref<!tpu.dma_semaphore, #tpu.memory_space<semaphore_mem>>
      %dma_start3A_758 = arith.constant 0 : i32
      %dma_start3A_759 = tpu.memref_slice %arg31[%add3A_16, %dma_start3A_758] : memref<10112x128xf32, #tpu.memory_space<vmem_shared>> -> memref<72x128xf32, #tpu.memory_space<vmem_shared>>
      %dma_start3A_760 = arith.constant 0 : i32
      %dma_start3A_761 = tpu.memref_slice %arg31[%add3A_16, %dma_start3A_760] : memref<10112x128xf32, #tpu.memory_space<vmem_shared>> -> memref<72x128xf32, #tpu.memory_space<vmem_shared>>
      tpu.enqueue_dma source(%arg26 : memref<72x128xf32, #tpu.memory_space<vmem>>) target(%dma_start3A_761 : memref<72x128xf32, #tpu.memory_space<vmem_shared>>) target_semaphore(%run_scoped3A : memref<!tpu.dma_semaphore, #tpu.memory_space<semaphore_mem>>)
      %dma_wait3A_762 = arith.constant 0 : i32
      %dma_wait3A_763 = tpu.memref_slice %arg31[%add3A_16, %dma_wait3A_762] : memref<10112x128xf32, #tpu.memory_space<vmem_shared>> -> memref<72x128xf32, #tpu.memory_space<vmem_shared>>
      %dma_wait3A_764 = arith.constant 0 : i32
      %dma_wait3A_765 = tpu.memref_slice %arg31[%add3A_16, %dma_wait3A_764] : memref<10112x128xf32, #tpu.memory_space<vmem_shared>> -> memref<72x128xf32, #tpu.memory_space<vmem_shared>>
      tpu.wait_dma2 semaphore(%run_scoped3A : memref<!tpu.dma_semaphore, #tpu.memory_space<semaphore_mem>>) src(%arg26 : memref<72x128xf32, #tpu.memory_space<vmem>>) dst(%dma_wait3A_765 : memref<72x128xf32, #tpu.memory_space<vmem_shared>>)
      tpu.yield
    }) : () -> ()
    %add3A_17 = arith.constant 288 : i32
    %add3A_18 = arith.addi %mul3A_8, %add3A_17 : i32
    "tpu.region"() ({
      %run_scoped3A = tpu.sem_alloc : memref<!tpu.dma_semaphore, #tpu.memory_space<semaphore_mem>>
      %dma_start3A_758 = arith.constant 0 : i32
      %dma_start3A_759 = tpu.memref_slice %arg31[%add3A_18, %dma_start3A_758] : memref<10112x128xf32, #tpu.memory_space<vmem_shared>> -> memref<72x128xf32, #tpu.memory_space<vmem_shared>>
      %dma_start3A_760 = arith.constant 0 : i32
      %dma_start3A_761 = tpu.memref_slice %arg31[%add3A_18, %dma_start3A_760] : memref<10112x128xf32, #tpu.memory_space<vmem_shared>> -> memref<72x128xf32, #tpu.memory_space<vmem_shared>>
      tpu.enqueue_dma source(%arg26 : memref<72x128xf32, #tpu.memory_space<vmem>>) target(%dma_start3A_761 : memref<72x128xf32, #tpu.memory_space<vmem_shared>>) target_semaphore(%run_scoped3A : memref<!tpu.dma_semaphore, #tpu.memory_space<semaphore_mem>>)
      %dma_wait3A_762 = arith.constant 0 : i32
      %dma_wait3A_763 = tpu.memref_slice %arg31[%add3A_18, %dma_wait3A_762] : memref<10112x128xf32, #tpu.memory_space<vmem_shared>> -> memref<72x128xf32, #tpu.memory_space<vmem_shared>>
      %dma_wait3A_764 = arith.constant 0 : i32
      %dma_wait3A_765 = tpu.memref_slice %arg31[%add3A_18, %dma_wait3A_764] : memref<10112x128xf32, #tpu.memory_space<vmem_shared>> -> memref<72x128xf32, #tpu.memory_space<vmem_shared>>
      tpu.wait_dma2 semaphore(%run_scoped3A : memref<!tpu.dma_semaphore, #tpu.memory_space<semaphore_mem>>) src(%arg26 : memref<72x128xf32, #tpu.memory_space<vmem>>) dst(%dma_wait3A_765 : memref<72x128xf32, #tpu.memory_space<vmem_shared>>)
      tpu.yield
    }) : () -> ()
    %add3A_19 = arith.constant 360 : i32
    %add3A_20 = arith.addi %mul3A_8, %add3A_19 : i32
    "tpu.region"() ({
      %run_scoped3A = tpu.sem_alloc : memref<!tpu.dma_semaphore, #tpu.memory_space<semaphore_mem>>
      %dma_start3A_758 = arith.constant 0 : i32
      %dma_start3A_759 = tpu.memref_slice %arg31[%add3A_20, %dma_start3A_758] : memref<10112x128xf32, #tpu.memory_space<vmem_shared>> -> memref<72x128xf32, #tpu.memory_space<vmem_shared>>
      %dma_start3A_760 = arith.constant 0 : i32
      %dma_start3A_761 = tpu.memref_slice %arg31[%add3A_20, %dma_start3A_760] : memref<10112x128xf32, #tpu.memory_space<vmem_shared>> -> memref<72x128xf32, #tpu.memory_space<vmem_shared>>
      tpu.enqueue_dma source(%arg26 : memref<72x128xf32, #tpu.memory_space<vmem>>) target(%dma_start3A_761 : memref<72x128xf32, #tpu.memory_space<vmem_shared>>) target_semaphore(%run_scoped3A : memref<!tpu.dma_semaphore, #tpu.memory_space<semaphore_mem>>)
      %dma_wait3A_762 = arith.constant 0 : i32
      %dma_wait3A_763 = tpu.memref_slice %arg31[%add3A_20, %dma_wait3A_762] : memref<10112x128xf32, #tpu.memory_space<vmem_shared>> -> memref<72x128xf32, #tpu.memory_space<vmem_shared>>
      %dma_wait3A_764 = arith.constant 0 : i32
      %dma_wait3A_765 = tpu.memref_slice %arg31[%add3A_20, %dma_wait3A_764] : memref<10112x128xf32, #tpu.memory_space<vmem_shared>> -> memref<72x128xf32, #tpu.memory_space<vmem_shared>>
      tpu.wait_dma2 semaphore(%run_scoped3A : memref<!tpu.dma_semaphore, #tpu.memory_space<semaphore_mem>>) src(%arg26 : memref<72x128xf32, #tpu.memory_space<vmem>>) dst(%dma_wait3A_765 : memref<72x128xf32, #tpu.memory_space<vmem_shared>>)
      tpu.yield
    }) : () -> ()
    %add3A_21 = arith.constant 432 : i32
    %add3A_22 = arith.addi %mul3A_8, %add3A_21 : i32
    "tpu.region"() ({
      %run_scoped3A = tpu.sem_alloc : memref<!tpu.dma_semaphore, #tpu.memory_space<semaphore_mem>>
      %dma_start3A_758 = arith.constant 0 : i32
      %dma_start3A_759 = tpu.memref_slice %arg31[%add3A_22, %dma_start3A_758] : memref<10112x128xf32, #tpu.memory_space<vmem_shared>> -> memref<72x128xf32, #tpu.memory_space<vmem_shared>>
      %dma_start3A_760 = arith.constant 0 : i32
      %dma_start3A_761 = tpu.memref_slice %arg31[%add3A_22, %dma_start3A_760] : memref<10112x128xf32, #tpu.memory_space<vmem_shared>> -> memref<72x128xf32, #tpu.memory_space<vmem_shared>>
      tpu.enqueue_dma source(%arg26 : memref<72x128xf32, #tpu.memory_space<vmem>>) target(%dma_start3A_761 : memref<72x128xf32, #tpu.memory_space<vmem_shared>>) target_semaphore(%run_scoped3A : memref<!tpu.dma_semaphore, #tpu.memory_space<semaphore_mem>>)
      %dma_wait3A_762 = arith.constant 0 : i32
      %dma_wait3A_763 = tpu.memref_slice %arg31[%add3A_22, %dma_wait3A_762] : memref<10112x128xf32, #tpu.memory_space<vmem_shared>> -> memref<72x128xf32, #tpu.memory_space<vmem_shared>>
      %dma_wait3A_764 = arith.constant 0 : i32
      %dma_wait3A_765 = tpu.memref_slice %arg31[%add3A_22, %dma_wait3A_764] : memref<10112x128xf32, #tpu.memory_space<vmem_shared>> -> memref<72x128xf32, #tpu.memory_space<vmem_shared>>
      tpu.wait_dma2 semaphore(%run_scoped3A : memref<!tpu.dma_semaphore, #tpu.memory_space<semaphore_mem>>) src(%arg26 : memref<72x128xf32, #tpu.memory_space<vmem>>) dst(%dma_wait3A_765 : memref<72x128xf32, #tpu.memory_space<vmem_shared>>)
      tpu.yield
    }) : () -> ()
    %add3A_23 = arith.constant 504 : i32
    %add3A_24 = arith.addi %mul3A_8, %add3A_23 : i32
    "tpu.region"() ({
      %run_scoped3A = tpu.sem_alloc : memref<!tpu.dma_semaphore, #tpu.memory_space<semaphore_mem>>
      %dma_start3A_758 = arith.constant 0 : i32
      %dma_start3A_759 = tpu.memref_slice %arg31[%add3A_24, %dma_start3A_758] : memref<10112x128xf32, #tpu.memory_space<vmem_shared>> -> memref<72x128xf32, #tpu.memory_space<vmem_shared>>
      %dma_start3A_760 = arith.constant 0 : i32
      %dma_start3A_761 = tpu.memref_slice %arg31[%add3A_24, %dma_start3A_760] : memref<10112x128xf32, #tpu.memory_space<vmem_shared>> -> memref<72x128xf32, #tpu.memory_space<vmem_shared>>
      tpu.enqueue_dma source(%arg26 : memref<72x128xf32, #tpu.memory_space<vmem>>) target(%dma_start3A_761 : memref<72x128xf32, #tpu.memory_space<vmem_shared>>) target_semaphore(%run_scoped3A : memref<!tpu.dma_semaphore, #tpu.memory_space<semaphore_mem>>)
      %dma_wait3A_762 = arith.constant 0 : i32
      %dma_wait3A_763 = tpu.memref_slice %arg31[%add3A_24, %dma_wait3A_762] : memref<10112x128xf32, #tpu.memory_space<vmem_shared>> -> memref<72x128xf32, #tpu.memory_space<vmem_shared>>
      %dma_wait3A_764 = arith.constant 0 : i32
      %dma_wait3A_765 = tpu.memref_slice %arg31[%add3A_24, %dma_wait3A_764] : memref<10112x128xf32, #tpu.memory_space<vmem_shared>> -> memref<72x128xf32, #tpu.memory_space<vmem_shared>>
      tpu.wait_dma2 semaphore(%run_scoped3A : memref<!tpu.dma_semaphore, #tpu.memory_space<semaphore_mem>>) src(%arg26 : memref<72x128xf32, #tpu.memory_space<vmem>>) dst(%dma_wait3A_765 : memref<72x128xf32, #tpu.memory_space<vmem_shared>>)
      tpu.yield
    }) : () -> ()
    %add3A_25 = arith.constant 576 : i32
    %add3A_26 = arith.addi %mul3A_8, %add3A_25 : i32
    "tpu.region"() ({
      %run_scoped3A = tpu.sem_alloc : memref<!tpu.dma_semaphore, #tpu.memory_space<semaphore_mem>>
      %dma_start3A_758 = arith.constant 0 : i32
      %dma_start3A_759 = arith.constant 0 : i32
      %dma_start3A_760 = tpu.memref_slice %arg26[%dma_start3A_758, %dma_start3A_759] : memref<72x128xf32, #tpu.memory_space<vmem>> -> memref<56x128xf32, #tpu.memory_space<vmem>>
      %dma_start3A_761 = arith.constant 0 : i32
      %dma_start3A_762 = tpu.memref_slice %arg31[%add3A_26, %dma_start3A_761] : memref<10112x128xf32, #tpu.memory_space<vmem_shared>> -> memref<56x128xf32, #tpu.memory_space<vmem_shared>>
      %dma_start3A_763 = arith.constant 0 : i32
      %dma_start3A_764 = tpu.memref_slice %arg31[%add3A_26, %dma_start3A_763] : memref<10112x128xf32, #tpu.memory_space<vmem_shared>> -> memref<56x128xf32, #tpu.memory_space<vmem_shared>>
      %dma_start3A_765 = arith.constant 0 : i32
      %dma_start3A_766 = arith.constant 0 : i32
      %dma_start3A_767 = tpu.memref_slice %arg26[%dma_start3A_765, %dma_start3A_766] : memref<72x128xf32, #tpu.memory_space<vmem>> -> memref<56x128xf32, #tpu.memory_space<vmem>>
      tpu.enqueue_dma source(%dma_start3A_767 : memref<56x128xf32, #tpu.memory_space<vmem>>) target(%dma_start3A_764 : memref<56x128xf32, #tpu.memory_space<vmem_shared>>) target_semaphore(%run_scoped3A : memref<!tpu.dma_semaphore, #tpu.memory_space<semaphore_mem>>)
      %dma_wait3A_768 = arith.constant 0 : i32
      %dma_wait3A_769 = arith.constant 0 : i32
      %dma_wait3A_770 = tpu.memref_slice %arg26[%dma_wait3A_768, %dma_wait3A_769] : memref<72x128xf32, #tpu.memory_space<vmem>> -> memref<56x128xf32, #tpu.memory_space<vmem>>
      %dma_wait3A_771 = arith.constant 0 : i32
      %dma_wait3A_772 = tpu.memref_slice %arg31[%add3A_26, %dma_wait3A_771] : memref<10112x128xf32, #tpu.memory_space<vmem_shared>> -> memref<56x128xf32, #tpu.memory_space<vmem_shared>>
      %dma_wait3A_773 = arith.constant 0 : i32
      %dma_wait3A_774 = tpu.memref_slice %arg31[%add3A_26, %dma_wait3A_773] : memref<10112x128xf32, #tpu.memory_space<vmem_shared>> -> memref<56x128xf32, #tpu.memory_space<vmem_shared>>
      %dma_wait3A_775 = arith.constant 0 : i32
      %dma_wait3A_776 = arith.constant 0 : i32
      %dma_wait3A_777 = tpu.memref_slice %arg26[%dma_wait3A_775, %dma_wait3A_776] : memref<72x128xf32, #tpu.memory_space<vmem>> -> memref<56x128xf32, #tpu.memory_space<vmem>>
      tpu.wait_dma2 semaphore(%run_scoped3A : memref<!tpu.dma_semaphore, #tpu.memory_space<semaphore_mem>>) src(%dma_wait3A_777 : memref<56x128xf32, #tpu.memory_space<vmem>>) dst(%dma_wait3A_774 : memref<56x128xf32, #tpu.memory_space<vmem_shared>>)
      tpu.yield
    }) : () -> ()
    %barrier3A = arith.constant 0 : index
    tpu.barrier barrier_id(%barrier3A)
    %mul3A_27 = arith.constant 140 : i32
    %mul3A_28 = arith.muli %add3A, %mul3A_27 : i32
    %add3A_29 = arith.constant 0 : i32
    %add3A_30 = arith.addi %mul3A_28, %add3A_29 : i32
    %mul3A_31 = arith.constant 72 : i32
    %mul3A_32 = arith.muli %add3A_30, %mul3A_31 : i32
    %multiple_of3A = tpu.assume_multiple %mul3A_32, 8 : i32
    %dma_start3A = tpu.memref_slice %arg2[%multiple_of3A] : memref<322560xi32, #tpu.memory_space<hbm>> -> memref<72xi32, #tpu.memory_space<hbm>>
    %dma_start3A_33 = tpu.memref_slice %arg2[%multiple_of3A] : memref<322560xi32, #tpu.memory_space<hbm>> -> memref<72xi32, #tpu.memory_space<hbm>>
    tpu.enqueue_dma source(%dma_start3A_33 : memref<72xi32, #tpu.memory_space<hbm>>) target(%arg6 : memref<72xi32, #tpu.memory_space<vmem>>) target_semaphore(%arg42 : memref<!tpu.dma_semaphore, #tpu.memory_space<semaphore_mem>>)
    %add3A_34 = arith.constant 0 : i32
    %add3A_35 = arith.addi %mul3A_28, %add3A_34 : i32
    %mul3A_36 = arith.constant 72 : i32
    %mul3A_37 = arith.muli %add3A_35, %mul3A_36 : i32
    %multiple_of3A_38 = tpu.assume_multiple %mul3A_37, 8 : i32
    %dma_start3A_39 = tpu.memref_slice %arg3[%multiple_of3A_38] : memref<322560xi32, #tpu.memory_space<hbm>> -> memref<72xi32, #tpu.memory_space<hbm>>
    %dma_start3A_40 = tpu.memref_slice %arg3[%multiple_of3A_38] : memref<322560xi32, #tpu.memory_space<hbm>> -> memref<72xi32, #tpu.memory_space<hbm>>
    tpu.enqueue_dma source(%dma_start3A_40 : memref<72xi32, #tpu.memory_space<hbm>>) target(%arg16 : memref<72xi32, #tpu.memory_space<vmem>>) target_semaphore(%arg52 : memref<!tpu.dma_semaphore, #tpu.memory_space<semaphore_mem>>)
    %add3A_41 = arith.constant 1 : i32
    %add3A_42 = arith.addi %mul3A_28, %add3A_41 : i32
    %mul3A_43 = arith.constant 72 : i32
    %mul3A_44 = arith.muli %add3A_42, %mul3A_43 : i32
    %multiple_of3A_45 = tpu.assume_multiple %mul3A_44, 8 : i32
    %dma_start3A_46 = tpu.memref_slice %arg2[%multiple_of3A_45] : memref<322560xi32, #tpu.memory_space<hbm>> -> memref<72xi32, #tpu.memory_space<hbm>>
    %dma_start3A_47 = tpu.memref_slice %arg2[%multiple_of3A_45] : memref<322560xi32, #tpu.memory_space<hbm>> -> memref<72xi32, #tpu.memory_space<hbm>>
    tpu.enqueue_dma source(%dma_start3A_47 : memref<72xi32, #tpu.memory_space<hbm>>) target(%arg7 : memref<72xi32, #tpu.memory_space<vmem>>) target_semaphore(%arg43 : memref<!tpu.dma_semaphore, #tpu.memory_space<semaphore_mem>>)
    %add3A_48 = arith.constant 1 : i32
    %add3A_49 = arith.addi %mul3A_28, %add3A_48 : i32
    %mul3A_50 = arith.constant 72 : i32
    %mul3A_51 = arith.muli %add3A_49, %mul3A_50 : i32
    %multiple_of3A_52 = tpu.assume_multiple %mul3A_51, 8 : i32
    %dma_start3A_53 = tpu.memref_slice %arg3[%multiple_of3A_52] : memref<322560xi32, #tpu.memory_space<hbm>> -> memref<72xi32, #tpu.memory_space<hbm>>
    %dma_start3A_54 = tpu.memref_slice %arg3[%multiple_of3A_52] : memref<322560xi32, #tpu.memory_space<hbm>> -> memref<72xi32, #tpu.memory_space<hbm>>
    tpu.enqueue_dma source(%dma_start3A_54 : memref<72xi32, #tpu.memory_space<hbm>>) target(%arg17 : memref<72xi32, #tpu.memory_space<vmem>>) target_semaphore(%arg53 : memref<!tpu.dma_semaphore, #tpu.memory_space<semaphore_mem>>)
    %add3A_55 = arith.constant 2 : i32
    %add3A_56 = arith.addi %mul3A_28, %add3A_55 : i32
    %mul3A_57 = arith.constant 72 : i32
    %mul3A_58 = arith.muli %add3A_56, %mul3A_57 : i32
    %multiple_of3A_59 = tpu.assume_multiple %mul3A_58, 8 : i32
    %dma_start3A_60 = tpu.memref_slice %arg2[%multiple_of3A_59] : memref<322560xi32, #tpu.memory_space<hbm>> -> memref<72xi32, #tpu.memory_space<hbm>>
    %dma_start3A_61 = tpu.memref_slice %arg2[%multiple_of3A_59] : memref<322560xi32, #tpu.memory_space<hbm>> -> memref<72xi32, #tpu.memory_space<hbm>>
    tpu.enqueue_dma source(%dma_start3A_61 : memref<72xi32, #tpu.memory_space<hbm>>) target(%arg8 : memref<72xi32, #tpu.memory_space<vmem>>) target_semaphore(%arg44 : memref<!tpu.dma_semaphore, #tpu.memory_space<semaphore_mem>>)
    %add3A_62 = arith.constant 2 : i32
    %add3A_63 = arith.addi %mul3A_28, %add3A_62 : i32
    %mul3A_64 = arith.constant 72 : i32
    %mul3A_65 = arith.muli %add3A_63, %mul3A_64 : i32
    %multiple_of3A_66 = tpu.assume_multiple %mul3A_65, 8 : i32
    %dma_start3A_67 = tpu.memref_slice %arg3[%multiple_of3A_66] : memref<322560xi32, #tpu.memory_space<hbm>> -> memref<72xi32, #tpu.memory_space<hbm>>
    %dma_start3A_68 = tpu.memref_slice %arg3[%multiple_of3A_66] : memref<322560xi32, #tpu.memory_space<hbm>> -> memref<72xi32, #tpu.memory_space<hbm>>
    tpu.enqueue_dma source(%dma_start3A_68 : memref<72xi32, #tpu.memory_space<hbm>>) target(%arg18 : memref<72xi32, #tpu.memory_space<vmem>>) target_semaphore(%arg54 : memref<!tpu.dma_semaphore, #tpu.memory_space<semaphore_mem>>)
    %add3A_69 = arith.constant 3 : i32
    %add3A_70 = arith.addi %mul3A_28, %add3A_69 : i32
    %mul3A_71 = arith.constant 72 : i32
    %mul3A_72 = arith.muli %add3A_70, %mul3A_71 : i32
    %multiple_of3A_73 = tpu.assume_multiple %mul3A_72, 8 : i32
    %dma_start3A_74 = tpu.memref_slice %arg2[%multiple_of3A_73] : memref<322560xi32, #tpu.memory_space<hbm>> -> memref<72xi32, #tpu.memory_space<hbm>>
    %dma_start3A_75 = tpu.memref_slice %arg2[%multiple_of3A_73] : memref<322560xi32, #tpu.memory_space<hbm>> -> memref<72xi32, #tpu.memory_space<hbm>>
    tpu.enqueue_dma source(%dma_start3A_75 : memref<72xi32, #tpu.memory_space<hbm>>) target(%arg9 : memref<72xi32, #tpu.memory_space<vmem>>) target_semaphore(%arg45 : memref<!tpu.dma_semaphore, #tpu.memory_space<semaphore_mem>>)
    %add3A_76 = arith.constant 3 : i32
    %add3A_77 = arith.addi %mul3A_28, %add3A_76 : i32
    %mul3A_78 = arith.constant 72 : i32
    %mul3A_79 = arith.muli %add3A_77, %mul3A_78 : i32
    %multiple_of3A_80 = tpu.assume_multiple %mul3A_79, 8 : i32
    %dma_start3A_81 = tpu.memref_slice %arg3[%multiple_of3A_80] : memref<322560xi32, #tpu.memory_space<hbm>> -> memref<72xi32, #tpu.memory_space<hbm>>
    %dma_start3A_82 = tpu.memref_slice %arg3[%multiple_of3A_80] : memref<322560xi32, #tpu.memory_space<hbm>> -> memref<72xi32, #tpu.memory_space<hbm>>
    tpu.enqueue_dma source(%dma_start3A_82 : memref<72xi32, #tpu.memory_space<hbm>>) target(%arg19 : memref<72xi32, #tpu.memory_space<vmem>>) target_semaphore(%arg55 : memref<!tpu.dma_semaphore, #tpu.memory_space<semaphore_mem>>)
    %add3A_83 = arith.constant 4 : i32
    %add3A_84 = arith.addi %mul3A_28, %add3A_83 : i32
    %mul3A_85 = arith.constant 72 : i32
    %mul3A_86 = arith.muli %add3A_84, %mul3A_85 : i32
    %multiple_of3A_87 = tpu.assume_multiple %mul3A_86, 8 : i32
    %dma_start3A_88 = tpu.memref_slice %arg2[%multiple_of3A_87] : memref<322560xi32, #tpu.memory_space<hbm>> -> memref<72xi32, #tpu.memory_space<hbm>>
    %dma_start3A_89 = tpu.memref_slice %arg2[%multiple_of3A_87] : memref<322560xi32, #tpu.memory_space<hbm>> -> memref<72xi32, #tpu.memory_space<hbm>>
    tpu.enqueue_dma source(%dma_start3A_89 : memref<72xi32, #tpu.memory_space<hbm>>) target(%arg10 : memref<72xi32, #tpu.memory_space<vmem>>) target_semaphore(%arg46 : memref<!tpu.dma_semaphore, #tpu.memory_space<semaphore_mem>>)
    %add3A_90 = arith.constant 4 : i32
    %add3A_91 = arith.addi %mul3A_28, %add3A_90 : i32
    %mul3A_92 = arith.constant 72 : i32
    %mul3A_93 = arith.muli %add3A_91, %mul3A_92 : i32
    %multiple_of3A_94 = tpu.assume_multiple %mul3A_93, 8 : i32
    %dma_start3A_95 = tpu.memref_slice %arg3[%multiple_of3A_94] : memref<322560xi32, #tpu.memory_space<hbm>> -> memref<72xi32, #tpu.memory_space<hbm>>
    %dma_start3A_96 = tpu.memref_slice %arg3[%multiple_of3A_94] : memref<322560xi32, #tpu.memory_space<hbm>> -> memref<72xi32, #tpu.memory_space<hbm>>
    tpu.enqueue_dma source(%dma_start3A_96 : memref<72xi32, #tpu.memory_space<hbm>>) target(%arg20 : memref<72xi32, #tpu.memory_space<vmem>>) target_semaphore(%arg56 : memref<!tpu.dma_semaphore, #tpu.memory_space<semaphore_mem>>)
    %add3A_97 = arith.constant 5 : i32
    %add3A_98 = arith.addi %mul3A_28, %add3A_97 : i32
    %mul3A_99 = arith.constant 72 : i32
    %mul3A_100 = arith.muli %add3A_98, %mul3A_99 : i32
    %multiple_of3A_101 = tpu.assume_multiple %mul3A_100, 8 : i32
    %dma_start3A_102 = tpu.memref_slice %arg2[%multiple_of3A_101] : memref<322560xi32, #tpu.memory_space<hbm>> -> memref<72xi32, #tpu.memory_space<hbm>>
    %dma_start3A_103 = tpu.memref_slice %arg2[%multiple_of3A_101] : memref<322560xi32, #tpu.memory_space<hbm>> -> memref<72xi32, #tpu.memory_space<hbm>>
    tpu.enqueue_dma source(%dma_start3A_103 : memref<72xi32, #tpu.memory_space<hbm>>) target(%arg11 : memref<72xi32, #tpu.memory_space<vmem>>) target_semaphore(%arg47 : memref<!tpu.dma_semaphore, #tpu.memory_space<semaphore_mem>>)
    %add3A_104 = arith.constant 5 : i32
    %add3A_105 = arith.addi %mul3A_28, %add3A_104 : i32
    %mul3A_106 = arith.constant 72 : i32
    %mul3A_107 = arith.muli %add3A_105, %mul3A_106 : i32
    %multiple_of3A_108 = tpu.assume_multiple %mul3A_107, 8 : i32
    %dma_start3A_109 = tpu.memref_slice %arg3[%multiple_of3A_108] : memref<322560xi32, #tpu.memory_space<hbm>> -> memref<72xi32, #tpu.memory_space<hbm>>
    %dma_start3A_110 = tpu.memref_slice %arg3[%multiple_of3A_108] : memref<322560xi32, #tpu.memory_space<hbm>> -> memref<72xi32, #tpu.memory_space<hbm>>
    tpu.enqueue_dma source(%dma_start3A_110 : memref<72xi32, #tpu.memory_space<hbm>>) target(%arg21 : memref<72xi32, #tpu.memory_space<vmem>>) target_semaphore(%arg57 : memref<!tpu.dma_semaphore, #tpu.memory_space<semaphore_mem>>)
    %add3A_111 = arith.constant 6 : i32
    %add3A_112 = arith.addi %mul3A_28, %add3A_111 : i32
    %mul3A_113 = arith.constant 72 : i32
    %mul3A_114 = arith.muli %add3A_112, %mul3A_113 : i32
    %multiple_of3A_115 = tpu.assume_multiple %mul3A_114, 8 : i32
    %dma_start3A_116 = tpu.memref_slice %arg2[%multiple_of3A_115] : memref<322560xi32, #tpu.memory_space<hbm>> -> memref<72xi32, #tpu.memory_space<hbm>>
    %dma_start3A_117 = tpu.memref_slice %arg2[%multiple_of3A_115] : memref<322560xi32, #tpu.memory_space<hbm>> -> memref<72xi32, #tpu.memory_space<hbm>>
    tpu.enqueue_dma source(%dma_start3A_117 : memref<72xi32, #tpu.memory_space<hbm>>) target(%arg12 : memref<72xi32, #tpu.memory_space<vmem>>) target_semaphore(%arg48 : memref<!tpu.dma_semaphore, #tpu.memory_space<semaphore_mem>>)
    %add3A_118 = arith.constant 6 : i32
    %add3A_119 = arith.addi %mul3A_28, %add3A_118 : i32
    %mul3A_120 = arith.constant 72 : i32
    %mul3A_121 = arith.muli %add3A_119, %mul3A_120 : i32
    %multiple_of3A_122 = tpu.assume_multiple %mul3A_121, 8 : i32
    %dma_start3A_123 = tpu.memref_slice %arg3[%multiple_of3A_122] : memref<322560xi32, #tpu.memory_space<hbm>> -> memref<72xi32, #tpu.memory_space<hbm>>
    %dma_start3A_124 = tpu.memref_slice %arg3[%multiple_of3A_122] : memref<322560xi32, #tpu.memory_space<hbm>> -> memref<72xi32, #tpu.memory_space<hbm>>
    tpu.enqueue_dma source(%dma_start3A_124 : memref<72xi32, #tpu.memory_space<hbm>>) target(%arg22 : memref<72xi32, #tpu.memory_space<vmem>>) target_semaphore(%arg58 : memref<!tpu.dma_semaphore, #tpu.memory_space<semaphore_mem>>)
    %add3A_125 = arith.constant 7 : i32
    %add3A_126 = arith.addi %mul3A_28, %add3A_125 : i32
    %mul3A_127 = arith.constant 72 : i32
    %mul3A_128 = arith.muli %add3A_126, %mul3A_127 : i32
    %multiple_of3A_129 = tpu.assume_multiple %mul3A_128, 8 : i32
    %dma_start3A_130 = tpu.memref_slice %arg2[%multiple_of3A_129] : memref<322560xi32, #tpu.memory_space<hbm>> -> memref<72xi32, #tpu.memory_space<hbm>>
    %dma_start3A_131 = tpu.memref_slice %arg2[%multiple_of3A_129] : memref<322560xi32, #tpu.memory_space<hbm>> -> memref<72xi32, #tpu.memory_space<hbm>>
    tpu.enqueue_dma source(%dma_start3A_131 : memref<72xi32, #tpu.memory_space<hbm>>) target(%arg13 : memref<72xi32, #tpu.memory_space<vmem>>) target_semaphore(%arg49 : memref<!tpu.dma_semaphore, #tpu.memory_space<semaphore_mem>>)
    %add3A_132 = arith.constant 7 : i32
    %add3A_133 = arith.addi %mul3A_28, %add3A_132 : i32
    %mul3A_134 = arith.constant 72 : i32
    %mul3A_135 = arith.muli %add3A_133, %mul3A_134 : i32
    %multiple_of3A_136 = tpu.assume_multiple %mul3A_135, 8 : i32
    %dma_start3A_137 = tpu.memref_slice %arg3[%multiple_of3A_136] : memref<322560xi32, #tpu.memory_space<hbm>> -> memref<72xi32, #tpu.memory_space<hbm>>
    %dma_start3A_138 = tpu.memref_slice %arg3[%multiple_of3A_136] : memref<322560xi32, #tpu.memory_space<hbm>> -> memref<72xi32, #tpu.memory_space<hbm>>
    tpu.enqueue_dma source(%dma_start3A_138 : memref<72xi32, #tpu.memory_space<hbm>>) target(%arg23 : memref<72xi32, #tpu.memory_space<vmem>>) target_semaphore(%arg59 : memref<!tpu.dma_semaphore, #tpu.memory_space<semaphore_mem>>)
    %add3A_139 = arith.constant 8 : i32
    %add3A_140 = arith.addi %mul3A_28, %add3A_139 : i32
    %mul3A_141 = arith.constant 72 : i32
    %mul3A_142 = arith.muli %add3A_140, %mul3A_141 : i32
    %multiple_of3A_143 = tpu.assume_multiple %mul3A_142, 8 : i32
    %dma_start3A_144 = tpu.memref_slice %arg2[%multiple_of3A_143] : memref<322560xi32, #tpu.memory_space<hbm>> -> memref<72xi32, #tpu.memory_space<hbm>>
    %dma_start3A_145 = tpu.memref_slice %arg2[%multiple_of3A_143] : memref<322560xi32, #tpu.memory_space<hbm>> -> memref<72xi32, #tpu.memory_space<hbm>>
    tpu.enqueue_dma source(%dma_start3A_145 : memref<72xi32, #tpu.memory_space<hbm>>) target(%arg14 : memref<72xi32, #tpu.memory_space<vmem>>) target_semaphore(%arg50 : memref<!tpu.dma_semaphore, #tpu.memory_space<semaphore_mem>>)
    %add3A_146 = arith.constant 8 : i32
    %add3A_147 = arith.addi %mul3A_28, %add3A_146 : i32
    %mul3A_148 = arith.constant 72 : i32
    %mul3A_149 = arith.muli %add3A_147, %mul3A_148 : i32
    %multiple_of3A_150 = tpu.assume_multiple %mul3A_149, 8 : i32
    %dma_start3A_151 = tpu.memref_slice %arg3[%multiple_of3A_150] : memref<322560xi32, #tpu.memory_space<hbm>> -> memref<72xi32, #tpu.memory_space<hbm>>
    %dma_start3A_152 = tpu.memref_slice %arg3[%multiple_of3A_150] : memref<322560xi32, #tpu.memory_space<hbm>> -> memref<72xi32, #tpu.memory_space<hbm>>
    tpu.enqueue_dma source(%dma_start3A_152 : memref<72xi32, #tpu.memory_space<hbm>>) target(%arg24 : memref<72xi32, #tpu.memory_space<vmem>>) target_semaphore(%arg60 : memref<!tpu.dma_semaphore, #tpu.memory_space<semaphore_mem>>)
    %dma_wait3A = arith.constant 0 : i32
    %dma_wait3A_153 = tpu.memref_slice %arg2[%dma_wait3A] : memref<322560xi32, #tpu.memory_space<hbm>> -> memref<72xi32, #tpu.memory_space<hbm>>
    %dma_wait3A_154 = arith.constant 0 : i32
    %dma_wait3A_155 = tpu.memref_slice %arg2[%dma_wait3A_154] : memref<322560xi32, #tpu.memory_space<hbm>> -> memref<72xi32, #tpu.memory_space<hbm>>
    tpu.wait_dma2 semaphore(%arg42 : memref<!tpu.dma_semaphore, #tpu.memory_space<semaphore_mem>>) src(%dma_wait3A_155 : memref<72xi32, #tpu.memory_space<hbm>>) dst(%arg6 : memref<72xi32, #tpu.memory_space<vmem>>)
    %dma_start3A_156 = arith.constant 0 : i32
    %dma_start3A_157 = arith.constant 0 : i32
    %dma_start3A_158 = tpu.memref_slice %arg4[%dma_start3A_156, %dma_start3A_157] : memref<10000x128xf32, #tpu.memory_space<hbm>> -> memref<10000x128xf32, #tpu.memory_space<hbm>>
    tpu.enqueue_indirect_dma source(%dma_start3A_158 : memref<10000x128xf32, #tpu.memory_space<hbm>>) target(%arg26 : memref<72x128xf32, #tpu.memory_space<vmem>>) offsets(%arg6 : memref<72xi32, #tpu.memory_space<vmem>>) semaphore(%arg32 : memref<!tpu.dma_semaphore, #tpu.memory_space<semaphore_mem>>)
    %dma_wait3A_159 = arith.constant 0 : i32
    %dma_wait3A_160 = tpu.memref_slice %arg2[%dma_wait3A_159] : memref<322560xi32, #tpu.memory_space<hbm>> -> memref<72xi32, #tpu.memory_space<hbm>>
    %dma_wait3A_161 = arith.constant 0 : i32
    %dma_wait3A_162 = tpu.memref_slice %arg2[%dma_wait3A_161] : memref<322560xi32, #tpu.memory_space<hbm>> -> memref<72xi32, #tpu.memory_space<hbm>>
    tpu.wait_dma2 semaphore(%arg43 : memref<!tpu.dma_semaphore, #tpu.memory_space<semaphore_mem>>) src(%dma_wait3A_162 : memref<72xi32, #tpu.memory_space<hbm>>) dst(%arg7 : memref<72xi32, #tpu.memory_space<vmem>>)
    %dma_start3A_163 = arith.constant 0 : i32
    %dma_start3A_164 = arith.constant 0 : i32
    %dma_start3A_165 = tpu.memref_slice %arg4[%dma_start3A_163, %dma_start3A_164] : memref<10000x128xf32, #tpu.memory_space<hbm>> -> memref<10000x128xf32, #tpu.memory_space<hbm>>
    tpu.enqueue_indirect_dma source(%dma_start3A_165 : memref<10000x128xf32, #tpu.memory_space<hbm>>) target(%arg27 : memref<72x128xf32, #tpu.memory_space<vmem>>) offsets(%arg7 : memref<72xi32, #tpu.memory_space<vmem>>) semaphore(%arg33 : memref<!tpu.dma_semaphore, #tpu.memory_space<semaphore_mem>>)
    %dma_wait3A_166 = arith.constant 0 : i32
    %dma_wait3A_167 = tpu.memref_slice %arg2[%dma_wait3A_166] : memref<322560xi32, #tpu.memory_space<hbm>> -> memref<72xi32, #tpu.memory_space<hbm>>
    %dma_wait3A_168 = arith.constant 0 : i32
    %dma_wait3A_169 = tpu.memref_slice %arg2[%dma_wait3A_168] : memref<322560xi32, #tpu.memory_space<hbm>> -> memref<72xi32, #tpu.memory_space<hbm>>
    tpu.wait_dma2 semaphore(%arg44 : memref<!tpu.dma_semaphore, #tpu.memory_space<semaphore_mem>>) src(%dma_wait3A_169 : memref<72xi32, #tpu.memory_space<hbm>>) dst(%arg8 : memref<72xi32, #tpu.memory_space<vmem>>)
    %dma_start3A_170 = arith.constant 0 : i32
    %dma_start3A_171 = arith.constant 0 : i32
    %dma_start3A_172 = tpu.memref_slice %arg4[%dma_start3A_170, %dma_start3A_171] : memref<10000x128xf32, #tpu.memory_space<hbm>> -> memref<10000x128xf32, #tpu.memory_space<hbm>>
    tpu.enqueue_indirect_dma source(%dma_start3A_172 : memref<10000x128xf32, #tpu.memory_space<hbm>>) target(%arg28 : memref<72x128xf32, #tpu.memory_space<vmem>>) offsets(%arg8 : memref<72xi32, #tpu.memory_space<vmem>>) semaphore(%arg34 : memref<!tpu.dma_semaphore, #tpu.memory_space<semaphore_mem>>)
    %dma_wait3A_173 = arith.constant 0 : i32
    %dma_wait3A_174 = tpu.memref_slice %arg2[%dma_wait3A_173] : memref<322560xi32, #tpu.memory_space<hbm>> -> memref<72xi32, #tpu.memory_space<hbm>>
    %dma_wait3A_175 = arith.constant 0 : i32
    %dma_wait3A_176 = tpu.memref_slice %arg2[%dma_wait3A_175] : memref<322560xi32, #tpu.memory_space<hbm>> -> memref<72xi32, #tpu.memory_space<hbm>>
    tpu.wait_dma2 semaphore(%arg45 : memref<!tpu.dma_semaphore, #tpu.memory_space<semaphore_mem>>) src(%dma_wait3A_176 : memref<72xi32, #tpu.memory_space<hbm>>) dst(%arg9 : memref<72xi32, #tpu.memory_space<vmem>>)
    %dma_start3A_177 = arith.constant 0 : i32
    %dma_start3A_178 = arith.constant 0 : i32
    %dma_start3A_179 = tpu.memref_slice %arg4[%dma_start3A_177, %dma_start3A_178] : memref<10000x128xf32, #tpu.memory_space<hbm>> -> memref<10000x128xf32, #tpu.memory_space<hbm>>
    tpu.enqueue_indirect_dma source(%dma_start3A_179 : memref<10000x128xf32, #tpu.memory_space<hbm>>) target(%arg29 : memref<72x128xf32, #tpu.memory_space<vmem>>) offsets(%arg9 : memref<72xi32, #tpu.memory_space<vmem>>) semaphore(%arg35 : memref<!tpu.dma_semaphore, #tpu.memory_space<semaphore_mem>>)
    %dma_wait3A_180 = arith.constant 0 : i32
    %dma_wait3A_181 = arith.constant 0 : i32
    %dma_wait3A_182 = tpu.memref_slice %arg4[%dma_wait3A_180, %dma_wait3A_181] : memref<10000x128xf32, #tpu.memory_space<hbm>> -> memref<10000x128xf32, #tpu.memory_space<hbm>>
    tpu.wait_indirect_dma semaphore(%arg32 : memref<!tpu.dma_semaphore, #tpu.memory_space<semaphore_mem>>) src(%dma_wait3A_182 : memref<10000x128xf32, #tpu.memory_space<hbm>>) dst(%arg26 : memref<72x128xf32, #tpu.memory_space<vmem>>)
    %dma_wait3A_183 = arith.constant 0 : i32
    %dma_wait3A_184 = tpu.memref_slice %arg3[%dma_wait3A_183] : memref<322560xi32, #tpu.memory_space<hbm>> -> memref<72xi32, #tpu.memory_space<hbm>>
    %dma_wait3A_185 = arith.constant 0 : i32
    %dma_wait3A_186 = tpu.memref_slice %arg3[%dma_wait3A_185] : memref<322560xi32, #tpu.memory_space<hbm>> -> memref<72xi32, #tpu.memory_space<hbm>>
    tpu.wait_dma2 semaphore(%arg52 : memref<!tpu.dma_semaphore, #tpu.memory_space<semaphore_mem>>) src(%dma_wait3A_186 : memref<72xi32, #tpu.memory_space<hbm>>) dst(%arg16 : memref<72xi32, #tpu.memory_space<vmem>>)
    %dma_start3A_187 = arith.constant 0 : i32
    %dma_start3A_188 = arith.constant 0 : i32
    %dma_start3A_189 = tpu.memref_slice %arg31[%dma_start3A_187, %dma_start3A_188] : memref<10112x128xf32, #tpu.memory_space<vmem_shared>> -> memref<10112x128xf32, #tpu.memory_space<vmem_shared>>
    tpu.enqueue_indirect_dma source(%arg26 : memref<72x128xf32, #tpu.memory_space<vmem>>) target(%dma_start3A_189 : memref<10112x128xf32, #tpu.memory_space<vmem_shared>>) offsets(%arg16 : memref<72xi32, #tpu.memory_space<vmem>>) semaphore(%arg37 : memref<!tpu.dma_semaphore, #tpu.memory_space<semaphore_mem>>) {add = true}
    %add3A_190 = arith.constant 0 : i32
    %add3A_191 = arith.addi %mul3A_28, %add3A_190 : i32
    %add3A_192 = arith.constant 9 : i32
    %add3A_193 = arith.addi %add3A_191, %add3A_192 : i32
    %mul3A_194 = arith.constant 72 : i32
    %mul3A_195 = arith.muli %add3A_193, %mul3A_194 : i32
    %multiple_of3A_196 = tpu.assume_multiple %mul3A_195, 8 : i32
    %dma_start3A_197 = tpu.memref_slice %arg2[%multiple_of3A_196] : memref<322560xi32, #tpu.memory_space<hbm>> -> memref<72xi32, #tpu.memory_space<hbm>>
    %dma_start3A_198 = tpu.memref_slice %arg2[%multiple_of3A_196] : memref<322560xi32, #tpu.memory_space<hbm>> -> memref<72xi32, #tpu.memory_space<hbm>>
    tpu.enqueue_dma source(%dma_start3A_198 : memref<72xi32, #tpu.memory_space<hbm>>) target(%arg15 : memref<72xi32, #tpu.memory_space<vmem>>) target_semaphore(%arg51 : memref<!tpu.dma_semaphore, #tpu.memory_space<semaphore_mem>>)
    %add3A_199 = arith.constant 0 : i32
    %add3A_200 = arith.addi %mul3A_28, %add3A_199 : i32
    %add3A_201 = arith.constant 9 : i32
    %add3A_202 = arith.addi %add3A_200, %add3A_201 : i32
    %mul3A_203 = arith.constant 72 : i32
    %mul3A_204 = arith.muli %add3A_202, %mul3A_203 : i32
    %multiple_of3A_205 = tpu.assume_multiple %mul3A_204, 8 : i32
    %dma_start3A_206 = tpu.memref_slice %arg3[%multiple_of3A_205] : memref<322560xi32, #tpu.memory_space<hbm>> -> memref<72xi32, #tpu.memory_space<hbm>>
    %dma_start3A_207 = tpu.memref_slice %arg3[%multiple_of3A_205] : memref<322560xi32, #tpu.memory_space<hbm>> -> memref<72xi32, #tpu.memory_space<hbm>>
    tpu.enqueue_dma source(%dma_start3A_207 : memref<72xi32, #tpu.memory_space<hbm>>) target(%arg25 : memref<72xi32, #tpu.memory_space<vmem>>) target_semaphore(%arg61 : memref<!tpu.dma_semaphore, #tpu.memory_space<semaphore_mem>>)
    %dma_wait3A_208 = arith.constant 0 : i32
    %dma_wait3A_209 = tpu.memref_slice %arg2[%dma_wait3A_208] : memref<322560xi32, #tpu.memory_space<hbm>> -> memref<72xi32, #tpu.memory_space<hbm>>
    %dma_wait3A_210 = arith.constant 0 : i32
    %dma_wait3A_211 = tpu.memref_slice %arg2[%dma_wait3A_210] : memref<322560xi32, #tpu.memory_space<hbm>> -> memref<72xi32, #tpu.memory_space<hbm>>
    tpu.wait_dma2 semaphore(%arg46 : memref<!tpu.dma_semaphore, #tpu.memory_space<semaphore_mem>>) src(%dma_wait3A_211 : memref<72xi32, #tpu.memory_space<hbm>>) dst(%arg10 : memref<72xi32, #tpu.memory_space<vmem>>)
    %dma_start3A_212 = arith.constant 0 : i32
    %dma_start3A_213 = arith.constant 0 : i32
    %dma_start3A_214 = tpu.memref_slice %arg4[%dma_start3A_212, %dma_start3A_213] : memref<10000x128xf32, #tpu.memory_space<hbm>> -> memref<10000x128xf32, #tpu.memory_space<hbm>>
    tpu.enqueue_indirect_dma source(%dma_start3A_214 : memref<10000x128xf32, #tpu.memory_space<hbm>>) target(%arg30 : memref<72x128xf32, #tpu.memory_space<vmem>>) offsets(%arg10 : memref<72xi32, #tpu.memory_space<vmem>>) semaphore(%arg36 : memref<!tpu.dma_semaphore, #tpu.memory_space<semaphore_mem>>)
    %dma_wait3A_215 = arith.constant 0 : i32
    %dma_wait3A_216 = arith.constant 0 : i32
    %dma_wait3A_217 = tpu.memref_slice %arg4[%dma_wait3A_215, %dma_wait3A_216] : memref<10000x128xf32, #tpu.memory_space<hbm>> -> memref<10000x128xf32, #tpu.memory_space<hbm>>
    tpu.wait_indirect_dma semaphore(%arg33 : memref<!tpu.dma_semaphore, #tpu.memory_space<semaphore_mem>>) src(%dma_wait3A_217 : memref<10000x128xf32, #tpu.memory_space<hbm>>) dst(%arg27 : memref<72x128xf32, #tpu.memory_space<vmem>>)
    %dma_wait3A_218 = arith.constant 0 : i32
    %dma_wait3A_219 = tpu.memref_slice %arg3[%dma_wait3A_218] : memref<322560xi32, #tpu.memory_space<hbm>> -> memref<72xi32, #tpu.memory_space<hbm>>
    %dma_wait3A_220 = arith.constant 0 : i32
    %dma_wait3A_221 = tpu.memref_slice %arg3[%dma_wait3A_220] : memref<322560xi32, #tpu.memory_space<hbm>> -> memref<72xi32, #tpu.memory_space<hbm>>
    tpu.wait_dma2 semaphore(%arg53 : memref<!tpu.dma_semaphore, #tpu.memory_space<semaphore_mem>>) src(%dma_wait3A_221 : memref<72xi32, #tpu.memory_space<hbm>>) dst(%arg17 : memref<72xi32, #tpu.memory_space<vmem>>)
    %dma_start3A_222 = arith.constant 0 : i32
    %dma_start3A_223 = arith.constant 0 : i32
    %dma_start3A_224 = tpu.memref_slice %arg31[%dma_start3A_222, %dma_start3A_223] : memref<10112x128xf32, #tpu.memory_space<vmem_shared>> -> memref<10112x128xf32, #tpu.memory_space<vmem_shared>>
    tpu.enqueue_indirect_dma source(%arg27 : memref<72x128xf32, #tpu.memory_space<vmem>>) target(%dma_start3A_224 : memref<10112x128xf32, #tpu.memory_space<vmem_shared>>) offsets(%arg17 : memref<72xi32, #tpu.memory_space<vmem>>) semaphore(%arg38 : memref<!tpu.dma_semaphore, #tpu.memory_space<semaphore_mem>>) {add = true}
    %dma_wait3A_225 = arith.constant 0 : i32
    %dma_wait3A_226 = arith.constant 0 : i32
    %dma_wait3A_227 = tpu.memref_slice %arg31[%dma_wait3A_225, %dma_wait3A_226] : memref<10112x128xf32, #tpu.memory_space<vmem_shared>> -> memref<10112x128xf32, #tpu.memory_space<vmem_shared>>
    tpu.wait_indirect_dma semaphore(%arg37 : memref<!tpu.dma_semaphore, #tpu.memory_space<semaphore_mem>>) src(%arg26 : memref<72x128xf32, #tpu.memory_space<vmem>>) dst(%dma_wait3A_227 : memref<10112x128xf32, #tpu.memory_space<vmem_shared>>)
    %add3A_228 = arith.constant 1 : i32
    %add3A_229 = arith.addi %mul3A_28, %add3A_228 : i32
    %add3A_230 = arith.constant 9 : i32
    %add3A_231 = arith.addi %add3A_229, %add3A_230 : i32
    %mul3A_232 = arith.constant 72 : i32
    %mul3A_233 = arith.muli %add3A_231, %mul3A_232 : i32
    %multiple_of3A_234 = tpu.assume_multiple %mul3A_233, 8 : i32
    %dma_start3A_235 = tpu.memref_slice %arg2[%multiple_of3A_234] : memref<322560xi32, #tpu.memory_space<hbm>> -> memref<72xi32, #tpu.memory_space<hbm>>
    %dma_start3A_236 = tpu.memref_slice %arg2[%multiple_of3A_234] : memref<322560xi32, #tpu.memory_space<hbm>> -> memref<72xi32, #tpu.memory_space<hbm>>
    tpu.enqueue_dma source(%dma_start3A_236 : memref<72xi32, #tpu.memory_space<hbm>>) target(%arg6 : memref<72xi32, #tpu.memory_space<vmem>>) target_semaphore(%arg42 : memref<!tpu.dma_semaphore, #tpu.memory_space<semaphore_mem>>)
    %add3A_237 = arith.constant 1 : i32
    %add3A_238 = arith.addi %mul3A_28, %add3A_237 : i32
    %add3A_239 = arith.constant 9 : i32
    %add3A_240 = arith.addi %add3A_238, %add3A_239 : i32
    %mul3A_241 = arith.constant 72 : i32
    %mul3A_242 = arith.muli %add3A_240, %mul3A_241 : i32
    %multiple_of3A_243 = tpu.assume_multiple %mul3A_242, 8 : i32
    %dma_start3A_244 = tpu.memref_slice %arg3[%multiple_of3A_243] : memref<322560xi32, #tpu.memory_space<hbm>> -> memref<72xi32, #tpu.memory_space<hbm>>
    %dma_start3A_245 = tpu.memref_slice %arg3[%multiple_of3A_243] : memref<322560xi32, #tpu.memory_space<hbm>> -> memref<72xi32, #tpu.memory_space<hbm>>
    tpu.enqueue_dma source(%dma_start3A_245 : memref<72xi32, #tpu.memory_space<hbm>>) target(%arg16 : memref<72xi32, #tpu.memory_space<vmem>>) target_semaphore(%arg52 : memref<!tpu.dma_semaphore, #tpu.memory_space<semaphore_mem>>)
    %dma_wait3A_246 = arith.constant 0 : i32
    %dma_wait3A_247 = tpu.memref_slice %arg2[%dma_wait3A_246] : memref<322560xi32, #tpu.memory_space<hbm>> -> memref<72xi32, #tpu.memory_space<hbm>>
    %dma_wait3A_248 = arith.constant 0 : i32
    %dma_wait3A_249 = tpu.memref_slice %arg2[%dma_wait3A_248] : memref<322560xi32, #tpu.memory_space<hbm>> -> memref<72xi32, #tpu.memory_space<hbm>>
    tpu.wait_dma2 semaphore(%arg47 : memref<!tpu.dma_semaphore, #tpu.memory_space<semaphore_mem>>) src(%dma_wait3A_249 : memref<72xi32, #tpu.memory_space<hbm>>) dst(%arg11 : memref<72xi32, #tpu.memory_space<vmem>>)
    %dma_start3A_250 = arith.constant 0 : i32
    %dma_start3A_251 = arith.constant 0 : i32
    %dma_start3A_252 = tpu.memref_slice %arg4[%dma_start3A_250, %dma_start3A_251] : memref<10000x128xf32, #tpu.memory_space<hbm>> -> memref<10000x128xf32, #tpu.memory_space<hbm>>
    tpu.enqueue_indirect_dma source(%dma_start3A_252 : memref<10000x128xf32, #tpu.memory_space<hbm>>) target(%arg26 : memref<72x128xf32, #tpu.memory_space<vmem>>) offsets(%arg11 : memref<72xi32, #tpu.memory_space<vmem>>) semaphore(%arg32 : memref<!tpu.dma_semaphore, #tpu.memory_space<semaphore_mem>>)
    %dma_wait3A_253 = arith.constant 0 : i32
    %dma_wait3A_254 = arith.constant 0 : i32
    %dma_wait3A_255 = tpu.memref_slice %arg4[%dma_wait3A_253, %dma_wait3A_254] : memref<10000x128xf32, #tpu.memory_space<hbm>> -> memref<10000x128xf32, #tpu.memory_space<hbm>>
    tpu.wait_indirect_dma semaphore(%arg34 : memref<!tpu.dma_semaphore, #tpu.memory_space<semaphore_mem>>) src(%dma_wait3A_255 : memref<10000x128xf32, #tpu.memory_space<hbm>>) dst(%arg28 : memref<72x128xf32, #tpu.memory_space<vmem>>)
    %dma_wait3A_256 = arith.constant 0 : i32
    %dma_wait3A_257 = tpu.memref_slice %arg3[%dma_wait3A_256] : memref<322560xi32, #tpu.memory_space<hbm>> -> memref<72xi32, #tpu.memory_space<hbm>>
    %dma_wait3A_258 = arith.constant 0 : i32
    %dma_wait3A_259 = tpu.memref_slice %arg3[%dma_wait3A_258] : memref<322560xi32, #tpu.memory_space<hbm>> -> memref<72xi32, #tpu.memory_space<hbm>>
    tpu.wait_dma2 semaphore(%arg54 : memref<!tpu.dma_semaphore, #tpu.memory_space<semaphore_mem>>) src(%dma_wait3A_259 : memref<72xi32, #tpu.memory_space<hbm>>) dst(%arg18 : memref<72xi32, #tpu.memory_space<vmem>>)
    %dma_start3A_260 = arith.constant 0 : i32
    %dma_start3A_261 = arith.constant 0 : i32
    %dma_start3A_262 = tpu.memref_slice %arg31[%dma_start3A_260, %dma_start3A_261] : memref<10112x128xf32, #tpu.memory_space<vmem_shared>> -> memref<10112x128xf32, #tpu.memory_space<vmem_shared>>
    tpu.enqueue_indirect_dma source(%arg28 : memref<72x128xf32, #tpu.memory_space<vmem>>) target(%dma_start3A_262 : memref<10112x128xf32, #tpu.memory_space<vmem_shared>>) offsets(%arg18 : memref<72xi32, #tpu.memory_space<vmem>>) semaphore(%arg39 : memref<!tpu.dma_semaphore, #tpu.memory_space<semaphore_mem>>) {add = true}
    %dma_wait3A_263 = arith.constant 0 : i32
    %dma_wait3A_264 = arith.constant 0 : i32
    %dma_wait3A_265 = tpu.memref_slice %arg31[%dma_wait3A_263, %dma_wait3A_264] : memref<10112x128xf32, #tpu.memory_space<vmem_shared>> -> memref<10112x128xf32, #tpu.memory_space<vmem_shared>>
    tpu.wait_indirect_dma semaphore(%arg38 : memref<!tpu.dma_semaphore, #tpu.memory_space<semaphore_mem>>) src(%arg27 : memref<72x128xf32, #tpu.memory_space<vmem>>) dst(%dma_wait3A_265 : memref<10112x128xf32, #tpu.memory_space<vmem_shared>>)
    %add3A_266 = arith.constant 2 : i32
    %add3A_267 = arith.addi %mul3A_28, %add3A_266 : i32
    %add3A_268 = arith.constant 9 : i32
    %add3A_269 = arith.addi %add3A_267, %add3A_268 : i32
    %mul3A_270 = arith.constant 72 : i32
    %mul3A_271 = arith.muli %add3A_269, %mul3A_270 : i32
    %multiple_of3A_272 = tpu.assume_multiple %mul3A_271, 8 : i32
    %dma_start3A_273 = tpu.memref_slice %arg2[%multiple_of3A_272] : memref<322560xi32, #tpu.memory_space<hbm>> -> memref<72xi32, #tpu.memory_space<hbm>>
    %dma_start3A_274 = tpu.memref_slice %arg2[%multiple_of3A_272] : memref<322560xi32, #tpu.memory_space<hbm>> -> memref<72xi32, #tpu.memory_space<hbm>>
    tpu.enqueue_dma source(%dma_start3A_274 : memref<72xi32, #tpu.memory_space<hbm>>) target(%arg7 : memref<72xi32, #tpu.memory_space<vmem>>) target_semaphore(%arg43 : memref<!tpu.dma_semaphore, #tpu.memory_space<semaphore_mem>>)
    %add3A_275 = arith.constant 2 : i32
    %add3A_276 = arith.addi %mul3A_28, %add3A_275 : i32
    %add3A_277 = arith.constant 9 : i32
    %add3A_278 = arith.addi %add3A_276, %add3A_277 : i32
    %mul3A_279 = arith.constant 72 : i32
    %mul3A_280 = arith.muli %add3A_278, %mul3A_279 : i32
    %multiple_of3A_281 = tpu.assume_multiple %mul3A_280, 8 : i32
    %dma_start3A_282 = tpu.memref_slice %arg3[%multiple_of3A_281] : memref<322560xi32, #tpu.memory_space<hbm>> -> memref<72xi32, #tpu.memory_space<hbm>>
    %dma_start3A_283 = tpu.memref_slice %arg3[%multiple_of3A_281] : memref<322560xi32, #tpu.memory_space<hbm>> -> memref<72xi32, #tpu.memory_space<hbm>>
    tpu.enqueue_dma source(%dma_start3A_283 : memref<72xi32, #tpu.memory_space<hbm>>) target(%arg17 : memref<72xi32, #tpu.memory_space<vmem>>) target_semaphore(%arg53 : memref<!tpu.dma_semaphore, #tpu.memory_space<semaphore_mem>>)
    %dma_wait3A_284 = arith.constant 0 : i32
    %dma_wait3A_285 = tpu.memref_slice %arg2[%dma_wait3A_284] : memref<322560xi32, #tpu.memory_space<hbm>> -> memref<72xi32, #tpu.memory_space<hbm>>
    %dma_wait3A_286 = arith.constant 0 : i32
    %dma_wait3A_287 = tpu.memref_slice %arg2[%dma_wait3A_286] : memref<322560xi32, #tpu.memory_space<hbm>> -> memref<72xi32, #tpu.memory_space<hbm>>
    tpu.wait_dma2 semaphore(%arg48 : memref<!tpu.dma_semaphore, #tpu.memory_space<semaphore_mem>>) src(%dma_wait3A_287 : memref<72xi32, #tpu.memory_space<hbm>>) dst(%arg12 : memref<72xi32, #tpu.memory_space<vmem>>)
    %dma_start3A_288 = arith.constant 0 : i32
    %dma_start3A_289 = arith.constant 0 : i32
    %dma_start3A_290 = tpu.memref_slice %arg4[%dma_start3A_288, %dma_start3A_289] : memref<10000x128xf32, #tpu.memory_space<hbm>> -> memref<10000x128xf32, #tpu.memory_space<hbm>>
    tpu.enqueue_indirect_dma source(%dma_start3A_290 : memref<10000x128xf32, #tpu.memory_space<hbm>>) target(%arg27 : memref<72x128xf32, #tpu.memory_space<vmem>>) offsets(%arg12 : memref<72xi32, #tpu.memory_space<vmem>>) semaphore(%arg33 : memref<!tpu.dma_semaphore, #tpu.memory_space<semaphore_mem>>)
    %dma_wait3A_291 = arith.constant 0 : i32
    %dma_wait3A_292 = arith.constant 0 : i32
    %dma_wait3A_293 = tpu.memref_slice %arg4[%dma_wait3A_291, %dma_wait3A_292] : memref<10000x128xf32, #tpu.memory_space<hbm>> -> memref<10000x128xf32, #tpu.memory_space<hbm>>
    tpu.wait_indirect_dma semaphore(%arg35 : memref<!tpu.dma_semaphore, #tpu.memory_space<semaphore_mem>>) src(%dma_wait3A_293 : memref<10000x128xf32, #tpu.memory_space<hbm>>) dst(%arg29 : memref<72x128xf32, #tpu.memory_space<vmem>>)
    %dma_wait3A_294 = arith.constant 0 : i32
    %dma_wait3A_295 = tpu.memref_slice %arg3[%dma_wait3A_294] : memref<322560xi32, #tpu.memory_space<hbm>> -> memref<72xi32, #tpu.memory_space<hbm>>
    %dma_wait3A_296 = arith.constant 0 : i32
    %dma_wait3A_297 = tpu.memref_slice %arg3[%dma_wait3A_296] : memref<322560xi32, #tpu.memory_space<hbm>> -> memref<72xi32, #tpu.memory_space<hbm>>
    tpu.wait_dma2 semaphore(%arg55 : memref<!tpu.dma_semaphore, #tpu.memory_space<semaphore_mem>>) src(%dma_wait3A_297 : memref<72xi32, #tpu.memory_space<hbm>>) dst(%arg19 : memref<72xi32, #tpu.memory_space<vmem>>)
    %dma_start3A_298 = arith.constant 0 : i32
    %dma_start3A_299 = arith.constant 0 : i32
    %dma_start3A_300 = tpu.memref_slice %arg31[%dma_start3A_298, %dma_start3A_299] : memref<10112x128xf32, #tpu.memory_space<vmem_shared>> -> memref<10112x128xf32, #tpu.memory_space<vmem_shared>>
    tpu.enqueue_indirect_dma source(%arg29 : memref<72x128xf32, #tpu.memory_space<vmem>>) target(%dma_start3A_300 : memref<10112x128xf32, #tpu.memory_space<vmem_shared>>) offsets(%arg19 : memref<72xi32, #tpu.memory_space<vmem>>) semaphore(%arg40 : memref<!tpu.dma_semaphore, #tpu.memory_space<semaphore_mem>>) {add = true}
    %dma_wait3A_301 = arith.constant 0 : i32
    %dma_wait3A_302 = arith.constant 0 : i32
    %dma_wait3A_303 = tpu.memref_slice %arg31[%dma_wait3A_301, %dma_wait3A_302] : memref<10112x128xf32, #tpu.memory_space<vmem_shared>> -> memref<10112x128xf32, #tpu.memory_space<vmem_shared>>
    tpu.wait_indirect_dma semaphore(%arg39 : memref<!tpu.dma_semaphore, #tpu.memory_space<semaphore_mem>>) src(%arg28 : memref<72x128xf32, #tpu.memory_space<vmem>>) dst(%dma_wait3A_303 : memref<10112x128xf32, #tpu.memory_space<vmem_shared>>)
    %add3A_304 = arith.constant 3 : i32
    %add3A_305 = arith.addi %mul3A_28, %add3A_304 : i32
    %add3A_306 = arith.constant 9 : i32
    %add3A_307 = arith.addi %add3A_305, %add3A_306 : i32
    %mul3A_308 = arith.constant 72 : i32
    %mul3A_309 = arith.muli %add3A_307, %mul3A_308 : i32
    %multiple_of3A_310 = tpu.assume_multiple %mul3A_309, 8 : i32
    %dma_start3A_311 = tpu.memref_slice %arg2[%multiple_of3A_310] : memref<322560xi32, #tpu.memory_space<hbm>> -> memref<72xi32, #tpu.memory_space<hbm>>
    %dma_start3A_312 = tpu.memref_slice %arg2[%multiple_of3A_310] : memref<322560xi32, #tpu.memory_space<hbm>> -> memref<72xi32, #tpu.memory_space<hbm>>
    tpu.enqueue_dma source(%dma_start3A_312 : memref<72xi32, #tpu.memory_space<hbm>>) target(%arg8 : memref<72xi32, #tpu.memory_space<vmem>>) target_semaphore(%arg44 : memref<!tpu.dma_semaphore, #tpu.memory_space<semaphore_mem>>)
    %add3A_313 = arith.constant 3 : i32
    %add3A_314 = arith.addi %mul3A_28, %add3A_313 : i32
    %add3A_315 = arith.constant 9 : i32
    %add3A_316 = arith.addi %add3A_314, %add3A_315 : i32
    %mul3A_317 = arith.constant 72 : i32
    %mul3A_318 = arith.muli %add3A_316, %mul3A_317 : i32
    %multiple_of3A_319 = tpu.assume_multiple %mul3A_318, 8 : i32
    %dma_start3A_320 = tpu.memref_slice %arg3[%multiple_of3A_319] : memref<322560xi32, #tpu.memory_space<hbm>> -> memref<72xi32, #tpu.memory_space<hbm>>
    %dma_start3A_321 = tpu.memref_slice %arg3[%multiple_of3A_319] : memref<322560xi32, #tpu.memory_space<hbm>> -> memref<72xi32, #tpu.memory_space<hbm>>
    tpu.enqueue_dma source(%dma_start3A_321 : memref<72xi32, #tpu.memory_space<hbm>>) target(%arg18 : memref<72xi32, #tpu.memory_space<vmem>>) target_semaphore(%arg54 : memref<!tpu.dma_semaphore, #tpu.memory_space<semaphore_mem>>)
    %dma_wait3A_322 = arith.constant 0 : i32
    %dma_wait3A_323 = tpu.memref_slice %arg2[%dma_wait3A_322] : memref<322560xi32, #tpu.memory_space<hbm>> -> memref<72xi32, #tpu.memory_space<hbm>>
    %dma_wait3A_324 = arith.constant 0 : i32
    %dma_wait3A_325 = tpu.memref_slice %arg2[%dma_wait3A_324] : memref<322560xi32, #tpu.memory_space<hbm>> -> memref<72xi32, #tpu.memory_space<hbm>>
    tpu.wait_dma2 semaphore(%arg49 : memref<!tpu.dma_semaphore, #tpu.memory_space<semaphore_mem>>) src(%dma_wait3A_325 : memref<72xi32, #tpu.memory_space<hbm>>) dst(%arg13 : memref<72xi32, #tpu.memory_space<vmem>>)
    %dma_start3A_326 = arith.constant 0 : i32
    %dma_start3A_327 = arith.constant 0 : i32
    %dma_start3A_328 = tpu.memref_slice %arg4[%dma_start3A_326, %dma_start3A_327] : memref<10000x128xf32, #tpu.memory_space<hbm>> -> memref<10000x128xf32, #tpu.memory_space<hbm>>
    tpu.enqueue_indirect_dma source(%dma_start3A_328 : memref<10000x128xf32, #tpu.memory_space<hbm>>) target(%arg28 : memref<72x128xf32, #tpu.memory_space<vmem>>) offsets(%arg13 : memref<72xi32, #tpu.memory_space<vmem>>) semaphore(%arg34 : memref<!tpu.dma_semaphore, #tpu.memory_space<semaphore_mem>>)
    %dma_wait3A_329 = arith.constant 0 : i32
    %dma_wait3A_330 = arith.constant 0 : i32
    %dma_wait3A_331 = tpu.memref_slice %arg4[%dma_wait3A_329, %dma_wait3A_330] : memref<10000x128xf32, #tpu.memory_space<hbm>> -> memref<10000x128xf32, #tpu.memory_space<hbm>>
    tpu.wait_indirect_dma semaphore(%arg36 : memref<!tpu.dma_semaphore, #tpu.memory_space<semaphore_mem>>) src(%dma_wait3A_331 : memref<10000x128xf32, #tpu.memory_space<hbm>>) dst(%arg30 : memref<72x128xf32, #tpu.memory_space<vmem>>)
    %dma_wait3A_332 = arith.constant 0 : i32
    %dma_wait3A_333 = tpu.memref_slice %arg3[%dma_wait3A_332] : memref<322560xi32, #tpu.memory_space<hbm>> -> memref<72xi32, #tpu.memory_space<hbm>>
    %dma_wait3A_334 = arith.constant 0 : i32
    %dma_wait3A_335 = tpu.memref_slice %arg3[%dma_wait3A_334] : memref<322560xi32, #tpu.memory_space<hbm>> -> memref<72xi32, #tpu.memory_space<hbm>>
    tpu.wait_dma2 semaphore(%arg56 : memref<!tpu.dma_semaphore, #tpu.memory_space<semaphore_mem>>) src(%dma_wait3A_335 : memref<72xi32, #tpu.memory_space<hbm>>) dst(%arg20 : memref<72xi32, #tpu.memory_space<vmem>>)
    %dma_start3A_336 = arith.constant 0 : i32
    %dma_start3A_337 = arith.constant 0 : i32
    %dma_start3A_338 = tpu.memref_slice %arg31[%dma_start3A_336, %dma_start3A_337] : memref<10112x128xf32, #tpu.memory_space<vmem_shared>> -> memref<10112x128xf32, #tpu.memory_space<vmem_shared>>
    tpu.enqueue_indirect_dma source(%arg30 : memref<72x128xf32, #tpu.memory_space<vmem>>) target(%dma_start3A_338 : memref<10112x128xf32, #tpu.memory_space<vmem_shared>>) offsets(%arg20 : memref<72xi32, #tpu.memory_space<vmem>>) semaphore(%arg41 : memref<!tpu.dma_semaphore, #tpu.memory_space<semaphore_mem>>) {add = true}
    %dma_wait3A_339 = arith.constant 0 : i32
    %dma_wait3A_340 = arith.constant 0 : i32
    %dma_wait3A_341 = tpu.memref_slice %arg31[%dma_wait3A_339, %dma_wait3A_340] : memref<10112x128xf32, #tpu.memory_space<vmem_shared>> -> memref<10112x128xf32, #tpu.memory_space<vmem_shared>>
    tpu.wait_indirect_dma semaphore(%arg40 : memref<!tpu.dma_semaphore, #tpu.memory_space<semaphore_mem>>) src(%arg29 : memref<72x128xf32, #tpu.memory_space<vmem>>) dst(%dma_wait3A_341 : memref<10112x128xf32, #tpu.memory_space<vmem_shared>>)
    %add3A_342 = arith.constant 4 : i32
    %add3A_343 = arith.addi %mul3A_28, %add3A_342 : i32
    %add3A_344 = arith.constant 9 : i32
    %add3A_345 = arith.addi %add3A_343, %add3A_344 : i32
    %mul3A_346 = arith.constant 72 : i32
    %mul3A_347 = arith.muli %add3A_345, %mul3A_346 : i32
    %multiple_of3A_348 = tpu.assume_multiple %mul3A_347, 8 : i32
    %dma_start3A_349 = tpu.memref_slice %arg2[%multiple_of3A_348] : memref<322560xi32, #tpu.memory_space<hbm>> -> memref<72xi32, #tpu.memory_space<hbm>>
    %dma_start3A_350 = tpu.memref_slice %arg2[%multiple_of3A_348] : memref<322560xi32, #tpu.memory_space<hbm>> -> memref<72xi32, #tpu.memory_space<hbm>>
    tpu.enqueue_dma source(%dma_start3A_350 : memref<72xi32, #tpu.memory_space<hbm>>) target(%arg9 : memref<72xi32, #tpu.memory_space<vmem>>) target_semaphore(%arg45 : memref<!tpu.dma_semaphore, #tpu.memory_space<semaphore_mem>>)
    %add3A_351 = arith.constant 4 : i32
    %add3A_352 = arith.addi %mul3A_28, %add3A_351 : i32
    %add3A_353 = arith.constant 9 : i32
    %add3A_354 = arith.addi %add3A_352, %add3A_353 : i32
    %mul3A_355 = arith.constant 72 : i32
    %mul3A_356 = arith.muli %add3A_354, %mul3A_355 : i32
    %multiple_of3A_357 = tpu.assume_multiple %mul3A_356, 8 : i32
    %dma_start3A_358 = tpu.memref_slice %arg3[%multiple_of3A_357] : memref<322560xi32, #tpu.memory_space<hbm>> -> memref<72xi32, #tpu.memory_space<hbm>>
    %dma_start3A_359 = tpu.memref_slice %arg3[%multiple_of3A_357] : memref<322560xi32, #tpu.memory_space<hbm>> -> memref<72xi32, #tpu.memory_space<hbm>>
    tpu.enqueue_dma source(%dma_start3A_359 : memref<72xi32, #tpu.memory_space<hbm>>) target(%arg19 : memref<72xi32, #tpu.memory_space<vmem>>) target_semaphore(%arg55 : memref<!tpu.dma_semaphore, #tpu.memory_space<semaphore_mem>>)
    %dma_wait3A_360 = arith.constant 0 : i32
    %dma_wait3A_361 = tpu.memref_slice %arg2[%dma_wait3A_360] : memref<322560xi32, #tpu.memory_space<hbm>> -> memref<72xi32, #tpu.memory_space<hbm>>
    %dma_wait3A_362 = arith.constant 0 : i32
    %dma_wait3A_363 = tpu.memref_slice %arg2[%dma_wait3A_362] : memref<322560xi32, #tpu.memory_space<hbm>> -> memref<72xi32, #tpu.memory_space<hbm>>
    tpu.wait_dma2 semaphore(%arg50 : memref<!tpu.dma_semaphore, #tpu.memory_space<semaphore_mem>>) src(%dma_wait3A_363 : memref<72xi32, #tpu.memory_space<hbm>>) dst(%arg14 : memref<72xi32, #tpu.memory_space<vmem>>)
    %dma_start3A_364 = arith.constant 0 : i32
    %dma_start3A_365 = arith.constant 0 : i32
    %dma_start3A_366 = tpu.memref_slice %arg4[%dma_start3A_364, %dma_start3A_365] : memref<10000x128xf32, #tpu.memory_space<hbm>> -> memref<10000x128xf32, #tpu.memory_space<hbm>>
    tpu.enqueue_indirect_dma source(%dma_start3A_366 : memref<10000x128xf32, #tpu.memory_space<hbm>>) target(%arg29 : memref<72x128xf32, #tpu.memory_space<vmem>>) offsets(%arg14 : memref<72xi32, #tpu.memory_space<vmem>>) semaphore(%arg35 : memref<!tpu.dma_semaphore, #tpu.memory_space<semaphore_mem>>)
    %dma_wait3A_367 = arith.constant 0 : i32
    %dma_wait3A_368 = arith.constant 0 : i32
    %dma_wait3A_369 = tpu.memref_slice %arg4[%dma_wait3A_367, %dma_wait3A_368] : memref<10000x128xf32, #tpu.memory_space<hbm>> -> memref<10000x128xf32, #tpu.memory_space<hbm>>
    tpu.wait_indirect_dma semaphore(%arg32 : memref<!tpu.dma_semaphore, #tpu.memory_space<semaphore_mem>>) src(%dma_wait3A_369 : memref<10000x128xf32, #tpu.memory_space<hbm>>) dst(%arg26 : memref<72x128xf32, #tpu.memory_space<vmem>>)
    %dma_wait3A_370 = arith.constant 0 : i32
    %dma_wait3A_371 = tpu.memref_slice %arg3[%dma_wait3A_370] : memref<322560xi32, #tpu.memory_space<hbm>> -> memref<72xi32, #tpu.memory_space<hbm>>
    %dma_wait3A_372 = arith.constant 0 : i32
    %dma_wait3A_373 = tpu.memref_slice %arg3[%dma_wait3A_372] : memref<322560xi32, #tpu.memory_space<hbm>> -> memref<72xi32, #tpu.memory_space<hbm>>
    tpu.wait_dma2 semaphore(%arg57 : memref<!tpu.dma_semaphore, #tpu.memory_space<semaphore_mem>>) src(%dma_wait3A_373 : memref<72xi32, #tpu.memory_space<hbm>>) dst(%arg21 : memref<72xi32, #tpu.memory_space<vmem>>)
    %dma_start3A_374 = arith.constant 0 : i32
    %dma_start3A_375 = arith.constant 0 : i32
    %dma_start3A_376 = tpu.memref_slice %arg31[%dma_start3A_374, %dma_start3A_375] : memref<10112x128xf32, #tpu.memory_space<vmem_shared>> -> memref<10112x128xf32, #tpu.memory_space<vmem_shared>>
    tpu.enqueue_indirect_dma source(%arg26 : memref<72x128xf32, #tpu.memory_space<vmem>>) target(%dma_start3A_376 : memref<10112x128xf32, #tpu.memory_space<vmem_shared>>) offsets(%arg21 : memref<72xi32, #tpu.memory_space<vmem>>) semaphore(%arg37 : memref<!tpu.dma_semaphore, #tpu.memory_space<semaphore_mem>>) {add = true}
    %dma_wait3A_377 = arith.constant 0 : i32
    %dma_wait3A_378 = arith.constant 0 : i32
    %dma_wait3A_379 = tpu.memref_slice %arg31[%dma_wait3A_377, %dma_wait3A_378] : memref<10112x128xf32, #tpu.memory_space<vmem_shared>> -> memref<10112x128xf32, #tpu.memory_space<vmem_shared>>
    tpu.wait_indirect_dma semaphore(%arg41 : memref<!tpu.dma_semaphore, #tpu.memory_space<semaphore_mem>>) src(%arg30 : memref<72x128xf32, #tpu.memory_space<vmem>>) dst(%dma_wait3A_379 : memref<10112x128xf32, #tpu.memory_space<vmem_shared>>)
    %add3A_380 = arith.constant 5 : i32
    %add3A_381 = arith.addi %mul3A_28, %add3A_380 : i32
    %add3A_382 = arith.constant 9 : i32
    %add3A_383 = arith.addi %add3A_381, %add3A_382 : i32
    %mul3A_384 = arith.constant 72 : i32
    %mul3A_385 = arith.muli %add3A_383, %mul3A_384 : i32
    %multiple_of3A_386 = tpu.assume_multiple %mul3A_385, 8 : i32
    %dma_start3A_387 = tpu.memref_slice %arg2[%multiple_of3A_386] : memref<322560xi32, #tpu.memory_space<hbm>> -> memref<72xi32, #tpu.memory_space<hbm>>
    %dma_start3A_388 = tpu.memref_slice %arg2[%multiple_of3A_386] : memref<322560xi32, #tpu.memory_space<hbm>> -> memref<72xi32, #tpu.memory_space<hbm>>
    tpu.enqueue_dma source(%dma_start3A_388 : memref<72xi32, #tpu.memory_space<hbm>>) target(%arg10 : memref<72xi32, #tpu.memory_space<vmem>>) target_semaphore(%arg46 : memref<!tpu.dma_semaphore, #tpu.memory_space<semaphore_mem>>)
    %add3A_389 = arith.constant 5 : i32
    %add3A_390 = arith.addi %mul3A_28, %add3A_389 : i32
    %add3A_391 = arith.constant 9 : i32
    %add3A_392 = arith.addi %add3A_390, %add3A_391 : i32
    %mul3A_393 = arith.constant 72 : i32
    %mul3A_394 = arith.muli %add3A_392, %mul3A_393 : i32
    %multiple_of3A_395 = tpu.assume_multiple %mul3A_394, 8 : i32
    %dma_start3A_396 = tpu.memref_slice %arg3[%multiple_of3A_395] : memref<322560xi32, #tpu.memory_space<hbm>> -> memref<72xi32, #tpu.memory_space<hbm>>
    %dma_start3A_397 = tpu.memref_slice %arg3[%multiple_of3A_395] : memref<322560xi32, #tpu.memory_space<hbm>> -> memref<72xi32, #tpu.memory_space<hbm>>
    tpu.enqueue_dma source(%dma_start3A_397 : memref<72xi32, #tpu.memory_space<hbm>>) target(%arg20 : memref<72xi32, #tpu.memory_space<vmem>>) target_semaphore(%arg56 : memref<!tpu.dma_semaphore, #tpu.memory_space<semaphore_mem>>)
    %dma_wait3A_398 = arith.constant 0 : i32
    %dma_wait3A_399 = tpu.memref_slice %arg2[%dma_wait3A_398] : memref<322560xi32, #tpu.memory_space<hbm>> -> memref<72xi32, #tpu.memory_space<hbm>>
    %dma_wait3A_400 = arith.constant 0 : i32
    %dma_wait3A_401 = tpu.memref_slice %arg2[%dma_wait3A_400] : memref<322560xi32, #tpu.memory_space<hbm>> -> memref<72xi32, #tpu.memory_space<hbm>>
    tpu.wait_dma2 semaphore(%arg51 : memref<!tpu.dma_semaphore, #tpu.memory_space<semaphore_mem>>) src(%dma_wait3A_401 : memref<72xi32, #tpu.memory_space<hbm>>) dst(%arg15 : memref<72xi32, #tpu.memory_space<vmem>>)
    %dma_start3A_402 = arith.constant 0 : i32
    %dma_start3A_403 = arith.constant 0 : i32
    %dma_start3A_404 = tpu.memref_slice %arg4[%dma_start3A_402, %dma_start3A_403] : memref<10000x128xf32, #tpu.memory_space<hbm>> -> memref<10000x128xf32, #tpu.memory_space<hbm>>
    tpu.enqueue_indirect_dma source(%dma_start3A_404 : memref<10000x128xf32, #tpu.memory_space<hbm>>) target(%arg30 : memref<72x128xf32, #tpu.memory_space<vmem>>) offsets(%arg15 : memref<72xi32, #tpu.memory_space<vmem>>) semaphore(%arg36 : memref<!tpu.dma_semaphore, #tpu.memory_space<semaphore_mem>>)
    %dma_wait3A_405 = arith.constant 0 : i32
    %dma_wait3A_406 = arith.constant 0 : i32
    %dma_wait3A_407 = tpu.memref_slice %arg4[%dma_wait3A_405, %dma_wait3A_406] : memref<10000x128xf32, #tpu.memory_space<hbm>> -> memref<10000x128xf32, #tpu.memory_space<hbm>>
    tpu.wait_indirect_dma semaphore(%arg33 : memref<!tpu.dma_semaphore, #tpu.memory_space<semaphore_mem>>) src(%dma_wait3A_407 : memref<10000x128xf32, #tpu.memory_space<hbm>>) dst(%arg27 : memref<72x128xf32, #tpu.memory_space<vmem>>)
    %dma_wait3A_408 = arith.constant 0 : i32
    %dma_wait3A_409 = tpu.memref_slice %arg3[%dma_wait3A_408] : memref<322560xi32, #tpu.memory_space<hbm>> -> memref<72xi32, #tpu.memory_space<hbm>>
    %dma_wait3A_410 = arith.constant 0 : i32
    %dma_wait3A_411 = tpu.memref_slice %arg3[%dma_wait3A_410] : memref<322560xi32, #tpu.memory_space<hbm>> -> memref<72xi32, #tpu.memory_space<hbm>>
    tpu.wait_dma2 semaphore(%arg58 : memref<!tpu.dma_semaphore, #tpu.memory_space<semaphore_mem>>) src(%dma_wait3A_411 : memref<72xi32, #tpu.memory_space<hbm>>) dst(%arg22 : memref<72xi32, #tpu.memory_space<vmem>>)
    %dma_start3A_412 = arith.constant 0 : i32
    %dma_start3A_413 = arith.constant 0 : i32
    %dma_start3A_414 = tpu.memref_slice %arg31[%dma_start3A_412, %dma_start3A_413] : memref<10112x128xf32, #tpu.memory_space<vmem_shared>> -> memref<10112x128xf32, #tpu.memory_space<vmem_shared>>
    tpu.enqueue_indirect_dma source(%arg27 : memref<72x128xf32, #tpu.memory_space<vmem>>) target(%dma_start3A_414 : memref<10112x128xf32, #tpu.memory_space<vmem_shared>>) offsets(%arg22 : memref<72xi32, #tpu.memory_space<vmem>>) semaphore(%arg38 : memref<!tpu.dma_semaphore, #tpu.memory_space<semaphore_mem>>) {add = true}
    %dma_wait3A_415 = arith.constant 0 : i32
    %dma_wait3A_416 = arith.constant 0 : i32
    %dma_wait3A_417 = tpu.memref_slice %arg31[%dma_wait3A_415, %dma_wait3A_416] : memref<10112x128xf32, #tpu.memory_space<vmem_shared>> -> memref<10112x128xf32, #tpu.memory_space<vmem_shared>>
    tpu.wait_indirect_dma semaphore(%arg37 : memref<!tpu.dma_semaphore, #tpu.memory_space<semaphore_mem>>) src(%arg26 : memref<72x128xf32, #tpu.memory_space<vmem>>) dst(%dma_wait3A_417 : memref<10112x128xf32, #tpu.memory_space<vmem_shared>>)
    %add3A_418 = arith.constant 6 : i32
    %add3A_419 = arith.addi %mul3A_28, %add3A_418 : i32
    %add3A_420 = arith.constant 9 : i32
    %add3A_421 = arith.addi %add3A_419, %add3A_420 : i32
    %mul3A_422 = arith.constant 72 : i32
    %mul3A_423 = arith.muli %add3A_421, %mul3A_422 : i32
    %multiple_of3A_424 = tpu.assume_multiple %mul3A_423, 8 : i32
    %dma_start3A_425 = tpu.memref_slice %arg2[%multiple_of3A_424] : memref<322560xi32, #tpu.memory_space<hbm>> -> memref<72xi32, #tpu.memory_space<hbm>>
    %dma_start3A_426 = tpu.memref_slice %arg2[%multiple_of3A_424] : memref<322560xi32, #tpu.memory_space<hbm>> -> memref<72xi32, #tpu.memory_space<hbm>>
    tpu.enqueue_dma source(%dma_start3A_426 : memref<72xi32, #tpu.memory_space<hbm>>) target(%arg11 : memref<72xi32, #tpu.memory_space<vmem>>) target_semaphore(%arg47 : memref<!tpu.dma_semaphore, #tpu.memory_space<semaphore_mem>>)
    %add3A_427 = arith.constant 6 : i32
    %add3A_428 = arith.addi %mul3A_28, %add3A_427 : i32
    %add3A_429 = arith.constant 9 : i32
    %add3A_430 = arith.addi %add3A_428, %add3A_429 : i32
    %mul3A_431 = arith.constant 72 : i32
    %mul3A_432 = arith.muli %add3A_430, %mul3A_431 : i32
    %multiple_of3A_433 = tpu.assume_multiple %mul3A_432, 8 : i32
    %dma_start3A_434 = tpu.memref_slice %arg3[%multiple_of3A_433] : memref<322560xi32, #tpu.memory_space<hbm>> -> memref<72xi32, #tpu.memory_space<hbm>>
    %dma_start3A_435 = tpu.memref_slice %arg3[%multiple_of3A_433] : memref<322560xi32, #tpu.memory_space<hbm>> -> memref<72xi32, #tpu.memory_space<hbm>>
    tpu.enqueue_dma source(%dma_start3A_435 : memref<72xi32, #tpu.memory_space<hbm>>) target(%arg21 : memref<72xi32, #tpu.memory_space<vmem>>) target_semaphore(%arg57 : memref<!tpu.dma_semaphore, #tpu.memory_space<semaphore_mem>>)
    %dma_wait3A_436 = arith.constant 0 : i32
    %dma_wait3A_437 = tpu.memref_slice %arg2[%dma_wait3A_436] : memref<322560xi32, #tpu.memory_space<hbm>> -> memref<72xi32, #tpu.memory_space<hbm>>
    %dma_wait3A_438 = arith.constant 0 : i32
    %dma_wait3A_439 = tpu.memref_slice %arg2[%dma_wait3A_438] : memref<322560xi32, #tpu.memory_space<hbm>> -> memref<72xi32, #tpu.memory_space<hbm>>
    tpu.wait_dma2 semaphore(%arg42 : memref<!tpu.dma_semaphore, #tpu.memory_space<semaphore_mem>>) src(%dma_wait3A_439 : memref<72xi32, #tpu.memory_space<hbm>>) dst(%arg6 : memref<72xi32, #tpu.memory_space<vmem>>)
    %dma_start3A_440 = arith.constant 0 : i32
    %dma_start3A_441 = arith.constant 0 : i32
    %dma_start3A_442 = tpu.memref_slice %arg4[%dma_start3A_440, %dma_start3A_441] : memref<10000x128xf32, #tpu.memory_space<hbm>> -> memref<10000x128xf32, #tpu.memory_space<hbm>>
    tpu.enqueue_indirect_dma source(%dma_start3A_442 : memref<10000x128xf32, #tpu.memory_space<hbm>>) target(%arg26 : memref<72x128xf32, #tpu.memory_space<vmem>>) offsets(%arg6 : memref<72xi32, #tpu.memory_space<vmem>>) semaphore(%arg32 : memref<!tpu.dma_semaphore, #tpu.memory_space<semaphore_mem>>)
    %dma_wait3A_443 = arith.constant 0 : i32
    %dma_wait3A_444 = arith.constant 0 : i32
    %dma_wait3A_445 = tpu.memref_slice %arg4[%dma_wait3A_443, %dma_wait3A_444] : memref<10000x128xf32, #tpu.memory_space<hbm>> -> memref<10000x128xf32, #tpu.memory_space<hbm>>
    tpu.wait_indirect_dma semaphore(%arg34 : memref<!tpu.dma_semaphore, #tpu.memory_space<semaphore_mem>>) src(%dma_wait3A_445 : memref<10000x128xf32, #tpu.memory_space<hbm>>) dst(%arg28 : memref<72x128xf32, #tpu.memory_space<vmem>>)
    %dma_wait3A_446 = arith.constant 0 : i32
    %dma_wait3A_447 = tpu.memref_slice %arg3[%dma_wait3A_446] : memref<322560xi32, #tpu.memory_space<hbm>> -> memref<72xi32, #tpu.memory_space<hbm>>
    %dma_wait3A_448 = arith.constant 0 : i32
    %dma_wait3A_449 = tpu.memref_slice %arg3[%dma_wait3A_448] : memref<322560xi32, #tpu.memory_space<hbm>> -> memref<72xi32, #tpu.memory_space<hbm>>
    tpu.wait_dma2 semaphore(%arg59 : memref<!tpu.dma_semaphore, #tpu.memory_space<semaphore_mem>>) src(%dma_wait3A_449 : memref<72xi32, #tpu.memory_space<hbm>>) dst(%arg23 : memref<72xi32, #tpu.memory_space<vmem>>)
    %dma_start3A_450 = arith.constant 0 : i32
    %dma_start3A_451 = arith.constant 0 : i32
    %dma_start3A_452 = tpu.memref_slice %arg31[%dma_start3A_450, %dma_start3A_451] : memref<10112x128xf32, #tpu.memory_space<vmem_shared>> -> memref<10112x128xf32, #tpu.memory_space<vmem_shared>>
    tpu.enqueue_indirect_dma source(%arg28 : memref<72x128xf32, #tpu.memory_space<vmem>>) target(%dma_start3A_452 : memref<10112x128xf32, #tpu.memory_space<vmem_shared>>) offsets(%arg23 : memref<72xi32, #tpu.memory_space<vmem>>) semaphore(%arg39 : memref<!tpu.dma_semaphore, #tpu.memory_space<semaphore_mem>>) {add = true}
    %dma_wait3A_453 = arith.constant 0 : i32
    %dma_wait3A_454 = arith.constant 0 : i32
    %dma_wait3A_455 = tpu.memref_slice %arg31[%dma_wait3A_453, %dma_wait3A_454] : memref<10112x128xf32, #tpu.memory_space<vmem_shared>> -> memref<10112x128xf32, #tpu.memory_space<vmem_shared>>
    tpu.wait_indirect_dma semaphore(%arg38 : memref<!tpu.dma_semaphore, #tpu.memory_space<semaphore_mem>>) src(%arg27 : memref<72x128xf32, #tpu.memory_space<vmem>>) dst(%dma_wait3A_455 : memref<10112x128xf32, #tpu.memory_space<vmem_shared>>)
    %add3A_456 = arith.constant 7 : i32
    %add3A_457 = arith.addi %mul3A_28, %add3A_456 : i32
    %add3A_458 = arith.constant 9 : i32
    %add3A_459 = arith.addi %add3A_457, %add3A_458 : i32
    %mul3A_460 = arith.constant 72 : i32
    %mul3A_461 = arith.muli %add3A_459, %mul3A_460 : i32
    %multiple_of3A_462 = tpu.assume_multiple %mul3A_461, 8 : i32
    %dma_start3A_463 = tpu.memref_slice %arg2[%multiple_of3A_462] : memref<322560xi32, #tpu.memory_space<hbm>> -> memref<72xi32, #tpu.memory_space<hbm>>
    %dma_start3A_464 = tpu.memref_slice %arg2[%multiple_of3A_462] : memref<322560xi32, #tpu.memory_space<hbm>> -> memref<72xi32, #tpu.memory_space<hbm>>
    tpu.enqueue_dma source(%dma_start3A_464 : memref<72xi32, #tpu.memory_space<hbm>>) target(%arg12 : memref<72xi32, #tpu.memory_space<vmem>>) target_semaphore(%arg48 : memref<!tpu.dma_semaphore, #tpu.memory_space<semaphore_mem>>)
    %add3A_465 = arith.constant 7 : i32
    %add3A_466 = arith.addi %mul3A_28, %add3A_465 : i32
    %add3A_467 = arith.constant 9 : i32
    %add3A_468 = arith.addi %add3A_466, %add3A_467 : i32
    %mul3A_469 = arith.constant 72 : i32
    %mul3A_470 = arith.muli %add3A_468, %mul3A_469 : i32
    %multiple_of3A_471 = tpu.assume_multiple %mul3A_470, 8 : i32
    %dma_start3A_472 = tpu.memref_slice %arg3[%multiple_of3A_471] : memref<322560xi32, #tpu.memory_space<hbm>> -> memref<72xi32, #tpu.memory_space<hbm>>
    %dma_start3A_473 = tpu.memref_slice %arg3[%multiple_of3A_471] : memref<322560xi32, #tpu.memory_space<hbm>> -> memref<72xi32, #tpu.memory_space<hbm>>
    tpu.enqueue_dma source(%dma_start3A_473 : memref<72xi32, #tpu.memory_space<hbm>>) target(%arg22 : memref<72xi32, #tpu.memory_space<vmem>>) target_semaphore(%arg58 : memref<!tpu.dma_semaphore, #tpu.memory_space<semaphore_mem>>)
    %dma_wait3A_474 = arith.constant 0 : i32
    %dma_wait3A_475 = tpu.memref_slice %arg2[%dma_wait3A_474] : memref<322560xi32, #tpu.memory_space<hbm>> -> memref<72xi32, #tpu.memory_space<hbm>>
    %dma_wait3A_476 = arith.constant 0 : i32
    %dma_wait3A_477 = tpu.memref_slice %arg2[%dma_wait3A_476] : memref<322560xi32, #tpu.memory_space<hbm>> -> memref<72xi32, #tpu.memory_space<hbm>>
    tpu.wait_dma2 semaphore(%arg43 : memref<!tpu.dma_semaphore, #tpu.memory_space<semaphore_mem>>) src(%dma_wait3A_477 : memref<72xi32, #tpu.memory_space<hbm>>) dst(%arg7 : memref<72xi32, #tpu.memory_space<vmem>>)
    %dma_start3A_478 = arith.constant 0 : i32
    %dma_start3A_479 = arith.constant 0 : i32
    %dma_start3A_480 = tpu.memref_slice %arg4[%dma_start3A_478, %dma_start3A_479] : memref<10000x128xf32, #tpu.memory_space<hbm>> -> memref<10000x128xf32, #tpu.memory_space<hbm>>
    tpu.enqueue_indirect_dma source(%dma_start3A_480 : memref<10000x128xf32, #tpu.memory_space<hbm>>) target(%arg27 : memref<72x128xf32, #tpu.memory_space<vmem>>) offsets(%arg7 : memref<72xi32, #tpu.memory_space<vmem>>) semaphore(%arg33 : memref<!tpu.dma_semaphore, #tpu.memory_space<semaphore_mem>>)
    %dma_wait3A_481 = arith.constant 0 : i32
    %dma_wait3A_482 = arith.constant 0 : i32
    %dma_wait3A_483 = tpu.memref_slice %arg4[%dma_wait3A_481, %dma_wait3A_482] : memref<10000x128xf32, #tpu.memory_space<hbm>> -> memref<10000x128xf32, #tpu.memory_space<hbm>>
    tpu.wait_indirect_dma semaphore(%arg35 : memref<!tpu.dma_semaphore, #tpu.memory_space<semaphore_mem>>) src(%dma_wait3A_483 : memref<10000x128xf32, #tpu.memory_space<hbm>>) dst(%arg29 : memref<72x128xf32, #tpu.memory_space<vmem>>)
    %dma_wait3A_484 = arith.constant 0 : i32
    %dma_wait3A_485 = tpu.memref_slice %arg3[%dma_wait3A_484] : memref<322560xi32, #tpu.memory_space<hbm>> -> memref<72xi32, #tpu.memory_space<hbm>>
    %dma_wait3A_486 = arith.constant 0 : i32
    %dma_wait3A_487 = tpu.memref_slice %arg3[%dma_wait3A_486] : memref<322560xi32, #tpu.memory_space<hbm>> -> memref<72xi32, #tpu.memory_space<hbm>>
    tpu.wait_dma2 semaphore(%arg60 : memref<!tpu.dma_semaphore, #tpu.memory_space<semaphore_mem>>) src(%dma_wait3A_487 : memref<72xi32, #tpu.memory_space<hbm>>) dst(%arg24 : memref<72xi32, #tpu.memory_space<vmem>>)
    %dma_start3A_488 = arith.constant 0 : i32
    %dma_start3A_489 = arith.constant 0 : i32
    %dma_start3A_490 = tpu.memref_slice %arg31[%dma_start3A_488, %dma_start3A_489] : memref<10112x128xf32, #tpu.memory_space<vmem_shared>> -> memref<10112x128xf32, #tpu.memory_space<vmem_shared>>
    tpu.enqueue_indirect_dma source(%arg29 : memref<72x128xf32, #tpu.memory_space<vmem>>) target(%dma_start3A_490 : memref<10112x128xf32, #tpu.memory_space<vmem_shared>>) offsets(%arg24 : memref<72xi32, #tpu.memory_space<vmem>>) semaphore(%arg40 : memref<!tpu.dma_semaphore, #tpu.memory_space<semaphore_mem>>) {add = true}
    %dma_wait3A_491 = arith.constant 0 : i32
    %dma_wait3A_492 = arith.constant 0 : i32
    %dma_wait3A_493 = tpu.memref_slice %arg31[%dma_wait3A_491, %dma_wait3A_492] : memref<10112x128xf32, #tpu.memory_space<vmem_shared>> -> memref<10112x128xf32, #tpu.memory_space<vmem_shared>>
    tpu.wait_indirect_dma semaphore(%arg39 : memref<!tpu.dma_semaphore, #tpu.memory_space<semaphore_mem>>) src(%arg28 : memref<72x128xf32, #tpu.memory_space<vmem>>) dst(%dma_wait3A_493 : memref<10112x128xf32, #tpu.memory_space<vmem_shared>>)
    %add3A_494 = arith.constant 8 : i32
    %add3A_495 = arith.addi %mul3A_28, %add3A_494 : i32
    %add3A_496 = arith.constant 9 : i32
    %add3A_497 = arith.addi %add3A_495, %add3A_496 : i32
    %mul3A_498 = arith.constant 72 : i32
    %mul3A_499 = arith.muli %add3A_497, %mul3A_498 : i32
    %multiple_of3A_500 = tpu.assume_multiple %mul3A_499, 8 : i32
    %dma_start3A_501 = tpu.memref_slice %arg2[%multiple_of3A_500] : memref<322560xi32, #tpu.memory_space<hbm>> -> memref<72xi32, #tpu.memory_space<hbm>>
    %dma_start3A_502 = tpu.memref_slice %arg2[%multiple_of3A_500] : memref<322560xi32, #tpu.memory_space<hbm>> -> memref<72xi32, #tpu.memory_space<hbm>>
    tpu.enqueue_dma source(%dma_start3A_502 : memref<72xi32, #tpu.memory_space<hbm>>) target(%arg13 : memref<72xi32, #tpu.memory_space<vmem>>) target_semaphore(%arg49 : memref<!tpu.dma_semaphore, #tpu.memory_space<semaphore_mem>>)
    %add3A_503 = arith.constant 8 : i32
    %add3A_504 = arith.addi %mul3A_28, %add3A_503 : i32
    %add3A_505 = arith.constant 9 : i32
    %add3A_506 = arith.addi %add3A_504, %add3A_505 : i32
    %mul3A_507 = arith.constant 72 : i32
    %mul3A_508 = arith.muli %add3A_506, %mul3A_507 : i32
    %multiple_of3A_509 = tpu.assume_multiple %mul3A_508, 8 : i32
    %dma_start3A_510 = tpu.memref_slice %arg3[%multiple_of3A_509] : memref<322560xi32, #tpu.memory_space<hbm>> -> memref<72xi32, #tpu.memory_space<hbm>>
    %dma_start3A_511 = tpu.memref_slice %arg3[%multiple_of3A_509] : memref<322560xi32, #tpu.memory_space<hbm>> -> memref<72xi32, #tpu.memory_space<hbm>>
    tpu.enqueue_dma source(%dma_start3A_511 : memref<72xi32, #tpu.memory_space<hbm>>) target(%arg23 : memref<72xi32, #tpu.memory_space<vmem>>) target_semaphore(%arg59 : memref<!tpu.dma_semaphore, #tpu.memory_space<semaphore_mem>>)
    %dma_wait3A_512 = arith.constant 0 : i32
    %dma_wait3A_513 = tpu.memref_slice %arg2[%dma_wait3A_512] : memref<322560xi32, #tpu.memory_space<hbm>> -> memref<72xi32, #tpu.memory_space<hbm>>
    %dma_wait3A_514 = arith.constant 0 : i32
    %dma_wait3A_515 = tpu.memref_slice %arg2[%dma_wait3A_514] : memref<322560xi32, #tpu.memory_space<hbm>> -> memref<72xi32, #tpu.memory_space<hbm>>
    tpu.wait_dma2 semaphore(%arg44 : memref<!tpu.dma_semaphore, #tpu.memory_space<semaphore_mem>>) src(%dma_wait3A_515 : memref<72xi32, #tpu.memory_space<hbm>>) dst(%arg8 : memref<72xi32, #tpu.memory_space<vmem>>)
    %dma_start3A_516 = arith.constant 0 : i32
    %dma_start3A_517 = arith.constant 0 : i32
    %dma_start3A_518 = tpu.memref_slice %arg4[%dma_start3A_516, %dma_start3A_517] : memref<10000x128xf32, #tpu.memory_space<hbm>> -> memref<10000x128xf32, #tpu.memory_space<hbm>>
    tpu.enqueue_indirect_dma source(%dma_start3A_518 : memref<10000x128xf32, #tpu.memory_space<hbm>>) target(%arg28 : memref<72x128xf32, #tpu.memory_space<vmem>>) offsets(%arg8 : memref<72xi32, #tpu.memory_space<vmem>>) semaphore(%arg34 : memref<!tpu.dma_semaphore, #tpu.memory_space<semaphore_mem>>)
    %dma_wait3A_519 = arith.constant 0 : i32
    %dma_wait3A_520 = arith.constant 0 : i32
    %dma_wait3A_521 = tpu.memref_slice %arg4[%dma_wait3A_519, %dma_wait3A_520] : memref<10000x128xf32, #tpu.memory_space<hbm>> -> memref<10000x128xf32, #tpu.memory_space<hbm>>
    tpu.wait_indirect_dma semaphore(%arg36 : memref<!tpu.dma_semaphore, #tpu.memory_space<semaphore_mem>>) src(%dma_wait3A_521 : memref<10000x128xf32, #tpu.memory_space<hbm>>) dst(%arg30 : memref<72x128xf32, #tpu.memory_space<vmem>>)
    %dma_wait3A_522 = arith.constant 0 : i32
    %dma_wait3A_523 = tpu.memref_slice %arg3[%dma_wait3A_522] : memref<322560xi32, #tpu.memory_space<hbm>> -> memref<72xi32, #tpu.memory_space<hbm>>
    %dma_wait3A_524 = arith.constant 0 : i32
    %dma_wait3A_525 = tpu.memref_slice %arg3[%dma_wait3A_524] : memref<322560xi32, #tpu.memory_space<hbm>> -> memref<72xi32, #tpu.memory_space<hbm>>
    tpu.wait_dma2 semaphore(%arg61 : memref<!tpu.dma_semaphore, #tpu.memory_space<semaphore_mem>>) src(%dma_wait3A_525 : memref<72xi32, #tpu.memory_space<hbm>>) dst(%arg25 : memref<72xi32, #tpu.memory_space<vmem>>)
    %dma_start3A_526 = arith.constant 0 : i32
    %dma_start3A_527 = arith.constant 0 : i32
    %dma_start3A_528 = tpu.memref_slice %arg31[%dma_start3A_526, %dma_start3A_527] : memref<10112x128xf32, #tpu.memory_space<vmem_shared>> -> memref<10112x128xf32, #tpu.memory_space<vmem_shared>>
    tpu.enqueue_indirect_dma source(%arg30 : memref<72x128xf32, #tpu.memory_space<vmem>>) target(%dma_start3A_528 : memref<10112x128xf32, #tpu.memory_space<vmem_shared>>) offsets(%arg25 : memref<72xi32, #tpu.memory_space<vmem>>) semaphore(%arg41 : memref<!tpu.dma_semaphore, #tpu.memory_space<semaphore_mem>>) {add = true}
    %dma_wait3A_529 = arith.constant 0 : i32
    %dma_wait3A_530 = arith.constant 0 : i32
    %dma_wait3A_531 = tpu.memref_slice %arg31[%dma_wait3A_529, %dma_wait3A_530] : memref<10112x128xf32, #tpu.memory_space<vmem_shared>> -> memref<10112x128xf32, #tpu.memory_space<vmem_shared>>
    tpu.wait_indirect_dma semaphore(%arg40 : memref<!tpu.dma_semaphore, #tpu.memory_space<semaphore_mem>>) src(%arg29 : memref<72x128xf32, #tpu.memory_space<vmem>>) dst(%dma_wait3A_531 : memref<10112x128xf32, #tpu.memory_space<vmem_shared>>)
    %add3A_532 = arith.constant 9 : i32
    %add3A_533 = arith.addi %mul3A_28, %add3A_532 : i32
    %add3A_534 = arith.constant 9 : i32
    %add3A_535 = arith.addi %add3A_533, %add3A_534 : i32
    %mul3A_536 = arith.constant 72 : i32
    %mul3A_537 = arith.muli %add3A_535, %mul3A_536 : i32
    %multiple_of3A_538 = tpu.assume_multiple %mul3A_537, 8 : i32
    %dma_start3A_539 = tpu.memref_slice %arg2[%multiple_of3A_538] : memref<322560xi32, #tpu.memory_space<hbm>> -> memref<72xi32, #tpu.memory_space<hbm>>
    %dma_start3A_540 = tpu.memref_slice %arg2[%multiple_of3A_538] : memref<322560xi32, #tpu.memory_space<hbm>> -> memref<72xi32, #tpu.memory_space<hbm>>
    tpu.enqueue_dma source(%dma_start3A_540 : memref<72xi32, #tpu.memory_space<hbm>>) target(%arg14 : memref<72xi32, #tpu.memory_space<vmem>>) target_semaphore(%arg50 : memref<!tpu.dma_semaphore, #tpu.memory_space<semaphore_mem>>)
    %add3A_541 = arith.constant 9 : i32
    %add3A_542 = arith.addi %mul3A_28, %add3A_541 : i32
    %add3A_543 = arith.constant 9 : i32
    %add3A_544 = arith.addi %add3A_542, %add3A_543 : i32
    %mul3A_545 = arith.constant 72 : i32
    %mul3A_546 = arith.muli %add3A_544, %mul3A_545 : i32
    %multiple_of3A_547 = tpu.assume_multiple %mul3A_546, 8 : i32
    %dma_start3A_548 = tpu.memref_slice %arg3[%multiple_of3A_547] : memref<322560xi32, #tpu.memory_space<hbm>> -> memref<72xi32, #tpu.memory_space<hbm>>
    %dma_start3A_549 = tpu.memref_slice %arg3[%multiple_of3A_547] : memref<322560xi32, #tpu.memory_space<hbm>> -> memref<72xi32, #tpu.memory_space<hbm>>
    tpu.enqueue_dma source(%dma_start3A_549 : memref<72xi32, #tpu.memory_space<hbm>>) target(%arg24 : memref<72xi32, #tpu.memory_space<vmem>>) target_semaphore(%arg60 : memref<!tpu.dma_semaphore, #tpu.memory_space<semaphore_mem>>)
    %dma_wait3A_550 = arith.constant 0 : i32
    %dma_wait3A_551 = tpu.memref_slice %arg2[%dma_wait3A_550] : memref<322560xi32, #tpu.memory_space<hbm>> -> memref<72xi32, #tpu.memory_space<hbm>>
    %dma_wait3A_552 = arith.constant 0 : i32
    %dma_wait3A_553 = tpu.memref_slice %arg2[%dma_wait3A_552] : memref<322560xi32, #tpu.memory_space<hbm>> -> memref<72xi32, #tpu.memory_space<hbm>>
    tpu.wait_dma2 semaphore(%arg45 : memref<!tpu.dma_semaphore, #tpu.memory_space<semaphore_mem>>) src(%dma_wait3A_553 : memref<72xi32, #tpu.memory_space<hbm>>) dst(%arg9 : memref<72xi32, #tpu.memory_space<vmem>>)
    %dma_start3A_554 = arith.constant 0 : i32
    %dma_start3A_555 = arith.constant 0 : i32
    %dma_start3A_556 = tpu.memref_slice %arg4[%dma_start3A_554, %dma_start3A_555] : memref<10000x128xf32, #tpu.memory_space<hbm>> -> memref<10000x128xf32, #tpu.memory_space<hbm>>
    tpu.enqueue_indirect_dma source(%dma_start3A_556 : memref<10000x128xf32, #tpu.memory_space<hbm>>) target(%arg29 : memref<72x128xf32, #tpu.memory_space<vmem>>) offsets(%arg9 : memref<72xi32, #tpu.memory_space<vmem>>) semaphore(%arg35 : memref<!tpu.dma_semaphore, #tpu.memory_space<semaphore_mem>>)
    %scan3A_557 = arith.constant 0 : i32
    %scan3A_558 = arith.constant 1 : i32
    %scan3A_559 = arith.constant 12 : i32
    %scan3A_560 = arith.addi %scan3A_558, %scan3A_559 : i32
    %scan3A_561 = arith.constant 1 : i32
    %scan3A_562 = scf.for %scan3A_758 = %scan3A_558 to %scan3A_560 step %scan3A_561 iter_args(%scan3A_759 = %scan3A_557) -> (i32)  : i32 {
      %mul3A_760 = arith.constant 10 : i32
      %mul3A_761 = arith.muli %scan3A_758, %mul3A_760 : i32
      %add3A_762 = arith.constant 0 : i32
      %add3A_763 = arith.addi %mul3A_761, %add3A_762 : i32
      %dma_wait3A_764 = arith.constant 0 : i32
      %dma_wait3A_765 = arith.constant 0 : i32
      %dma_wait3A_766 = tpu.memref_slice %arg4[%dma_wait3A_764, %dma_wait3A_765] : memref<10000x128xf32, #tpu.memory_space<hbm>> -> memref<10000x128xf32, #tpu.memory_space<hbm>>
      tpu.wait_indirect_dma semaphore(%arg32 : memref<!tpu.dma_semaphore, #tpu.memory_space<semaphore_mem>>) src(%dma_wait3A_766 : memref<10000x128xf32, #tpu.memory_space<hbm>>) dst(%arg26 : memref<72x128xf32, #tpu.memory_space<vmem>>)
      %dma_wait3A_767 = arith.constant 0 : i32
      %dma_wait3A_768 = tpu.memref_slice %arg3[%dma_wait3A_767] : memref<322560xi32, #tpu.memory_space<hbm>> -> memref<72xi32, #tpu.memory_space<hbm>>
      %dma_wait3A_769 = arith.constant 0 : i32
      %dma_wait3A_770 = tpu.memref_slice %arg3[%dma_wait3A_769] : memref<322560xi32, #tpu.memory_space<hbm>> -> memref<72xi32, #tpu.memory_space<hbm>>
      tpu.wait_dma2 semaphore(%arg52 : memref<!tpu.dma_semaphore, #tpu.memory_space<semaphore_mem>>) src(%dma_wait3A_770 : memref<72xi32, #tpu.memory_space<hbm>>) dst(%arg16 : memref<72xi32, #tpu.memory_space<vmem>>)
      %dma_start3A_771 = arith.constant 0 : i32
      %dma_start3A_772 = arith.constant 0 : i32
      %dma_start3A_773 = tpu.memref_slice %arg31[%dma_start3A_771, %dma_start3A_772] : memref<10112x128xf32, #tpu.memory_space<vmem_shared>> -> memref<10112x128xf32, #tpu.memory_space<vmem_shared>>
      tpu.enqueue_indirect_dma source(%arg26 : memref<72x128xf32, #tpu.memory_space<vmem>>) target(%dma_start3A_773 : memref<10112x128xf32, #tpu.memory_space<vmem_shared>>) offsets(%arg16 : memref<72xi32, #tpu.memory_space<vmem>>) semaphore(%arg37 : memref<!tpu.dma_semaphore, #tpu.memory_space<semaphore_mem>>) {add = true}
      %dma_wait3A_774 = arith.constant 0 : i32
      %dma_wait3A_775 = arith.constant 0 : i32
      %dma_wait3A_776 = tpu.memref_slice %arg31[%dma_wait3A_774, %dma_wait3A_775] : memref<10112x128xf32, #tpu.memory_space<vmem_shared>> -> memref<10112x128xf32, #tpu.memory_space<vmem_shared>>
      tpu.wait_indirect_dma semaphore(%arg41 : memref<!tpu.dma_semaphore, #tpu.memory_space<semaphore_mem>>) src(%arg30 : memref<72x128xf32, #tpu.memory_space<vmem>>) dst(%dma_wait3A_776 : memref<10112x128xf32, #tpu.memory_space<vmem_shared>>)
      %add3A_777 = arith.addi %mul3A_28, %add3A_763 : i32
      %add3A_778 = arith.constant 9 : i32
      %add3A_779 = arith.addi %add3A_777, %add3A_778 : i32
      %mul3A_780 = arith.constant 72 : i32
      %mul3A_781 = arith.muli %add3A_779, %mul3A_780 : i32
      %multiple_of3A_782 = tpu.assume_multiple %mul3A_781, 8 : i32
      %dma_start3A_783 = tpu.memref_slice %arg2[%multiple_of3A_782] : memref<322560xi32, #tpu.memory_space<hbm>> -> memref<72xi32, #tpu.memory_space<hbm>>
      %dma_start3A_784 = tpu.memref_slice %arg2[%multiple_of3A_782] : memref<322560xi32, #tpu.memory_space<hbm>> -> memref<72xi32, #tpu.memory_space<hbm>>
      tpu.enqueue_dma source(%dma_start3A_784 : memref<72xi32, #tpu.memory_space<hbm>>) target(%arg15 : memref<72xi32, #tpu.memory_space<vmem>>) target_semaphore(%arg51 : memref<!tpu.dma_semaphore, #tpu.memory_space<semaphore_mem>>)
      %add3A_785 = arith.addi %mul3A_28, %add3A_763 : i32
      %add3A_786 = arith.constant 9 : i32
      %add3A_787 = arith.addi %add3A_785, %add3A_786 : i32
      %mul3A_788 = arith.constant 72 : i32
      %mul3A_789 = arith.muli %add3A_787, %mul3A_788 : i32
      %multiple_of3A_790 = tpu.assume_multiple %mul3A_789, 8 : i32
      %dma_start3A_791 = tpu.memref_slice %arg3[%multiple_of3A_790] : memref<322560xi32, #tpu.memory_space<hbm>> -> memref<72xi32, #tpu.memory_space<hbm>>
      %dma_start3A_792 = tpu.memref_slice %arg3[%multiple_of3A_790] : memref<322560xi32, #tpu.memory_space<hbm>> -> memref<72xi32, #tpu.memory_space<hbm>>
      tpu.enqueue_dma source(%dma_start3A_792 : memref<72xi32, #tpu.memory_space<hbm>>) target(%arg25 : memref<72xi32, #tpu.memory_space<vmem>>) target_semaphore(%arg61 : memref<!tpu.dma_semaphore, #tpu.memory_space<semaphore_mem>>)
      %dma_wait3A_793 = arith.constant 0 : i32
      %dma_wait3A_794 = tpu.memref_slice %arg2[%dma_wait3A_793] : memref<322560xi32, #tpu.memory_space<hbm>> -> memref<72xi32, #tpu.memory_space<hbm>>
      %dma_wait3A_795 = arith.constant 0 : i32
      %dma_wait3A_796 = tpu.memref_slice %arg2[%dma_wait3A_795] : memref<322560xi32, #tpu.memory_space<hbm>> -> memref<72xi32, #tpu.memory_space<hbm>>
      tpu.wait_dma2 semaphore(%arg46 : memref<!tpu.dma_semaphore, #tpu.memory_space<semaphore_mem>>) src(%dma_wait3A_796 : memref<72xi32, #tpu.memory_space<hbm>>) dst(%arg10 : memref<72xi32, #tpu.memory_space<vmem>>)
      %dma_start3A_797 = arith.constant 0 : i32
      %dma_start3A_798 = arith.constant 0 : i32
      %dma_start3A_799 = tpu.memref_slice %arg4[%dma_start3A_797, %dma_start3A_798] : memref<10000x128xf32, #tpu.memory_space<hbm>> -> memref<10000x128xf32, #tpu.memory_space<hbm>>
      tpu.enqueue_indirect_dma source(%dma_start3A_799 : memref<10000x128xf32, #tpu.memory_space<hbm>>) target(%arg30 : memref<72x128xf32, #tpu.memory_space<vmem>>) offsets(%arg10 : memref<72xi32, #tpu.memory_space<vmem>>) semaphore(%arg36 : memref<!tpu.dma_semaphore, #tpu.memory_space<semaphore_mem>>)
      %mul3A_800 = arith.constant 10 : i32
      %mul3A_801 = arith.muli %scan3A_758, %mul3A_800 : i32
      %add3A_802 = arith.constant 1 : i32
      %add3A_803 = arith.addi %mul3A_801, %add3A_802 : i32
      %dma_wait3A_804 = arith.constant 0 : i32
      %dma_wait3A_805 = arith.constant 0 : i32
      %dma_wait3A_806 = tpu.memref_slice %arg4[%dma_wait3A_804, %dma_wait3A_805] : memref<10000x128xf32, #tpu.memory_space<hbm>> -> memref<10000x128xf32, #tpu.memory_space<hbm>>
      tpu.wait_indirect_dma semaphore(%arg33 : memref<!tpu.dma_semaphore, #tpu.memory_space<semaphore_mem>>) src(%dma_wait3A_806 : memref<10000x128xf32, #tpu.memory_space<hbm>>) dst(%arg27 : memref<72x128xf32, #tpu.memory_space<vmem>>)
      %dma_wait3A_807 = arith.constant 0 : i32
      %dma_wait3A_808 = tpu.memref_slice %arg3[%dma_wait3A_807] : memref<322560xi32, #tpu.memory_space<hbm>> -> memref<72xi32, #tpu.memory_space<hbm>>
      %dma_wait3A_809 = arith.constant 0 : i32
      %dma_wait3A_810 = tpu.memref_slice %arg3[%dma_wait3A_809] : memref<322560xi32, #tpu.memory_space<hbm>> -> memref<72xi32, #tpu.memory_space<hbm>>
      tpu.wait_dma2 semaphore(%arg53 : memref<!tpu.dma_semaphore, #tpu.memory_space<semaphore_mem>>) src(%dma_wait3A_810 : memref<72xi32, #tpu.memory_space<hbm>>) dst(%arg17 : memref<72xi32, #tpu.memory_space<vmem>>)
      %dma_start3A_811 = arith.constant 0 : i32
      %dma_start3A_812 = arith.constant 0 : i32
      %dma_start3A_813 = tpu.memref_slice %arg31[%dma_start3A_811, %dma_start3A_812] : memref<10112x128xf32, #tpu.memory_space<vmem_shared>> -> memref<10112x128xf32, #tpu.memory_space<vmem_shared>>
      tpu.enqueue_indirect_dma source(%arg27 : memref<72x128xf32, #tpu.memory_space<vmem>>) target(%dma_start3A_813 : memref<10112x128xf32, #tpu.memory_space<vmem_shared>>) offsets(%arg17 : memref<72xi32, #tpu.memory_space<vmem>>) semaphore(%arg38 : memref<!tpu.dma_semaphore, #tpu.memory_space<semaphore_mem>>) {add = true}
      %dma_wait3A_814 = arith.constant 0 : i32
      %dma_wait3A_815 = arith.constant 0 : i32
      %dma_wait3A_816 = tpu.memref_slice %arg31[%dma_wait3A_814, %dma_wait3A_815] : memref<10112x128xf32, #tpu.memory_space<vmem_shared>> -> memref<10112x128xf32, #tpu.memory_space<vmem_shared>>
      tpu.wait_indirect_dma semaphore(%arg37 : memref<!tpu.dma_semaphore, #tpu.memory_space<semaphore_mem>>) src(%arg26 : memref<72x128xf32, #tpu.memory_space<vmem>>) dst(%dma_wait3A_816 : memref<10112x128xf32, #tpu.memory_space<vmem_shared>>)
      %add3A_817 = arith.addi %mul3A_28, %add3A_803 : i32
      %add3A_818 = arith.constant 9 : i32
      %add3A_819 = arith.addi %add3A_817, %add3A_818 : i32
      %mul3A_820 = arith.constant 72 : i32
      %mul3A_821 = arith.muli %add3A_819, %mul3A_820 : i32
      %multiple_of3A_822 = tpu.assume_multiple %mul3A_821, 8 : i32
      %dma_start3A_823 = tpu.memref_slice %arg2[%multiple_of3A_822] : memref<322560xi32, #tpu.memory_space<hbm>> -> memref<72xi32, #tpu.memory_space<hbm>>
      %dma_start3A_824 = tpu.memref_slice %arg2[%multiple_of3A_822] : memref<322560xi32, #tpu.memory_space<hbm>> -> memref<72xi32, #tpu.memory_space<hbm>>
      tpu.enqueue_dma source(%dma_start3A_824 : memref<72xi32, #tpu.memory_space<hbm>>) target(%arg6 : memref<72xi32, #tpu.memory_space<vmem>>) target_semaphore(%arg42 : memref<!tpu.dma_semaphore, #tpu.memory_space<semaphore_mem>>)
      %add3A_825 = arith.addi %mul3A_28, %add3A_803 : i32
      %add3A_826 = arith.constant 9 : i32
      %add3A_827 = arith.addi %add3A_825, %add3A_826 : i32
      %mul3A_828 = arith.constant 72 : i32
      %mul3A_829 = arith.muli %add3A_827, %mul3A_828 : i32
      %multiple_of3A_830 = tpu.assume_multiple %mul3A_829, 8 : i32
      %dma_start3A_831 = tpu.memref_slice %arg3[%multiple_of3A_830] : memref<322560xi32, #tpu.memory_space<hbm>> -> memref<72xi32, #tpu.memory_space<hbm>>
      %dma_start3A_832 = tpu.memref_slice %arg3[%multiple_of3A_830] : memref<322560xi32, #tpu.memory_space<hbm>> -> memref<72xi32, #tpu.memory_space<hbm>>
      tpu.enqueue_dma source(%dma_start3A_832 : memref<72xi32, #tpu.memory_space<hbm>>) target(%arg16 : memref<72xi32, #tpu.memory_space<vmem>>) target_semaphore(%arg52 : memref<!tpu.dma_semaphore, #tpu.memory_space<semaphore_mem>>)
      %dma_wait3A_833 = arith.constant 0 : i32
      %dma_wait3A_834 = tpu.memref_slice %arg2[%dma_wait3A_833] : memref<322560xi32, #tpu.memory_space<hbm>> -> memref<72xi32, #tpu.memory_space<hbm>>
      %dma_wait3A_835 = arith.constant 0 : i32
      %dma_wait3A_836 = tpu.memref_slice %arg2[%dma_wait3A_835] : memref<322560xi32, #tpu.memory_space<hbm>> -> memref<72xi32, #tpu.memory_space<hbm>>
      tpu.wait_dma2 semaphore(%arg47 : memref<!tpu.dma_semaphore, #tpu.memory_space<semaphore_mem>>) src(%dma_wait3A_836 : memref<72xi32, #tpu.memory_space<hbm>>) dst(%arg11 : memref<72xi32, #tpu.memory_space<vmem>>)
      %dma_start3A_837 = arith.constant 0 : i32
      %dma_start3A_838 = arith.constant 0 : i32
      %dma_start3A_839 = tpu.memref_slice %arg4[%dma_start3A_837, %dma_start3A_838] : memref<10000x128xf32, #tpu.memory_space<hbm>> -> memref<10000x128xf32, #tpu.memory_space<hbm>>
      tpu.enqueue_indirect_dma source(%dma_start3A_839 : memref<10000x128xf32, #tpu.memory_space<hbm>>) target(%arg26 : memref<72x128xf32, #tpu.memory_space<vmem>>) offsets(%arg11 : memref<72xi32, #tpu.memory_space<vmem>>) semaphore(%arg32 : memref<!tpu.dma_semaphore, #tpu.memory_space<semaphore_mem>>)
      %mul3A_840 = arith.constant 10 : i32
      %mul3A_841 = arith.muli %scan3A_758, %mul3A_840 : i32
      %add3A_842 = arith.constant 2 : i32
      %add3A_843 = arith.addi %mul3A_841, %add3A_842 : i32
      %dma_wait3A_844 = arith.constant 0 : i32
      %dma_wait3A_845 = arith.constant 0 : i32
      %dma_wait3A_846 = tpu.memref_slice %arg4[%dma_wait3A_844, %dma_wait3A_845] : memref<10000x128xf32, #tpu.memory_space<hbm>> -> memref<10000x128xf32, #tpu.memory_space<hbm>>
      tpu.wait_indirect_dma semaphore(%arg34 : memref<!tpu.dma_semaphore, #tpu.memory_space<semaphore_mem>>) src(%dma_wait3A_846 : memref<10000x128xf32, #tpu.memory_space<hbm>>) dst(%arg28 : memref<72x128xf32, #tpu.memory_space<vmem>>)
      %dma_wait3A_847 = arith.constant 0 : i32
      %dma_wait3A_848 = tpu.memref_slice %arg3[%dma_wait3A_847] : memref<322560xi32, #tpu.memory_space<hbm>> -> memref<72xi32, #tpu.memory_space<hbm>>
      %dma_wait3A_849 = arith.constant 0 : i32
      %dma_wait3A_850 = tpu.memref_slice %arg3[%dma_wait3A_849] : memref<322560xi32, #tpu.memory_space<hbm>> -> memref<72xi32, #tpu.memory_space<hbm>>
      tpu.wait_dma2 semaphore(%arg54 : memref<!tpu.dma_semaphore, #tpu.memory_space<semaphore_mem>>) src(%dma_wait3A_850 : memref<72xi32, #tpu.memory_space<hbm>>) dst(%arg18 : memref<72xi32, #tpu.memory_space<vmem>>)
      %dma_start3A_851 = arith.constant 0 : i32
      %dma_start3A_852 = arith.constant 0 : i32
      %dma_start3A_853 = tpu.memref_slice %arg31[%dma_start3A_851, %dma_start3A_852] : memref<10112x128xf32, #tpu.memory_space<vmem_shared>> -> memref<10112x128xf32, #tpu.memory_space<vmem_shared>>
      tpu.enqueue_indirect_dma source(%arg28 : memref<72x128xf32, #tpu.memory_space<vmem>>) target(%dma_start3A_853 : memref<10112x128xf32, #tpu.memory_space<vmem_shared>>) offsets(%arg18 : memref<72xi32, #tpu.memory_space<vmem>>) semaphore(%arg39 : memref<!tpu.dma_semaphore, #tpu.memory_space<semaphore_mem>>) {add = true}
      %dma_wait3A_854 = arith.constant 0 : i32
      %dma_wait3A_855 = arith.constant 0 : i32
      %dma_wait3A_856 = tpu.memref_slice %arg31[%dma_wait3A_854, %dma_wait3A_855] : memref<10112x128xf32, #tpu.memory_space<vmem_shared>> -> memref<10112x128xf32, #tpu.memory_space<vmem_shared>>
      tpu.wait_indirect_dma semaphore(%arg38 : memref<!tpu.dma_semaphore, #tpu.memory_space<semaphore_mem>>) src(%arg27 : memref<72x128xf32, #tpu.memory_space<vmem>>) dst(%dma_wait3A_856 : memref<10112x128xf32, #tpu.memory_space<vmem_shared>>)
      %add3A_857 = arith.addi %mul3A_28, %add3A_843 : i32
      %add3A_858 = arith.constant 9 : i32
      %add3A_859 = arith.addi %add3A_857, %add3A_858 : i32
      %mul3A_860 = arith.constant 72 : i32
      %mul3A_861 = arith.muli %add3A_859, %mul3A_860 : i32
      %multiple_of3A_862 = tpu.assume_multiple %mul3A_861, 8 : i32
      %dma_start3A_863 = tpu.memref_slice %arg2[%multiple_of3A_862] : memref<322560xi32, #tpu.memory_space<hbm>> -> memref<72xi32, #tpu.memory_space<hbm>>
      %dma_start3A_864 = tpu.memref_slice %arg2[%multiple_of3A_862] : memref<322560xi32, #tpu.memory_space<hbm>> -> memref<72xi32, #tpu.memory_space<hbm>>
      tpu.enqueue_dma source(%dma_start3A_864 : memref<72xi32, #tpu.memory_space<hbm>>) target(%arg7 : memref<72xi32, #tpu.memory_space<vmem>>) target_semaphore(%arg43 : memref<!tpu.dma_semaphore, #tpu.memory_space<semaphore_mem>>)
      %add3A_865 = arith.addi %mul3A_28, %add3A_843 : i32
      %add3A_866 = arith.constant 9 : i32
      %add3A_867 = arith.addi %add3A_865, %add3A_866 : i32
      %mul3A_868 = arith.constant 72 : i32
      %mul3A_869 = arith.muli %add3A_867, %mul3A_868 : i32
      %multiple_of3A_870 = tpu.assume_multiple %mul3A_869, 8 : i32
      %dma_start3A_871 = tpu.memref_slice %arg3[%multiple_of3A_870] : memref<322560xi32, #tpu.memory_space<hbm>> -> memref<72xi32, #tpu.memory_space<hbm>>
      %dma_start3A_872 = tpu.memref_slice %arg3[%multiple_of3A_870] : memref<322560xi32, #tpu.memory_space<hbm>> -> memref<72xi32, #tpu.memory_space<hbm>>
      tpu.enqueue_dma source(%dma_start3A_872 : memref<72xi32, #tpu.memory_space<hbm>>) target(%arg17 : memref<72xi32, #tpu.memory_space<vmem>>) target_semaphore(%arg53 : memref<!tpu.dma_semaphore, #tpu.memory_space<semaphore_mem>>)
      %dma_wait3A_873 = arith.constant 0 : i32
      %dma_wait3A_874 = tpu.memref_slice %arg2[%dma_wait3A_873] : memref<322560xi32, #tpu.memory_space<hbm>> -> memref<72xi32, #tpu.memory_space<hbm>>
      %dma_wait3A_875 = arith.constant 0 : i32
      %dma_wait3A_876 = tpu.memref_slice %arg2[%dma_wait3A_875] : memref<322560xi32, #tpu.memory_space<hbm>> -> memref<72xi32, #tpu.memory_space<hbm>>
      tpu.wait_dma2 semaphore(%arg48 : memref<!tpu.dma_semaphore, #tpu.memory_space<semaphore_mem>>) src(%dma_wait3A_876 : memref<72xi32, #tpu.memory_space<hbm>>) dst(%arg12 : memref<72xi32, #tpu.memory_space<vmem>>)
      %dma_start3A_877 = arith.constant 0 : i32
      %dma_start3A_878 = arith.constant 0 : i32
      %dma_start3A_879 = tpu.memref_slice %arg4[%dma_start3A_877, %dma_start3A_878] : memref<10000x128xf32, #tpu.memory_space<hbm>> -> memref<10000x128xf32, #tpu.memory_space<hbm>>
      tpu.enqueue_indirect_dma source(%dma_start3A_879 : memref<10000x128xf32, #tpu.memory_space<hbm>>) target(%arg27 : memref<72x128xf32, #tpu.memory_space<vmem>>) offsets(%arg12 : memref<72xi32, #tpu.memory_space<vmem>>) semaphore(%arg33 : memref<!tpu.dma_semaphore, #tpu.memory_space<semaphore_mem>>)
      %mul3A_880 = arith.constant 10 : i32
      %mul3A_881 = arith.muli %scan3A_758, %mul3A_880 : i32
      %add3A_882 = arith.constant 3 : i32
      %add3A_883 = arith.addi %mul3A_881, %add3A_882 : i32
      %dma_wait3A_884 = arith.constant 0 : i32
      %dma_wait3A_885 = arith.constant 0 : i32
      %dma_wait3A_886 = tpu.memref_slice %arg4[%dma_wait3A_884, %dma_wait3A_885] : memref<10000x128xf32, #tpu.memory_space<hbm>> -> memref<10000x128xf32, #tpu.memory_space<hbm>>
      tpu.wait_indirect_dma semaphore(%arg35 : memref<!tpu.dma_semaphore, #tpu.memory_space<semaphore_mem>>) src(%dma_wait3A_886 : memref<10000x128xf32, #tpu.memory_space<hbm>>) dst(%arg29 : memref<72x128xf32, #tpu.memory_space<vmem>>)
      %dma_wait3A_887 = arith.constant 0 : i32
      %dma_wait3A_888 = tpu.memref_slice %arg3[%dma_wait3A_887] : memref<322560xi32, #tpu.memory_space<hbm>> -> memref<72xi32, #tpu.memory_space<hbm>>
      %dma_wait3A_889 = arith.constant 0 : i32
      %dma_wait3A_890 = tpu.memref_slice %arg3[%dma_wait3A_889] : memref<322560xi32, #tpu.memory_space<hbm>> -> memref<72xi32, #tpu.memory_space<hbm>>
      tpu.wait_dma2 semaphore(%arg55 : memref<!tpu.dma_semaphore, #tpu.memory_space<semaphore_mem>>) src(%dma_wait3A_890 : memref<72xi32, #tpu.memory_space<hbm>>) dst(%arg19 : memref<72xi32, #tpu.memory_space<vmem>>)
      %dma_start3A_891 = arith.constant 0 : i32
      %dma_start3A_892 = arith.constant 0 : i32
      %dma_start3A_893 = tpu.memref_slice %arg31[%dma_start3A_891, %dma_start3A_892] : memref<10112x128xf32, #tpu.memory_space<vmem_shared>> -> memref<10112x128xf32, #tpu.memory_space<vmem_shared>>
      tpu.enqueue_indirect_dma source(%arg29 : memref<72x128xf32, #tpu.memory_space<vmem>>) target(%dma_start3A_893 : memref<10112x128xf32, #tpu.memory_space<vmem_shared>>) offsets(%arg19 : memref<72xi32, #tpu.memory_space<vmem>>) semaphore(%arg40 : memref<!tpu.dma_semaphore, #tpu.memory_space<semaphore_mem>>) {add = true}
      %dma_wait3A_894 = arith.constant 0 : i32
      %dma_wait3A_895 = arith.constant 0 : i32
      %dma_wait3A_896 = tpu.memref_slice %arg31[%dma_wait3A_894, %dma_wait3A_895] : memref<10112x128xf32, #tpu.memory_space<vmem_shared>> -> memref<10112x128xf32, #tpu.memory_space<vmem_shared>>
      tpu.wait_indirect_dma semaphore(%arg39 : memref<!tpu.dma_semaphore, #tpu.memory_space<semaphore_mem>>) src(%arg28 : memref<72x128xf32, #tpu.memory_space<vmem>>) dst(%dma_wait3A_896 : memref<10112x128xf32, #tpu.memory_space<vmem_shared>>)
      %add3A_897 = arith.addi %mul3A_28, %add3A_883 : i32
      %add3A_898 = arith.constant 9 : i32
      %add3A_899 = arith.addi %add3A_897, %add3A_898 : i32
      %mul3A_900 = arith.constant 72 : i32
      %mul3A_901 = arith.muli %add3A_899, %mul3A_900 : i32
      %multiple_of3A_902 = tpu.assume_multiple %mul3A_901, 8 : i32
      %dma_start3A_903 = tpu.memref_slice %arg2[%multiple_of3A_902] : memref<322560xi32, #tpu.memory_space<hbm>> -> memref<72xi32, #tpu.memory_space<hbm>>
      %dma_start3A_904 = tpu.memref_slice %arg2[%multiple_of3A_902] : memref<322560xi32, #tpu.memory_space<hbm>> -> memref<72xi32, #tpu.memory_space<hbm>>
      tpu.enqueue_dma source(%dma_start3A_904 : memref<72xi32, #tpu.memory_space<hbm>>) target(%arg8 : memref<72xi32, #tpu.memory_space<vmem>>) target_semaphore(%arg44 : memref<!tpu.dma_semaphore, #tpu.memory_space<semaphore_mem>>)
      %add3A_905 = arith.addi %mul3A_28, %add3A_883 : i32
      %add3A_906 = arith.constant 9 : i32
      %add3A_907 = arith.addi %add3A_905, %add3A_906 : i32
      %mul3A_908 = arith.constant 72 : i32
      %mul3A_909 = arith.muli %add3A_907, %mul3A_908 : i32
      %multiple_of3A_910 = tpu.assume_multiple %mul3A_909, 8 : i32
      %dma_start3A_911 = tpu.memref_slice %arg3[%multiple_of3A_910] : memref<322560xi32, #tpu.memory_space<hbm>> -> memref<72xi32, #tpu.memory_space<hbm>>
      %dma_start3A_912 = tpu.memref_slice %arg3[%multiple_of3A_910] : memref<322560xi32, #tpu.memory_space<hbm>> -> memref<72xi32, #tpu.memory_space<hbm>>
      tpu.enqueue_dma source(%dma_start3A_912 : memref<72xi32, #tpu.memory_space<hbm>>) target(%arg18 : memref<72xi32, #tpu.memory_space<vmem>>) target_semaphore(%arg54 : memref<!tpu.dma_semaphore, #tpu.memory_space<semaphore_mem>>)
      %dma_wait3A_913 = arith.constant 0 : i32
      %dma_wait3A_914 = tpu.memref_slice %arg2[%dma_wait3A_913] : memref<322560xi32, #tpu.memory_space<hbm>> -> memref<72xi32, #tpu.memory_space<hbm>>
      %dma_wait3A_915 = arith.constant 0 : i32
      %dma_wait3A_916 = tpu.memref_slice %arg2[%dma_wait3A_915] : memref<322560xi32, #tpu.memory_space<hbm>> -> memref<72xi32, #tpu.memory_space<hbm>>
      tpu.wait_dma2 semaphore(%arg49 : memref<!tpu.dma_semaphore, #tpu.memory_space<semaphore_mem>>) src(%dma_wait3A_916 : memref<72xi32, #tpu.memory_space<hbm>>) dst(%arg13 : memref<72xi32, #tpu.memory_space<vmem>>)
      %dma_start3A_917 = arith.constant 0 : i32
      %dma_start3A_918 = arith.constant 0 : i32
      %dma_start3A_919 = tpu.memref_slice %arg4[%dma_start3A_917, %dma_start3A_918] : memref<10000x128xf32, #tpu.memory_space<hbm>> -> memref<10000x128xf32, #tpu.memory_space<hbm>>
      tpu.enqueue_indirect_dma source(%dma_start3A_919 : memref<10000x128xf32, #tpu.memory_space<hbm>>) target(%arg28 : memref<72x128xf32, #tpu.memory_space<vmem>>) offsets(%arg13 : memref<72xi32, #tpu.memory_space<vmem>>) semaphore(%arg34 : memref<!tpu.dma_semaphore, #tpu.memory_space<semaphore_mem>>)
      %mul3A_920 = arith.constant 10 : i32
      %mul3A_921 = arith.muli %scan3A_758, %mul3A_920 : i32
      %add3A_922 = arith.constant 4 : i32
      %add3A_923 = arith.addi %mul3A_921, %add3A_922 : i32
      %dma_wait3A_924 = arith.constant 0 : i32
      %dma_wait3A_925 = arith.constant 0 : i32
      %dma_wait3A_926 = tpu.memref_slice %arg4[%dma_wait3A_924, %dma_wait3A_925] : memref<10000x128xf32, #tpu.memory_space<hbm>> -> memref<10000x128xf32, #tpu.memory_space<hbm>>
      tpu.wait_indirect_dma semaphore(%arg36 : memref<!tpu.dma_semaphore, #tpu.memory_space<semaphore_mem>>) src(%dma_wait3A_926 : memref<10000x128xf32, #tpu.memory_space<hbm>>) dst(%arg30 : memref<72x128xf32, #tpu.memory_space<vmem>>)
      %dma_wait3A_927 = arith.constant 0 : i32
      %dma_wait3A_928 = tpu.memref_slice %arg3[%dma_wait3A_927] : memref<322560xi32, #tpu.memory_space<hbm>> -> memref<72xi32, #tpu.memory_space<hbm>>
      %dma_wait3A_929 = arith.constant 0 : i32
      %dma_wait3A_930 = tpu.memref_slice %arg3[%dma_wait3A_929] : memref<322560xi32, #tpu.memory_space<hbm>> -> memref<72xi32, #tpu.memory_space<hbm>>
      tpu.wait_dma2 semaphore(%arg56 : memref<!tpu.dma_semaphore, #tpu.memory_space<semaphore_mem>>) src(%dma_wait3A_930 : memref<72xi32, #tpu.memory_space<hbm>>) dst(%arg20 : memref<72xi32, #tpu.memory_space<vmem>>)
      %dma_start3A_931 = arith.constant 0 : i32
      %dma_start3A_932 = arith.constant 0 : i32
      %dma_start3A_933 = tpu.memref_slice %arg31[%dma_start3A_931, %dma_start3A_932] : memref<10112x128xf32, #tpu.memory_space<vmem_shared>> -> memref<10112x128xf32, #tpu.memory_space<vmem_shared>>
      tpu.enqueue_indirect_dma source(%arg30 : memref<72x128xf32, #tpu.memory_space<vmem>>) target(%dma_start3A_933 : memref<10112x128xf32, #tpu.memory_space<vmem_shared>>) offsets(%arg20 : memref<72xi32, #tpu.memory_space<vmem>>) semaphore(%arg41 : memref<!tpu.dma_semaphore, #tpu.memory_space<semaphore_mem>>) {add = true}
      %dma_wait3A_934 = arith.constant 0 : i32
      %dma_wait3A_935 = arith.constant 0 : i32
      %dma_wait3A_936 = tpu.memref_slice %arg31[%dma_wait3A_934, %dma_wait3A_935] : memref<10112x128xf32, #tpu.memory_space<vmem_shared>> -> memref<10112x128xf32, #tpu.memory_space<vmem_shared>>
      tpu.wait_indirect_dma semaphore(%arg40 : memref<!tpu.dma_semaphore, #tpu.memory_space<semaphore_mem>>) src(%arg29 : memref<72x128xf32, #tpu.memory_space<vmem>>) dst(%dma_wait3A_936 : memref<10112x128xf32, #tpu.memory_space<vmem_shared>>)
      %add3A_937 = arith.addi %mul3A_28, %add3A_923 : i32
      %add3A_938 = arith.constant 9 : i32
      %add3A_939 = arith.addi %add3A_937, %add3A_938 : i32
      %mul3A_940 = arith.constant 72 : i32
      %mul3A_941 = arith.muli %add3A_939, %mul3A_940 : i32
      %multiple_of3A_942 = tpu.assume_multiple %mul3A_941, 8 : i32
      %dma_start3A_943 = tpu.memref_slice %arg2[%multiple_of3A_942] : memref<322560xi32, #tpu.memory_space<hbm>> -> memref<72xi32, #tpu.memory_space<hbm>>
      %dma_start3A_944 = tpu.memref_slice %arg2[%multiple_of3A_942] : memref<322560xi32, #tpu.memory_space<hbm>> -> memref<72xi32, #tpu.memory_space<hbm>>
      tpu.enqueue_dma source(%dma_start3A_944 : memref<72xi32, #tpu.memory_space<hbm>>) target(%arg9 : memref<72xi32, #tpu.memory_space<vmem>>) target_semaphore(%arg45 : memref<!tpu.dma_semaphore, #tpu.memory_space<semaphore_mem>>)
      %add3A_945 = arith.addi %mul3A_28, %add3A_923 : i32
      %add3A_946 = arith.constant 9 : i32
      %add3A_947 = arith.addi %add3A_945, %add3A_946 : i32
      %mul3A_948 = arith.constant 72 : i32
      %mul3A_949 = arith.muli %add3A_947, %mul3A_948 : i32
      %multiple_of3A_950 = tpu.assume_multiple %mul3A_949, 8 : i32
      %dma_start3A_951 = tpu.memref_slice %arg3[%multiple_of3A_950] : memref<322560xi32, #tpu.memory_space<hbm>> -> memref<72xi32, #tpu.memory_space<hbm>>
      %dma_start3A_952 = tpu.memref_slice %arg3[%multiple_of3A_950] : memref<322560xi32, #tpu.memory_space<hbm>> -> memref<72xi32, #tpu.memory_space<hbm>>
      tpu.enqueue_dma source(%dma_start3A_952 : memref<72xi32, #tpu.memory_space<hbm>>) target(%arg19 : memref<72xi32, #tpu.memory_space<vmem>>) target_semaphore(%arg55 : memref<!tpu.dma_semaphore, #tpu.memory_space<semaphore_mem>>)
      %dma_wait3A_953 = arith.constant 0 : i32
      %dma_wait3A_954 = tpu.memref_slice %arg2[%dma_wait3A_953] : memref<322560xi32, #tpu.memory_space<hbm>> -> memref<72xi32, #tpu.memory_space<hbm>>
      %dma_wait3A_955 = arith.constant 0 : i32
      %dma_wait3A_956 = tpu.memref_slice %arg2[%dma_wait3A_955] : memref<322560xi32, #tpu.memory_space<hbm>> -> memref<72xi32, #tpu.memory_space<hbm>>
      tpu.wait_dma2 semaphore(%arg50 : memref<!tpu.dma_semaphore, #tpu.memory_space<semaphore_mem>>) src(%dma_wait3A_956 : memref<72xi32, #tpu.memory_space<hbm>>) dst(%arg14 : memref<72xi32, #tpu.memory_space<vmem>>)
      %dma_start3A_957 = arith.constant 0 : i32
      %dma_start3A_958 = arith.constant 0 : i32
      %dma_start3A_959 = tpu.memref_slice %arg4[%dma_start3A_957, %dma_start3A_958] : memref<10000x128xf32, #tpu.memory_space<hbm>> -> memref<10000x128xf32, #tpu.memory_space<hbm>>
      tpu.enqueue_indirect_dma source(%dma_start3A_959 : memref<10000x128xf32, #tpu.memory_space<hbm>>) target(%arg29 : memref<72x128xf32, #tpu.memory_space<vmem>>) offsets(%arg14 : memref<72xi32, #tpu.memory_space<vmem>>) semaphore(%arg35 : memref<!tpu.dma_semaphore, #tpu.memory_space<semaphore_mem>>)
      %mul3A_960 = arith.constant 10 : i32
      %mul3A_961 = arith.muli %scan3A_758, %mul3A_960 : i32
      %add3A_962 = arith.constant 5 : i32
      %add3A_963 = arith.addi %mul3A_961, %add3A_962 : i32
      %dma_wait3A_964 = arith.constant 0 : i32
      %dma_wait3A_965 = arith.constant 0 : i32
      %dma_wait3A_966 = tpu.memref_slice %arg4[%dma_wait3A_964, %dma_wait3A_965] : memref<10000x128xf32, #tpu.memory_space<hbm>> -> memref<10000x128xf32, #tpu.memory_space<hbm>>
      tpu.wait_indirect_dma semaphore(%arg32 : memref<!tpu.dma_semaphore, #tpu.memory_space<semaphore_mem>>) src(%dma_wait3A_966 : memref<10000x128xf32, #tpu.memory_space<hbm>>) dst(%arg26 : memref<72x128xf32, #tpu.memory_space<vmem>>)
      %dma_wait3A_967 = arith.constant 0 : i32
      %dma_wait3A_968 = tpu.memref_slice %arg3[%dma_wait3A_967] : memref<322560xi32, #tpu.memory_space<hbm>> -> memref<72xi32, #tpu.memory_space<hbm>>
      %dma_wait3A_969 = arith.constant 0 : i32
      %dma_wait3A_970 = tpu.memref_slice %arg3[%dma_wait3A_969] : memref<322560xi32, #tpu.memory_space<hbm>> -> memref<72xi32, #tpu.memory_space<hbm>>
      tpu.wait_dma2 semaphore(%arg57 : memref<!tpu.dma_semaphore, #tpu.memory_space<semaphore_mem>>) src(%dma_wait3A_970 : memref<72xi32, #tpu.memory_space<hbm>>) dst(%arg21 : memref<72xi32, #tpu.memory_space<vmem>>)
      %dma_start3A_971 = arith.constant 0 : i32
      %dma_start3A_972 = arith.constant 0 : i32
      %dma_start3A_973 = tpu.memref_slice %arg31[%dma_start3A_971, %dma_start3A_972] : memref<10112x128xf32, #tpu.memory_space<vmem_shared>> -> memref<10112x128xf32, #tpu.memory_space<vmem_shared>>
      tpu.enqueue_indirect_dma source(%arg26 : memref<72x128xf32, #tpu.memory_space<vmem>>) target(%dma_start3A_973 : memref<10112x128xf32, #tpu.memory_space<vmem_shared>>) offsets(%arg21 : memref<72xi32, #tpu.memory_space<vmem>>) semaphore(%arg37 : memref<!tpu.dma_semaphore, #tpu.memory_space<semaphore_mem>>) {add = true}
      %dma_wait3A_974 = arith.constant 0 : i32
      %dma_wait3A_975 = arith.constant 0 : i32
      %dma_wait3A_976 = tpu.memref_slice %arg31[%dma_wait3A_974, %dma_wait3A_975] : memref<10112x128xf32, #tpu.memory_space<vmem_shared>> -> memref<10112x128xf32, #tpu.memory_space<vmem_shared>>
      tpu.wait_indirect_dma semaphore(%arg41 : memref<!tpu.dma_semaphore, #tpu.memory_space<semaphore_mem>>) src(%arg30 : memref<72x128xf32, #tpu.memory_space<vmem>>) dst(%dma_wait3A_976 : memref<10112x128xf32, #tpu.memory_space<vmem_shared>>)
      %add3A_977 = arith.addi %mul3A_28, %add3A_963 : i32
      %add3A_978 = arith.constant 9 : i32
      %add3A_979 = arith.addi %add3A_977, %add3A_978 : i32
      %mul3A_980 = arith.constant 72 : i32
      %mul3A_981 = arith.muli %add3A_979, %mul3A_980 : i32
      %multiple_of3A_982 = tpu.assume_multiple %mul3A_981, 8 : i32
      %dma_start3A_983 = tpu.memref_slice %arg2[%multiple_of3A_982] : memref<322560xi32, #tpu.memory_space<hbm>> -> memref<72xi32, #tpu.memory_space<hbm>>
      %dma_start3A_984 = tpu.memref_slice %arg2[%multiple_of3A_982] : memref<322560xi32, #tpu.memory_space<hbm>> -> memref<72xi32, #tpu.memory_space<hbm>>
      tpu.enqueue_dma source(%dma_start3A_984 : memref<72xi32, #tpu.memory_space<hbm>>) target(%arg10 : memref<72xi32, #tpu.memory_space<vmem>>) target_semaphore(%arg46 : memref<!tpu.dma_semaphore, #tpu.memory_space<semaphore_mem>>)
      %add3A_985 = arith.addi %mul3A_28, %add3A_963 : i32
      %add3A_986 = arith.constant 9 : i32
      %add3A_987 = arith.addi %add3A_985, %add3A_986 : i32
      %mul3A_988 = arith.constant 72 : i32
      %mul3A_989 = arith.muli %add3A_987, %mul3A_988 : i32
      %multiple_of3A_990 = tpu.assume_multiple %mul3A_989, 8 : i32
      %dma_start3A_991 = tpu.memref_slice %arg3[%multiple_of3A_990] : memref<322560xi32, #tpu.memory_space<hbm>> -> memref<72xi32, #tpu.memory_space<hbm>>
      %dma_start3A_992 = tpu.memref_slice %arg3[%multiple_of3A_990] : memref<322560xi32, #tpu.memory_space<hbm>> -> memref<72xi32, #tpu.memory_space<hbm>>
      tpu.enqueue_dma source(%dma_start3A_992 : memref<72xi32, #tpu.memory_space<hbm>>) target(%arg20 : memref<72xi32, #tpu.memory_space<vmem>>) target_semaphore(%arg56 : memref<!tpu.dma_semaphore, #tpu.memory_space<semaphore_mem>>)
      %dma_wait3A_993 = arith.constant 0 : i32
      %dma_wait3A_994 = tpu.memref_slice %arg2[%dma_wait3A_993] : memref<322560xi32, #tpu.memory_space<hbm>> -> memref<72xi32, #tpu.memory_space<hbm>>
      %dma_wait3A_995 = arith.constant 0 : i32
      %dma_wait3A_996 = tpu.memref_slice %arg2[%dma_wait3A_995] : memref<322560xi32, #tpu.memory_space<hbm>> -> memref<72xi32, #tpu.memory_space<hbm>>
      tpu.wait_dma2 semaphore(%arg51 : memref<!tpu.dma_semaphore, #tpu.memory_space<semaphore_mem>>) src(%dma_wait3A_996 : memref<72xi32, #tpu.memory_space<hbm>>) dst(%arg15 : memref<72xi32, #tpu.memory_space<vmem>>)
      %dma_start3A_997 = arith.constant 0 : i32
      %dma_start3A_998 = arith.constant 0 : i32
      %dma_start3A_999 = tpu.memref_slice %arg4[%dma_start3A_997, %dma_start3A_998] : memref<10000x128xf32, #tpu.memory_space<hbm>> -> memref<10000x128xf32, #tpu.memory_space<hbm>>
      tpu.enqueue_indirect_dma source(%dma_start3A_999 : memref<10000x128xf32, #tpu.memory_space<hbm>>) target(%arg30 : memref<72x128xf32, #tpu.memory_space<vmem>>) offsets(%arg15 : memref<72xi32, #tpu.memory_space<vmem>>) semaphore(%arg36 : memref<!tpu.dma_semaphore, #tpu.memory_space<semaphore_mem>>)
      %mul3A_1000 = arith.constant 10 : i32
      %mul3A_1001 = arith.muli %scan3A_758, %mul3A_1000 : i32
      %add3A_1002 = arith.constant 6 : i32
      %add3A_1003 = arith.addi %mul3A_1001, %add3A_1002 : i32
      %dma_wait3A_1004 = arith.constant 0 : i32
      %dma_wait3A_1005 = arith.constant 0 : i32
      %dma_wait3A_1006 = tpu.memref_slice %arg4[%dma_wait3A_1004, %dma_wait3A_1005] : memref<10000x128xf32, #tpu.memory_space<hbm>> -> memref<10000x128xf32, #tpu.memory_space<hbm>>
      tpu.wait_indirect_dma semaphore(%arg33 : memref<!tpu.dma_semaphore, #tpu.memory_space<semaphore_mem>>) src(%dma_wait3A_1006 : memref<10000x128xf32, #tpu.memory_space<hbm>>) dst(%arg27 : memref<72x128xf32, #tpu.memory_space<vmem>>)
      %dma_wait3A_1007 = arith.constant 0 : i32
      %dma_wait3A_1008 = tpu.memref_slice %arg3[%dma_wait3A_1007] : memref<322560xi32, #tpu.memory_space<hbm>> -> memref<72xi32, #tpu.memory_space<hbm>>
      %dma_wait3A_1009 = arith.constant 0 : i32
      %dma_wait3A_1010 = tpu.memref_slice %arg3[%dma_wait3A_1009] : memref<322560xi32, #tpu.memory_space<hbm>> -> memref<72xi32, #tpu.memory_space<hbm>>
      tpu.wait_dma2 semaphore(%arg58 : memref<!tpu.dma_semaphore, #tpu.memory_space<semaphore_mem>>) src(%dma_wait3A_1010 : memref<72xi32, #tpu.memory_space<hbm>>) dst(%arg22 : memref<72xi32, #tpu.memory_space<vmem>>)
      %dma_start3A_1011 = arith.constant 0 : i32
      %dma_start3A_1012 = arith.constant 0 : i32
      %dma_start3A_1013 = tpu.memref_slice %arg31[%dma_start3A_1011, %dma_start3A_1012] : memref<10112x128xf32, #tpu.memory_space<vmem_shared>> -> memref<10112x128xf32, #tpu.memory_space<vmem_shared>>
      tpu.enqueue_indirect_dma source(%arg27 : memref<72x128xf32, #tpu.memory_space<vmem>>) target(%dma_start3A_1013 : memref<10112x128xf32, #tpu.memory_space<vmem_shared>>) offsets(%arg22 : memref<72xi32, #tpu.memory_space<vmem>>) semaphore(%arg38 : memref<!tpu.dma_semaphore, #tpu.memory_space<semaphore_mem>>) {add = true}
      %dma_wait3A_1014 = arith.constant 0 : i32
      %dma_wait3A_1015 = arith.constant 0 : i32
      %dma_wait3A_1016 = tpu.memref_slice %arg31[%dma_wait3A_1014, %dma_wait3A_1015] : memref<10112x128xf32, #tpu.memory_space<vmem_shared>> -> memref<10112x128xf32, #tpu.memory_space<vmem_shared>>
      tpu.wait_indirect_dma semaphore(%arg37 : memref<!tpu.dma_semaphore, #tpu.memory_space<semaphore_mem>>) src(%arg26 : memref<72x128xf32, #tpu.memory_space<vmem>>) dst(%dma_wait3A_1016 : memref<10112x128xf32, #tpu.memory_space<vmem_shared>>)
      %add3A_1017 = arith.addi %mul3A_28, %add3A_1003 : i32
      %add3A_1018 = arith.constant 9 : i32
      %add3A_1019 = arith.addi %add3A_1017, %add3A_1018 : i32
      %mul3A_1020 = arith.constant 72 : i32
      %mul3A_1021 = arith.muli %add3A_1019, %mul3A_1020 : i32
      %multiple_of3A_1022 = tpu.assume_multiple %mul3A_1021, 8 : i32
      %dma_start3A_1023 = tpu.memref_slice %arg2[%multiple_of3A_1022] : memref<322560xi32, #tpu.memory_space<hbm>> -> memref<72xi32, #tpu.memory_space<hbm>>
      %dma_start3A_1024 = tpu.memref_slice %arg2[%multiple_of3A_1022] : memref<322560xi32, #tpu.memory_space<hbm>> -> memref<72xi32, #tpu.memory_space<hbm>>
      tpu.enqueue_dma source(%dma_start3A_1024 : memref<72xi32, #tpu.memory_space<hbm>>) target(%arg11 : memref<72xi32, #tpu.memory_space<vmem>>) target_semaphore(%arg47 : memref<!tpu.dma_semaphore, #tpu.memory_space<semaphore_mem>>)
      %add3A_1025 = arith.addi %mul3A_28, %add3A_1003 : i32
      %add3A_1026 = arith.constant 9 : i32
      %add3A_1027 = arith.addi %add3A_1025, %add3A_1026 : i32
      %mul3A_1028 = arith.constant 72 : i32
      %mul3A_1029 = arith.muli %add3A_1027, %mul3A_1028 : i32
      %multiple_of3A_1030 = tpu.assume_multiple %mul3A_1029, 8 : i32
      %dma_start3A_1031 = tpu.memref_slice %arg3[%multiple_of3A_1030] : memref<322560xi32, #tpu.memory_space<hbm>> -> memref<72xi32, #tpu.memory_space<hbm>>
      %dma_start3A_1032 = tpu.memref_slice %arg3[%multiple_of3A_1030] : memref<322560xi32, #tpu.memory_space<hbm>> -> memref<72xi32, #tpu.memory_space<hbm>>
      tpu.enqueue_dma source(%dma_start3A_1032 : memref<72xi32, #tpu.memory_space<hbm>>) target(%arg21 : memref<72xi32, #tpu.memory_space<vmem>>) target_semaphore(%arg57 : memref<!tpu.dma_semaphore, #tpu.memory_space<semaphore_mem>>)
      %dma_wait3A_1033 = arith.constant 0 : i32
      %dma_wait3A_1034 = tpu.memref_slice %arg2[%dma_wait3A_1033] : memref<322560xi32, #tpu.memory_space<hbm>> -> memref<72xi32, #tpu.memory_space<hbm>>
      %dma_wait3A_1035 = arith.constant 0 : i32
      %dma_wait3A_1036 = tpu.memref_slice %arg2[%dma_wait3A_1035] : memref<322560xi32, #tpu.memory_space<hbm>> -> memref<72xi32, #tpu.memory_space<hbm>>
      tpu.wait_dma2 semaphore(%arg42 : memref<!tpu.dma_semaphore, #tpu.memory_space<semaphore_mem>>) src(%dma_wait3A_1036 : memref<72xi32, #tpu.memory_space<hbm>>) dst(%arg6 : memref<72xi32, #tpu.memory_space<vmem>>)
      %dma_start3A_1037 = arith.constant 0 : i32
      %dma_start3A_1038 = arith.constant 0 : i32
      %dma_start3A_1039 = tpu.memref_slice %arg4[%dma_start3A_1037, %dma_start3A_1038] : memref<10000x128xf32, #tpu.memory_space<hbm>> -> memref<10000x128xf32, #tpu.memory_space<hbm>>
      tpu.enqueue_indirect_dma source(%dma_start3A_1039 : memref<10000x128xf32, #tpu.memory_space<hbm>>) target(%arg26 : memref<72x128xf32, #tpu.memory_space<vmem>>) offsets(%arg6 : memref<72xi32, #tpu.memory_space<vmem>>) semaphore(%arg32 : memref<!tpu.dma_semaphore, #tpu.memory_space<semaphore_mem>>)
      %mul3A_1040 = arith.constant 10 : i32
      %mul3A_1041 = arith.muli %scan3A_758, %mul3A_1040 : i32
      %add3A_1042 = arith.constant 7 : i32
      %add3A_1043 = arith.addi %mul3A_1041, %add3A_1042 : i32
      %dma_wait3A_1044 = arith.constant 0 : i32
      %dma_wait3A_1045 = arith.constant 0 : i32
      %dma_wait3A_1046 = tpu.memref_slice %arg4[%dma_wait3A_1044, %dma_wait3A_1045] : memref<10000x128xf32, #tpu.memory_space<hbm>> -> memref<10000x128xf32, #tpu.memory_space<hbm>>
      tpu.wait_indirect_dma semaphore(%arg34 : memref<!tpu.dma_semaphore, #tpu.memory_space<semaphore_mem>>) src(%dma_wait3A_1046 : memref<10000x128xf32, #tpu.memory_space<hbm>>) dst(%arg28 : memref<72x128xf32, #tpu.memory_space<vmem>>)
      %dma_wait3A_1047 = arith.constant 0 : i32
      %dma_wait3A_1048 = tpu.memref_slice %arg3[%dma_wait3A_1047] : memref<322560xi32, #tpu.memory_space<hbm>> -> memref<72xi32, #tpu.memory_space<hbm>>
      %dma_wait3A_1049 = arith.constant 0 : i32
      %dma_wait3A_1050 = tpu.memref_slice %arg3[%dma_wait3A_1049] : memref<322560xi32, #tpu.memory_space<hbm>> -> memref<72xi32, #tpu.memory_space<hbm>>
      tpu.wait_dma2 semaphore(%arg59 : memref<!tpu.dma_semaphore, #tpu.memory_space<semaphore_mem>>) src(%dma_wait3A_1050 : memref<72xi32, #tpu.memory_space<hbm>>) dst(%arg23 : memref<72xi32, #tpu.memory_space<vmem>>)
      %dma_start3A_1051 = arith.constant 0 : i32
      %dma_start3A_1052 = arith.constant 0 : i32
      %dma_start3A_1053 = tpu.memref_slice %arg31[%dma_start3A_1051, %dma_start3A_1052] : memref<10112x128xf32, #tpu.memory_space<vmem_shared>> -> memref<10112x128xf32, #tpu.memory_space<vmem_shared>>
      tpu.enqueue_indirect_dma source(%arg28 : memref<72x128xf32, #tpu.memory_space<vmem>>) target(%dma_start3A_1053 : memref<10112x128xf32, #tpu.memory_space<vmem_shared>>) offsets(%arg23 : memref<72xi32, #tpu.memory_space<vmem>>) semaphore(%arg39 : memref<!tpu.dma_semaphore, #tpu.memory_space<semaphore_mem>>) {add = true}
      %dma_wait3A_1054 = arith.constant 0 : i32
      %dma_wait3A_1055 = arith.constant 0 : i32
      %dma_wait3A_1056 = tpu.memref_slice %arg31[%dma_wait3A_1054, %dma_wait3A_1055] : memref<10112x128xf32, #tpu.memory_space<vmem_shared>> -> memref<10112x128xf32, #tpu.memory_space<vmem_shared>>
      tpu.wait_indirect_dma semaphore(%arg38 : memref<!tpu.dma_semaphore, #tpu.memory_space<semaphore_mem>>) src(%arg27 : memref<72x128xf32, #tpu.memory_space<vmem>>) dst(%dma_wait3A_1056 : memref<10112x128xf32, #tpu.memory_space<vmem_shared>>)
      %add3A_1057 = arith.addi %mul3A_28, %add3A_1043 : i32
      %add3A_1058 = arith.constant 9 : i32
      %add3A_1059 = arith.addi %add3A_1057, %add3A_1058 : i32
      %mul3A_1060 = arith.constant 72 : i32
      %mul3A_1061 = arith.muli %add3A_1059, %mul3A_1060 : i32
      %multiple_of3A_1062 = tpu.assume_multiple %mul3A_1061, 8 : i32
      %dma_start3A_1063 = tpu.memref_slice %arg2[%multiple_of3A_1062] : memref<322560xi32, #tpu.memory_space<hbm>> -> memref<72xi32, #tpu.memory_space<hbm>>
      %dma_start3A_1064 = tpu.memref_slice %arg2[%multiple_of3A_1062] : memref<322560xi32, #tpu.memory_space<hbm>> -> memref<72xi32, #tpu.memory_space<hbm>>
      tpu.enqueue_dma source(%dma_start3A_1064 : memref<72xi32, #tpu.memory_space<hbm>>) target(%arg12 : memref<72xi32, #tpu.memory_space<vmem>>) target_semaphore(%arg48 : memref<!tpu.dma_semaphore, #tpu.memory_space<semaphore_mem>>)
      %add3A_1065 = arith.addi %mul3A_28, %add3A_1043 : i32
      %add3A_1066 = arith.constant 9 : i32
      %add3A_1067 = arith.addi %add3A_1065, %add3A_1066 : i32
      %mul3A_1068 = arith.constant 72 : i32
      %mul3A_1069 = arith.muli %add3A_1067, %mul3A_1068 : i32
      %multiple_of3A_1070 = tpu.assume_multiple %mul3A_1069, 8 : i32
      %dma_start3A_1071 = tpu.memref_slice %arg3[%multiple_of3A_1070] : memref<322560xi32, #tpu.memory_space<hbm>> -> memref<72xi32, #tpu.memory_space<hbm>>
      %dma_start3A_1072 = tpu.memref_slice %arg3[%multiple_of3A_1070] : memref<322560xi32, #tpu.memory_space<hbm>> -> memref<72xi32, #tpu.memory_space<hbm>>
      tpu.enqueue_dma source(%dma_start3A_1072 : memref<72xi32, #tpu.memory_space<hbm>>) target(%arg22 : memref<72xi32, #tpu.memory_space<vmem>>) target_semaphore(%arg58 : memref<!tpu.dma_semaphore, #tpu.memory_space<semaphore_mem>>)
      %dma_wait3A_1073 = arith.constant 0 : i32
      %dma_wait3A_1074 = tpu.memref_slice %arg2[%dma_wait3A_1073] : memref<322560xi32, #tpu.memory_space<hbm>> -> memref<72xi32, #tpu.memory_space<hbm>>
      %dma_wait3A_1075 = arith.constant 0 : i32
      %dma_wait3A_1076 = tpu.memref_slice %arg2[%dma_wait3A_1075] : memref<322560xi32, #tpu.memory_space<hbm>> -> memref<72xi32, #tpu.memory_space<hbm>>
      tpu.wait_dma2 semaphore(%arg43 : memref<!tpu.dma_semaphore, #tpu.memory_space<semaphore_mem>>) src(%dma_wait3A_1076 : memref<72xi32, #tpu.memory_space<hbm>>) dst(%arg7 : memref<72xi32, #tpu.memory_space<vmem>>)
      %dma_start3A_1077 = arith.constant 0 : i32
      %dma_start3A_1078 = arith.constant 0 : i32
      %dma_start3A_1079 = tpu.memref_slice %arg4[%dma_start3A_1077, %dma_start3A_1078] : memref<10000x128xf32, #tpu.memory_space<hbm>> -> memref<10000x128xf32, #tpu.memory_space<hbm>>
      tpu.enqueue_indirect_dma source(%dma_start3A_1079 : memref<10000x128xf32, #tpu.memory_space<hbm>>) target(%arg27 : memref<72x128xf32, #tpu.memory_space<vmem>>) offsets(%arg7 : memref<72xi32, #tpu.memory_space<vmem>>) semaphore(%arg33 : memref<!tpu.dma_semaphore, #tpu.memory_space<semaphore_mem>>)
      %mul3A_1080 = arith.constant 10 : i32
      %mul3A_1081 = arith.muli %scan3A_758, %mul3A_1080 : i32
      %add3A_1082 = arith.constant 8 : i32
      %add3A_1083 = arith.addi %mul3A_1081, %add3A_1082 : i32
      %dma_wait3A_1084 = arith.constant 0 : i32
      %dma_wait3A_1085 = arith.constant 0 : i32
      %dma_wait3A_1086 = tpu.memref_slice %arg4[%dma_wait3A_1084, %dma_wait3A_1085] : memref<10000x128xf32, #tpu.memory_space<hbm>> -> memref<10000x128xf32, #tpu.memory_space<hbm>>
      tpu.wait_indirect_dma semaphore(%arg35 : memref<!tpu.dma_semaphore, #tpu.memory_space<semaphore_mem>>) src(%dma_wait3A_1086 : memref<10000x128xf32, #tpu.memory_space<hbm>>) dst(%arg29 : memref<72x128xf32, #tpu.memory_space<vmem>>)
      %dma_wait3A_1087 = arith.constant 0 : i32
      %dma_wait3A_1088 = tpu.memref_slice %arg3[%dma_wait3A_1087] : memref<322560xi32, #tpu.memory_space<hbm>> -> memref<72xi32, #tpu.memory_space<hbm>>
      %dma_wait3A_1089 = arith.constant 0 : i32
      %dma_wait3A_1090 = tpu.memref_slice %arg3[%dma_wait3A_1089] : memref<322560xi32, #tpu.memory_space<hbm>> -> memref<72xi32, #tpu.memory_space<hbm>>
      tpu.wait_dma2 semaphore(%arg60 : memref<!tpu.dma_semaphore, #tpu.memory_space<semaphore_mem>>) src(%dma_wait3A_1090 : memref<72xi32, #tpu.memory_space<hbm>>) dst(%arg24 : memref<72xi32, #tpu.memory_space<vmem>>)
      %dma_start3A_1091 = arith.constant 0 : i32
      %dma_start3A_1092 = arith.constant 0 : i32
      %dma_start3A_1093 = tpu.memref_slice %arg31[%dma_start3A_1091, %dma_start3A_1092] : memref<10112x128xf32, #tpu.memory_space<vmem_shared>> -> memref<10112x128xf32, #tpu.memory_space<vmem_shared>>
      tpu.enqueue_indirect_dma source(%arg29 : memref<72x128xf32, #tpu.memory_space<vmem>>) target(%dma_start3A_1093 : memref<10112x128xf32, #tpu.memory_space<vmem_shared>>) offsets(%arg24 : memref<72xi32, #tpu.memory_space<vmem>>) semaphore(%arg40 : memref<!tpu.dma_semaphore, #tpu.memory_space<semaphore_mem>>) {add = true}
      %dma_wait3A_1094 = arith.constant 0 : i32
      %dma_wait3A_1095 = arith.constant 0 : i32
      %dma_wait3A_1096 = tpu.memref_slice %arg31[%dma_wait3A_1094, %dma_wait3A_1095] : memref<10112x128xf32, #tpu.memory_space<vmem_shared>> -> memref<10112x128xf32, #tpu.memory_space<vmem_shared>>
      tpu.wait_indirect_dma semaphore(%arg39 : memref<!tpu.dma_semaphore, #tpu.memory_space<semaphore_mem>>) src(%arg28 : memref<72x128xf32, #tpu.memory_space<vmem>>) dst(%dma_wait3A_1096 : memref<10112x128xf32, #tpu.memory_space<vmem_shared>>)
      %add3A_1097 = arith.addi %mul3A_28, %add3A_1083 : i32
      %add3A_1098 = arith.constant 9 : i32
      %add3A_1099 = arith.addi %add3A_1097, %add3A_1098 : i32
      %mul3A_1100 = arith.constant 72 : i32
      %mul3A_1101 = arith.muli %add3A_1099, %mul3A_1100 : i32
      %multiple_of3A_1102 = tpu.assume_multiple %mul3A_1101, 8 : i32
      %dma_start3A_1103 = tpu.memref_slice %arg2[%multiple_of3A_1102] : memref<322560xi32, #tpu.memory_space<hbm>> -> memref<72xi32, #tpu.memory_space<hbm>>
      %dma_start3A_1104 = tpu.memref_slice %arg2[%multiple_of3A_1102] : memref<322560xi32, #tpu.memory_space<hbm>> -> memref<72xi32, #tpu.memory_space<hbm>>
      tpu.enqueue_dma source(%dma_start3A_1104 : memref<72xi32, #tpu.memory_space<hbm>>) target(%arg13 : memref<72xi32, #tpu.memory_space<vmem>>) target_semaphore(%arg49 : memref<!tpu.dma_semaphore, #tpu.memory_space<semaphore_mem>>)
      %add3A_1105 = arith.addi %mul3A_28, %add3A_1083 : i32
      %add3A_1106 = arith.constant 9 : i32
      %add3A_1107 = arith.addi %add3A_1105, %add3A_1106 : i32
      %mul3A_1108 = arith.constant 72 : i32
      %mul3A_1109 = arith.muli %add3A_1107, %mul3A_1108 : i32
      %multiple_of3A_1110 = tpu.assume_multiple %mul3A_1109, 8 : i32
      %dma_start3A_1111 = tpu.memref_slice %arg3[%multiple_of3A_1110] : memref<322560xi32, #tpu.memory_space<hbm>> -> memref<72xi32, #tpu.memory_space<hbm>>
      %dma_start3A_1112 = tpu.memref_slice %arg3[%multiple_of3A_1110] : memref<322560xi32, #tpu.memory_space<hbm>> -> memref<72xi32, #tpu.memory_space<hbm>>
      tpu.enqueue_dma source(%dma_start3A_1112 : memref<72xi32, #tpu.memory_space<hbm>>) target(%arg23 : memref<72xi32, #tpu.memory_space<vmem>>) target_semaphore(%arg59 : memref<!tpu.dma_semaphore, #tpu.memory_space<semaphore_mem>>)
      %dma_wait3A_1113 = arith.constant 0 : i32
      %dma_wait3A_1114 = tpu.memref_slice %arg2[%dma_wait3A_1113] : memref<322560xi32, #tpu.memory_space<hbm>> -> memref<72xi32, #tpu.memory_space<hbm>>
      %dma_wait3A_1115 = arith.constant 0 : i32
      %dma_wait3A_1116 = tpu.memref_slice %arg2[%dma_wait3A_1115] : memref<322560xi32, #tpu.memory_space<hbm>> -> memref<72xi32, #tpu.memory_space<hbm>>
      tpu.wait_dma2 semaphore(%arg44 : memref<!tpu.dma_semaphore, #tpu.memory_space<semaphore_mem>>) src(%dma_wait3A_1116 : memref<72xi32, #tpu.memory_space<hbm>>) dst(%arg8 : memref<72xi32, #tpu.memory_space<vmem>>)
      %dma_start3A_1117 = arith.constant 0 : i32
      %dma_start3A_1118 = arith.constant 0 : i32
      %dma_start3A_1119 = tpu.memref_slice %arg4[%dma_start3A_1117, %dma_start3A_1118] : memref<10000x128xf32, #tpu.memory_space<hbm>> -> memref<10000x128xf32, #tpu.memory_space<hbm>>
      tpu.enqueue_indirect_dma source(%dma_start3A_1119 : memref<10000x128xf32, #tpu.memory_space<hbm>>) target(%arg28 : memref<72x128xf32, #tpu.memory_space<vmem>>) offsets(%arg8 : memref<72xi32, #tpu.memory_space<vmem>>) semaphore(%arg34 : memref<!tpu.dma_semaphore, #tpu.memory_space<semaphore_mem>>)
      %mul3A_1120 = arith.constant 10 : i32
      %mul3A_1121 = arith.muli %scan3A_758, %mul3A_1120 : i32
      %add3A_1122 = arith.constant 9 : i32
      %add3A_1123 = arith.addi %mul3A_1121, %add3A_1122 : i32
      %dma_wait3A_1124 = arith.constant 0 : i32
      %dma_wait3A_1125 = arith.constant 0 : i32
      %dma_wait3A_1126 = tpu.memref_slice %arg4[%dma_wait3A_1124, %dma_wait3A_1125] : memref<10000x128xf32, #tpu.memory_space<hbm>> -> memref<10000x128xf32, #tpu.memory_space<hbm>>
      tpu.wait_indirect_dma semaphore(%arg36 : memref<!tpu.dma_semaphore, #tpu.memory_space<semaphore_mem>>) src(%dma_wait3A_1126 : memref<10000x128xf32, #tpu.memory_space<hbm>>) dst(%arg30 : memref<72x128xf32, #tpu.memory_space<vmem>>)
      %dma_wait3A_1127 = arith.constant 0 : i32
      %dma_wait3A_1128 = tpu.memref_slice %arg3[%dma_wait3A_1127] : memref<322560xi32, #tpu.memory_space<hbm>> -> memref<72xi32, #tpu.memory_space<hbm>>
      %dma_wait3A_1129 = arith.constant 0 : i32
      %dma_wait3A_1130 = tpu.memref_slice %arg3[%dma_wait3A_1129] : memref<322560xi32, #tpu.memory_space<hbm>> -> memref<72xi32, #tpu.memory_space<hbm>>
      tpu.wait_dma2 semaphore(%arg61 : memref<!tpu.dma_semaphore, #tpu.memory_space<semaphore_mem>>) src(%dma_wait3A_1130 : memref<72xi32, #tpu.memory_space<hbm>>) dst(%arg25 : memref<72xi32, #tpu.memory_space<vmem>>)
      %dma_start3A_1131 = arith.constant 0 : i32
      %dma_start3A_1132 = arith.constant 0 : i32
      %dma_start3A_1133 = tpu.memref_slice %arg31[%dma_start3A_1131, %dma_start3A_1132] : memref<10112x128xf32, #tpu.memory_space<vmem_shared>> -> memref<10112x128xf32, #tpu.memory_space<vmem_shared>>
      tpu.enqueue_indirect_dma source(%arg30 : memref<72x128xf32, #tpu.memory_space<vmem>>) target(%dma_start3A_1133 : memref<10112x128xf32, #tpu.memory_space<vmem_shared>>) offsets(%arg25 : memref<72xi32, #tpu.memory_space<vmem>>) semaphore(%arg41 : memref<!tpu.dma_semaphore, #tpu.memory_space<semaphore_mem>>) {add = true}
      %dma_wait3A_1134 = arith.constant 0 : i32
      %dma_wait3A_1135 = arith.constant 0 : i32
      %dma_wait3A_1136 = tpu.memref_slice %arg31[%dma_wait3A_1134, %dma_wait3A_1135] : memref<10112x128xf32, #tpu.memory_space<vmem_shared>> -> memref<10112x128xf32, #tpu.memory_space<vmem_shared>>
      tpu.wait_indirect_dma semaphore(%arg40 : memref<!tpu.dma_semaphore, #tpu.memory_space<semaphore_mem>>) src(%arg29 : memref<72x128xf32, #tpu.memory_space<vmem>>) dst(%dma_wait3A_1136 : memref<10112x128xf32, #tpu.memory_space<vmem_shared>>)
      %add3A_1137 = arith.addi %mul3A_28, %add3A_1123 : i32
      %add3A_1138 = arith.constant 9 : i32
      %add3A_1139 = arith.addi %add3A_1137, %add3A_1138 : i32
      %mul3A_1140 = arith.constant 72 : i32
      %mul3A_1141 = arith.muli %add3A_1139, %mul3A_1140 : i32
      %multiple_of3A_1142 = tpu.assume_multiple %mul3A_1141, 8 : i32
      %dma_start3A_1143 = tpu.memref_slice %arg2[%multiple_of3A_1142] : memref<322560xi32, #tpu.memory_space<hbm>> -> memref<72xi32, #tpu.memory_space<hbm>>
      %dma_start3A_1144 = tpu.memref_slice %arg2[%multiple_of3A_1142] : memref<322560xi32, #tpu.memory_space<hbm>> -> memref<72xi32, #tpu.memory_space<hbm>>
      tpu.enqueue_dma source(%dma_start3A_1144 : memref<72xi32, #tpu.memory_space<hbm>>) target(%arg14 : memref<72xi32, #tpu.memory_space<vmem>>) target_semaphore(%arg50 : memref<!tpu.dma_semaphore, #tpu.memory_space<semaphore_mem>>)
      %add3A_1145 = arith.addi %mul3A_28, %add3A_1123 : i32
      %add3A_1146 = arith.constant 9 : i32
      %add3A_1147 = arith.addi %add3A_1145, %add3A_1146 : i32
      %mul3A_1148 = arith.constant 72 : i32
      %mul3A_1149 = arith.muli %add3A_1147, %mul3A_1148 : i32
      %multiple_of3A_1150 = tpu.assume_multiple %mul3A_1149, 8 : i32
      %dma_start3A_1151 = tpu.memref_slice %arg3[%multiple_of3A_1150] : memref<322560xi32, #tpu.memory_space<hbm>> -> memref<72xi32, #tpu.memory_space<hbm>>
      %dma_start3A_1152 = tpu.memref_slice %arg3[%multiple_of3A_1150] : memref<322560xi32, #tpu.memory_space<hbm>> -> memref<72xi32, #tpu.memory_space<hbm>>
      tpu.enqueue_dma source(%dma_start3A_1152 : memref<72xi32, #tpu.memory_space<hbm>>) target(%arg24 : memref<72xi32, #tpu.memory_space<vmem>>) target_semaphore(%arg60 : memref<!tpu.dma_semaphore, #tpu.memory_space<semaphore_mem>>)
      %dma_wait3A_1153 = arith.constant 0 : i32
      %dma_wait3A_1154 = tpu.memref_slice %arg2[%dma_wait3A_1153] : memref<322560xi32, #tpu.memory_space<hbm>> -> memref<72xi32, #tpu.memory_space<hbm>>
      %dma_wait3A_1155 = arith.constant 0 : i32
      %dma_wait3A_1156 = tpu.memref_slice %arg2[%dma_wait3A_1155] : memref<322560xi32, #tpu.memory_space<hbm>> -> memref<72xi32, #tpu.memory_space<hbm>>
      tpu.wait_dma2 semaphore(%arg45 : memref<!tpu.dma_semaphore, #tpu.memory_space<semaphore_mem>>) src(%dma_wait3A_1156 : memref<72xi32, #tpu.memory_space<hbm>>) dst(%arg9 : memref<72xi32, #tpu.memory_space<vmem>>)
      %dma_start3A_1157 = arith.constant 0 : i32
      %dma_start3A_1158 = arith.constant 0 : i32
      %dma_start3A_1159 = tpu.memref_slice %arg4[%dma_start3A_1157, %dma_start3A_1158] : memref<10000x128xf32, #tpu.memory_space<hbm>> -> memref<10000x128xf32, #tpu.memory_space<hbm>>
      tpu.enqueue_indirect_dma source(%dma_start3A_1159 : memref<10000x128xf32, #tpu.memory_space<hbm>>) target(%arg29 : memref<72x128xf32, #tpu.memory_space<vmem>>) offsets(%arg9 : memref<72xi32, #tpu.memory_space<vmem>>) semaphore(%arg35 : memref<!tpu.dma_semaphore, #tpu.memory_space<semaphore_mem>>)
      %scan3A_1160 = arith.constant 0 : i32
      scf.yield %scan3A_1160 : i32
    }
    %scan3A_563 = arith.constant 12 : i32
    %dma_wait3A_564 = arith.constant 0 : i32
    %dma_wait3A_565 = arith.constant 0 : i32
    %dma_wait3A_566 = tpu.memref_slice %arg4[%dma_wait3A_564, %dma_wait3A_565] : memref<10000x128xf32, #tpu.memory_space<hbm>> -> memref<10000x128xf32, #tpu.memory_space<hbm>>
    tpu.wait_indirect_dma semaphore(%arg32 : memref<!tpu.dma_semaphore, #tpu.memory_space<semaphore_mem>>) src(%dma_wait3A_566 : memref<10000x128xf32, #tpu.memory_space<hbm>>) dst(%arg26 : memref<72x128xf32, #tpu.memory_space<vmem>>)
    %dma_wait3A_567 = arith.constant 0 : i32
    %dma_wait3A_568 = tpu.memref_slice %arg3[%dma_wait3A_567] : memref<322560xi32, #tpu.memory_space<hbm>> -> memref<72xi32, #tpu.memory_space<hbm>>
    %dma_wait3A_569 = arith.constant 0 : i32
    %dma_wait3A_570 = tpu.memref_slice %arg3[%dma_wait3A_569] : memref<322560xi32, #tpu.memory_space<hbm>> -> memref<72xi32, #tpu.memory_space<hbm>>
    tpu.wait_dma2 semaphore(%arg52 : memref<!tpu.dma_semaphore, #tpu.memory_space<semaphore_mem>>) src(%dma_wait3A_570 : memref<72xi32, #tpu.memory_space<hbm>>) dst(%arg16 : memref<72xi32, #tpu.memory_space<vmem>>)
    %dma_start3A_571 = arith.constant 0 : i32
    %dma_start3A_572 = arith.constant 0 : i32
    %dma_start3A_573 = tpu.memref_slice %arg31[%dma_start3A_571, %dma_start3A_572] : memref<10112x128xf32, #tpu.memory_space<vmem_shared>> -> memref<10112x128xf32, #tpu.memory_space<vmem_shared>>
    tpu.enqueue_indirect_dma source(%arg26 : memref<72x128xf32, #tpu.memory_space<vmem>>) target(%dma_start3A_573 : memref<10112x128xf32, #tpu.memory_space<vmem_shared>>) offsets(%arg16 : memref<72xi32, #tpu.memory_space<vmem>>) semaphore(%arg37 : memref<!tpu.dma_semaphore, #tpu.memory_space<semaphore_mem>>) {add = true}
    %dma_wait3A_574 = arith.constant 0 : i32
    %dma_wait3A_575 = arith.constant 0 : i32
    %dma_wait3A_576 = tpu.memref_slice %arg31[%dma_wait3A_574, %dma_wait3A_575] : memref<10112x128xf32, #tpu.memory_space<vmem_shared>> -> memref<10112x128xf32, #tpu.memory_space<vmem_shared>>
    tpu.wait_indirect_dma semaphore(%arg41 : memref<!tpu.dma_semaphore, #tpu.memory_space<semaphore_mem>>) src(%arg30 : memref<72x128xf32, #tpu.memory_space<vmem>>) dst(%dma_wait3A_576 : memref<10112x128xf32, #tpu.memory_space<vmem_shared>>)
    %add3A_577 = arith.constant 130 : i32
    %add3A_578 = arith.addi %mul3A_28, %add3A_577 : i32
    %add3A_579 = arith.constant 9 : i32
    %add3A_580 = arith.addi %add3A_578, %add3A_579 : i32
    %mul3A_581 = arith.constant 72 : i32
    %mul3A_582 = arith.muli %add3A_580, %mul3A_581 : i32
    %multiple_of3A_583 = tpu.assume_multiple %mul3A_582, 8 : i32
    %dma_start3A_584 = tpu.memref_slice %arg2[%multiple_of3A_583] : memref<322560xi32, #tpu.memory_space<hbm>> -> memref<72xi32, #tpu.memory_space<hbm>>
    %dma_start3A_585 = tpu.memref_slice %arg2[%multiple_of3A_583] : memref<322560xi32, #tpu.memory_space<hbm>> -> memref<72xi32, #tpu.memory_space<hbm>>
    tpu.enqueue_dma source(%dma_start3A_585 : memref<72xi32, #tpu.memory_space<hbm>>) target(%arg15 : memref<72xi32, #tpu.memory_space<vmem>>) target_semaphore(%arg51 : memref<!tpu.dma_semaphore, #tpu.memory_space<semaphore_mem>>)
    %add3A_586 = arith.constant 130 : i32
    %add3A_587 = arith.addi %mul3A_28, %add3A_586 : i32
    %add3A_588 = arith.constant 9 : i32
    %add3A_589 = arith.addi %add3A_587, %add3A_588 : i32
    %mul3A_590 = arith.constant 72 : i32
    %mul3A_591 = arith.muli %add3A_589, %mul3A_590 : i32
    %multiple_of3A_592 = tpu.assume_multiple %mul3A_591, 8 : i32
    %dma_start3A_593 = tpu.memref_slice %arg3[%multiple_of3A_592] : memref<322560xi32, #tpu.memory_space<hbm>> -> memref<72xi32, #tpu.memory_space<hbm>>
    %dma_start3A_594 = tpu.memref_slice %arg3[%multiple_of3A_592] : memref<322560xi32, #tpu.memory_space<hbm>> -> memref<72xi32, #tpu.memory_space<hbm>>
    tpu.enqueue_dma source(%dma_start3A_594 : memref<72xi32, #tpu.memory_space<hbm>>) target(%arg25 : memref<72xi32, #tpu.memory_space<vmem>>) target_semaphore(%arg61 : memref<!tpu.dma_semaphore, #tpu.memory_space<semaphore_mem>>)
    %dma_wait3A_595 = arith.constant 0 : i32
    %dma_wait3A_596 = tpu.memref_slice %arg2[%dma_wait3A_595] : memref<322560xi32, #tpu.memory_space<hbm>> -> memref<72xi32, #tpu.memory_space<hbm>>
    %dma_wait3A_597 = arith.constant 0 : i32
    %dma_wait3A_598 = tpu.memref_slice %arg2[%dma_wait3A_597] : memref<322560xi32, #tpu.memory_space<hbm>> -> memref<72xi32, #tpu.memory_space<hbm>>
    tpu.wait_dma2 semaphore(%arg46 : memref<!tpu.dma_semaphore, #tpu.memory_space<semaphore_mem>>) src(%dma_wait3A_598 : memref<72xi32, #tpu.memory_space<hbm>>) dst(%arg10 : memref<72xi32, #tpu.memory_space<vmem>>)
    %dma_start3A_599 = arith.constant 0 : i32
    %dma_start3A_600 = arith.constant 0 : i32
    %dma_start3A_601 = tpu.memref_slice %arg4[%dma_start3A_599, %dma_start3A_600] : memref<10000x128xf32, #tpu.memory_space<hbm>> -> memref<10000x128xf32, #tpu.memory_space<hbm>>
    tpu.enqueue_indirect_dma source(%dma_start3A_601 : memref<10000x128xf32, #tpu.memory_space<hbm>>) target(%arg30 : memref<72x128xf32, #tpu.memory_space<vmem>>) offsets(%arg10 : memref<72xi32, #tpu.memory_space<vmem>>) semaphore(%arg36 : memref<!tpu.dma_semaphore, #tpu.memory_space<semaphore_mem>>)
    %dma_wait3A_602 = arith.constant 0 : i32
    %dma_wait3A_603 = arith.constant 0 : i32
    %dma_wait3A_604 = tpu.memref_slice %arg4[%dma_wait3A_602, %dma_wait3A_603] : memref<10000x128xf32, #tpu.memory_space<hbm>> -> memref<10000x128xf32, #tpu.memory_space<hbm>>
    tpu.wait_indirect_dma semaphore(%arg33 : memref<!tpu.dma_semaphore, #tpu.memory_space<semaphore_mem>>) src(%dma_wait3A_604 : memref<10000x128xf32, #tpu.memory_space<hbm>>) dst(%arg27 : memref<72x128xf32, #tpu.memory_space<vmem>>)
    %dma_wait3A_605 = arith.constant 0 : i32
    %dma_wait3A_606 = tpu.memref_slice %arg3[%dma_wait3A_605] : memref<322560xi32, #tpu.memory_space<hbm>> -> memref<72xi32, #tpu.memory_space<hbm>>
    %dma_wait3A_607 = arith.constant 0 : i32
    %dma_wait3A_608 = tpu.memref_slice %arg3[%dma_wait3A_607] : memref<322560xi32, #tpu.memory_space<hbm>> -> memref<72xi32, #tpu.memory_space<hbm>>
    tpu.wait_dma2 semaphore(%arg53 : memref<!tpu.dma_semaphore, #tpu.memory_space<semaphore_mem>>) src(%dma_wait3A_608 : memref<72xi32, #tpu.memory_space<hbm>>) dst(%arg17 : memref<72xi32, #tpu.memory_space<vmem>>)
    %dma_start3A_609 = arith.constant 0 : i32
    %dma_start3A_610 = arith.constant 0 : i32
    %dma_start3A_611 = tpu.memref_slice %arg31[%dma_start3A_609, %dma_start3A_610] : memref<10112x128xf32, #tpu.memory_space<vmem_shared>> -> memref<10112x128xf32, #tpu.memory_space<vmem_shared>>
    tpu.enqueue_indirect_dma source(%arg27 : memref<72x128xf32, #tpu.memory_space<vmem>>) target(%dma_start3A_611 : memref<10112x128xf32, #tpu.memory_space<vmem_shared>>) offsets(%arg17 : memref<72xi32, #tpu.memory_space<vmem>>) semaphore(%arg38 : memref<!tpu.dma_semaphore, #tpu.memory_space<semaphore_mem>>) {add = true}
    %dma_wait3A_612 = arith.constant 0 : i32
    %dma_wait3A_613 = arith.constant 0 : i32
    %dma_wait3A_614 = tpu.memref_slice %arg31[%dma_wait3A_612, %dma_wait3A_613] : memref<10112x128xf32, #tpu.memory_space<vmem_shared>> -> memref<10112x128xf32, #tpu.memory_space<vmem_shared>>
    tpu.wait_indirect_dma semaphore(%arg37 : memref<!tpu.dma_semaphore, #tpu.memory_space<semaphore_mem>>) src(%arg26 : memref<72x128xf32, #tpu.memory_space<vmem>>) dst(%dma_wait3A_614 : memref<10112x128xf32, #tpu.memory_space<vmem_shared>>)
    %dma_wait3A_615 = arith.constant 0 : i32
    %dma_wait3A_616 = tpu.memref_slice %arg2[%dma_wait3A_615] : memref<322560xi32, #tpu.memory_space<hbm>> -> memref<72xi32, #tpu.memory_space<hbm>>
    %dma_wait3A_617 = arith.constant 0 : i32
    %dma_wait3A_618 = tpu.memref_slice %arg2[%dma_wait3A_617] : memref<322560xi32, #tpu.memory_space<hbm>> -> memref<72xi32, #tpu.memory_space<hbm>>
    tpu.wait_dma2 semaphore(%arg47 : memref<!tpu.dma_semaphore, #tpu.memory_space<semaphore_mem>>) src(%dma_wait3A_618 : memref<72xi32, #tpu.memory_space<hbm>>) dst(%arg11 : memref<72xi32, #tpu.memory_space<vmem>>)
    %dma_start3A_619 = arith.constant 0 : i32
    %dma_start3A_620 = arith.constant 0 : i32
    %dma_start3A_621 = tpu.memref_slice %arg4[%dma_start3A_619, %dma_start3A_620] : memref<10000x128xf32, #tpu.memory_space<hbm>> -> memref<10000x128xf32, #tpu.memory_space<hbm>>
    tpu.enqueue_indirect_dma source(%dma_start3A_621 : memref<10000x128xf32, #tpu.memory_space<hbm>>) target(%arg26 : memref<72x128xf32, #tpu.memory_space<vmem>>) offsets(%arg11 : memref<72xi32, #tpu.memory_space<vmem>>) semaphore(%arg32 : memref<!tpu.dma_semaphore, #tpu.memory_space<semaphore_mem>>)
    %dma_wait3A_622 = arith.constant 0 : i32
    %dma_wait3A_623 = arith.constant 0 : i32
    %dma_wait3A_624 = tpu.memref_slice %arg4[%dma_wait3A_622, %dma_wait3A_623] : memref<10000x128xf32, #tpu.memory_space<hbm>> -> memref<10000x128xf32, #tpu.memory_space<hbm>>
    tpu.wait_indirect_dma semaphore(%arg34 : memref<!tpu.dma_semaphore, #tpu.memory_space<semaphore_mem>>) src(%dma_wait3A_624 : memref<10000x128xf32, #tpu.memory_space<hbm>>) dst(%arg28 : memref<72x128xf32, #tpu.memory_space<vmem>>)
    %dma_wait3A_625 = arith.constant 0 : i32
    %dma_wait3A_626 = tpu.memref_slice %arg3[%dma_wait3A_625] : memref<322560xi32, #tpu.memory_space<hbm>> -> memref<72xi32, #tpu.memory_space<hbm>>
    %dma_wait3A_627 = arith.constant 0 : i32
    %dma_wait3A_628 = tpu.memref_slice %arg3[%dma_wait3A_627] : memref<322560xi32, #tpu.memory_space<hbm>> -> memref<72xi32, #tpu.memory_space<hbm>>
    tpu.wait_dma2 semaphore(%arg54 : memref<!tpu.dma_semaphore, #tpu.memory_space<semaphore_mem>>) src(%dma_wait3A_628 : memref<72xi32, #tpu.memory_space<hbm>>) dst(%arg18 : memref<72xi32, #tpu.memory_space<vmem>>)
    %dma_start3A_629 = arith.constant 0 : i32
    %dma_start3A_630 = arith.constant 0 : i32
    %dma_start3A_631 = tpu.memref_slice %arg31[%dma_start3A_629, %dma_start3A_630] : memref<10112x128xf32, #tpu.memory_space<vmem_shared>> -> memref<10112x128xf32, #tpu.memory_space<vmem_shared>>
    tpu.enqueue_indirect_dma source(%arg28 : memref<72x128xf32, #tpu.memory_space<vmem>>) target(%dma_start3A_631 : memref<10112x128xf32, #tpu.memory_space<vmem_shared>>) offsets(%arg18 : memref<72xi32, #tpu.memory_space<vmem>>) semaphore(%arg39 : memref<!tpu.dma_semaphore, #tpu.memory_space<semaphore_mem>>) {add = true}
    %dma_wait3A_632 = arith.constant 0 : i32
    %dma_wait3A_633 = arith.constant 0 : i32
    %dma_wait3A_634 = tpu.memref_slice %arg31[%dma_wait3A_632, %dma_wait3A_633] : memref<10112x128xf32, #tpu.memory_space<vmem_shared>> -> memref<10112x128xf32, #tpu.memory_space<vmem_shared>>
    tpu.wait_indirect_dma semaphore(%arg38 : memref<!tpu.dma_semaphore, #tpu.memory_space<semaphore_mem>>) src(%arg27 : memref<72x128xf32, #tpu.memory_space<vmem>>) dst(%dma_wait3A_634 : memref<10112x128xf32, #tpu.memory_space<vmem_shared>>)
    %dma_wait3A_635 = arith.constant 0 : i32
    %dma_wait3A_636 = tpu.memref_slice %arg2[%dma_wait3A_635] : memref<322560xi32, #tpu.memory_space<hbm>> -> memref<72xi32, #tpu.memory_space<hbm>>
    %dma_wait3A_637 = arith.constant 0 : i32
    %dma_wait3A_638 = tpu.memref_slice %arg2[%dma_wait3A_637] : memref<322560xi32, #tpu.memory_space<hbm>> -> memref<72xi32, #tpu.memory_space<hbm>>
    tpu.wait_dma2 semaphore(%arg48 : memref<!tpu.dma_semaphore, #tpu.memory_space<semaphore_mem>>) src(%dma_wait3A_638 : memref<72xi32, #tpu.memory_space<hbm>>) dst(%arg12 : memref<72xi32, #tpu.memory_space<vmem>>)
    %dma_start3A_639 = arith.constant 0 : i32
    %dma_start3A_640 = arith.constant 0 : i32
    %dma_start3A_641 = tpu.memref_slice %arg4[%dma_start3A_639, %dma_start3A_640] : memref<10000x128xf32, #tpu.memory_space<hbm>> -> memref<10000x128xf32, #tpu.memory_space<hbm>>
    tpu.enqueue_indirect_dma source(%dma_start3A_641 : memref<10000x128xf32, #tpu.memory_space<hbm>>) target(%arg27 : memref<72x128xf32, #tpu.memory_space<vmem>>) offsets(%arg12 : memref<72xi32, #tpu.memory_space<vmem>>) semaphore(%arg33 : memref<!tpu.dma_semaphore, #tpu.memory_space<semaphore_mem>>)
    %dma_wait3A_642 = arith.constant 0 : i32
    %dma_wait3A_643 = arith.constant 0 : i32
    %dma_wait3A_644 = tpu.memref_slice %arg4[%dma_wait3A_642, %dma_wait3A_643] : memref<10000x128xf32, #tpu.memory_space<hbm>> -> memref<10000x128xf32, #tpu.memory_space<hbm>>
    tpu.wait_indirect_dma semaphore(%arg35 : memref<!tpu.dma_semaphore, #tpu.memory_space<semaphore_mem>>) src(%dma_wait3A_644 : memref<10000x128xf32, #tpu.memory_space<hbm>>) dst(%arg29 : memref<72x128xf32, #tpu.memory_space<vmem>>)
    %dma_wait3A_645 = arith.constant 0 : i32
    %dma_wait3A_646 = tpu.memref_slice %arg3[%dma_wait3A_645] : memref<322560xi32, #tpu.memory_space<hbm>> -> memref<72xi32, #tpu.memory_space<hbm>>
    %dma_wait3A_647 = arith.constant 0 : i32
    %dma_wait3A_648 = tpu.memref_slice %arg3[%dma_wait3A_647] : memref<322560xi32, #tpu.memory_space<hbm>> -> memref<72xi32, #tpu.memory_space<hbm>>
    tpu.wait_dma2 semaphore(%arg55 : memref<!tpu.dma_semaphore, #tpu.memory_space<semaphore_mem>>) src(%dma_wait3A_648 : memref<72xi32, #tpu.memory_space<hbm>>) dst(%arg19 : memref<72xi32, #tpu.memory_space<vmem>>)
    %dma_start3A_649 = arith.constant 0 : i32
    %dma_start3A_650 = arith.constant 0 : i32
    %dma_start3A_651 = tpu.memref_slice %arg31[%dma_start3A_649, %dma_start3A_650] : memref<10112x128xf32, #tpu.memory_space<vmem_shared>> -> memref<10112x128xf32, #tpu.memory_space<vmem_shared>>
    tpu.enqueue_indirect_dma source(%arg29 : memref<72x128xf32, #tpu.memory_space<vmem>>) target(%dma_start3A_651 : memref<10112x128xf32, #tpu.memory_space<vmem_shared>>) offsets(%arg19 : memref<72xi32, #tpu.memory_space<vmem>>) semaphore(%arg40 : memref<!tpu.dma_semaphore, #tpu.memory_space<semaphore_mem>>) {add = true}
    %dma_wait3A_652 = arith.constant 0 : i32
    %dma_wait3A_653 = arith.constant 0 : i32
    %dma_wait3A_654 = tpu.memref_slice %arg31[%dma_wait3A_652, %dma_wait3A_653] : memref<10112x128xf32, #tpu.memory_space<vmem_shared>> -> memref<10112x128xf32, #tpu.memory_space<vmem_shared>>
    tpu.wait_indirect_dma semaphore(%arg39 : memref<!tpu.dma_semaphore, #tpu.memory_space<semaphore_mem>>) src(%arg28 : memref<72x128xf32, #tpu.memory_space<vmem>>) dst(%dma_wait3A_654 : memref<10112x128xf32, #tpu.memory_space<vmem_shared>>)
    %dma_wait3A_655 = arith.constant 0 : i32
    %dma_wait3A_656 = tpu.memref_slice %arg2[%dma_wait3A_655] : memref<322560xi32, #tpu.memory_space<hbm>> -> memref<72xi32, #tpu.memory_space<hbm>>
    %dma_wait3A_657 = arith.constant 0 : i32
    %dma_wait3A_658 = tpu.memref_slice %arg2[%dma_wait3A_657] : memref<322560xi32, #tpu.memory_space<hbm>> -> memref<72xi32, #tpu.memory_space<hbm>>
    tpu.wait_dma2 semaphore(%arg49 : memref<!tpu.dma_semaphore, #tpu.memory_space<semaphore_mem>>) src(%dma_wait3A_658 : memref<72xi32, #tpu.memory_space<hbm>>) dst(%arg13 : memref<72xi32, #tpu.memory_space<vmem>>)
    %dma_start3A_659 = arith.constant 0 : i32
    %dma_start3A_660 = arith.constant 0 : i32
    %dma_start3A_661 = tpu.memref_slice %arg4[%dma_start3A_659, %dma_start3A_660] : memref<10000x128xf32, #tpu.memory_space<hbm>> -> memref<10000x128xf32, #tpu.memory_space<hbm>>
    tpu.enqueue_indirect_dma source(%dma_start3A_661 : memref<10000x128xf32, #tpu.memory_space<hbm>>) target(%arg28 : memref<72x128xf32, #tpu.memory_space<vmem>>) offsets(%arg13 : memref<72xi32, #tpu.memory_space<vmem>>) semaphore(%arg34 : memref<!tpu.dma_semaphore, #tpu.memory_space<semaphore_mem>>)
    %dma_wait3A_662 = arith.constant 0 : i32
    %dma_wait3A_663 = arith.constant 0 : i32
    %dma_wait3A_664 = tpu.memref_slice %arg4[%dma_wait3A_662, %dma_wait3A_663] : memref<10000x128xf32, #tpu.memory_space<hbm>> -> memref<10000x128xf32, #tpu.memory_space<hbm>>
    tpu.wait_indirect_dma semaphore(%arg36 : memref<!tpu.dma_semaphore, #tpu.memory_space<semaphore_mem>>) src(%dma_wait3A_664 : memref<10000x128xf32, #tpu.memory_space<hbm>>) dst(%arg30 : memref<72x128xf32, #tpu.memory_space<vmem>>)
    %dma_wait3A_665 = arith.constant 0 : i32
    %dma_wait3A_666 = tpu.memref_slice %arg3[%dma_wait3A_665] : memref<322560xi32, #tpu.memory_space<hbm>> -> memref<72xi32, #tpu.memory_space<hbm>>
    %dma_wait3A_667 = arith.constant 0 : i32
    %dma_wait3A_668 = tpu.memref_slice %arg3[%dma_wait3A_667] : memref<322560xi32, #tpu.memory_space<hbm>> -> memref<72xi32, #tpu.memory_space<hbm>>
    tpu.wait_dma2 semaphore(%arg56 : memref<!tpu.dma_semaphore, #tpu.memory_space<semaphore_mem>>) src(%dma_wait3A_668 : memref<72xi32, #tpu.memory_space<hbm>>) dst(%arg20 : memref<72xi32, #tpu.memory_space<vmem>>)
    %dma_start3A_669 = arith.constant 0 : i32
    %dma_start3A_670 = arith.constant 0 : i32
    %dma_start3A_671 = tpu.memref_slice %arg31[%dma_start3A_669, %dma_start3A_670] : memref<10112x128xf32, #tpu.memory_space<vmem_shared>> -> memref<10112x128xf32, #tpu.memory_space<vmem_shared>>
    tpu.enqueue_indirect_dma source(%arg30 : memref<72x128xf32, #tpu.memory_space<vmem>>) target(%dma_start3A_671 : memref<10112x128xf32, #tpu.memory_space<vmem_shared>>) offsets(%arg20 : memref<72xi32, #tpu.memory_space<vmem>>) semaphore(%arg41 : memref<!tpu.dma_semaphore, #tpu.memory_space<semaphore_mem>>) {add = true}
    %dma_wait3A_672 = arith.constant 0 : i32
    %dma_wait3A_673 = arith.constant 0 : i32
    %dma_wait3A_674 = tpu.memref_slice %arg31[%dma_wait3A_672, %dma_wait3A_673] : memref<10112x128xf32, #tpu.memory_space<vmem_shared>> -> memref<10112x128xf32, #tpu.memory_space<vmem_shared>>
    tpu.wait_indirect_dma semaphore(%arg40 : memref<!tpu.dma_semaphore, #tpu.memory_space<semaphore_mem>>) src(%arg29 : memref<72x128xf32, #tpu.memory_space<vmem>>) dst(%dma_wait3A_674 : memref<10112x128xf32, #tpu.memory_space<vmem_shared>>)
    %dma_wait3A_675 = arith.constant 0 : i32
    %dma_wait3A_676 = tpu.memref_slice %arg2[%dma_wait3A_675] : memref<322560xi32, #tpu.memory_space<hbm>> -> memref<72xi32, #tpu.memory_space<hbm>>
    %dma_wait3A_677 = arith.constant 0 : i32
    %dma_wait3A_678 = tpu.memref_slice %arg2[%dma_wait3A_677] : memref<322560xi32, #tpu.memory_space<hbm>> -> memref<72xi32, #tpu.memory_space<hbm>>
    tpu.wait_dma2 semaphore(%arg50 : memref<!tpu.dma_semaphore, #tpu.memory_space<semaphore_mem>>) src(%dma_wait3A_678 : memref<72xi32, #tpu.memory_space<hbm>>) dst(%arg14 : memref<72xi32, #tpu.memory_space<vmem>>)
    %dma_start3A_679 = arith.constant 0 : i32
    %dma_start3A_680 = arith.constant 0 : i32
    %dma_start3A_681 = tpu.memref_slice %arg4[%dma_start3A_679, %dma_start3A_680] : memref<10000x128xf32, #tpu.memory_space<hbm>> -> memref<10000x128xf32, #tpu.memory_space<hbm>>
    tpu.enqueue_indirect_dma source(%dma_start3A_681 : memref<10000x128xf32, #tpu.memory_space<hbm>>) target(%arg29 : memref<72x128xf32, #tpu.memory_space<vmem>>) offsets(%arg14 : memref<72xi32, #tpu.memory_space<vmem>>) semaphore(%arg35 : memref<!tpu.dma_semaphore, #tpu.memory_space<semaphore_mem>>)
    %dma_wait3A_682 = arith.constant 0 : i32
    %dma_wait3A_683 = arith.constant 0 : i32
    %dma_wait3A_684 = tpu.memref_slice %arg4[%dma_wait3A_682, %dma_wait3A_683] : memref<10000x128xf32, #tpu.memory_space<hbm>> -> memref<10000x128xf32, #tpu.memory_space<hbm>>
    tpu.wait_indirect_dma semaphore(%arg32 : memref<!tpu.dma_semaphore, #tpu.memory_space<semaphore_mem>>) src(%dma_wait3A_684 : memref<10000x128xf32, #tpu.memory_space<hbm>>) dst(%arg26 : memref<72x128xf32, #tpu.memory_space<vmem>>)
    %dma_wait3A_685 = arith.constant 0 : i32
    %dma_wait3A_686 = tpu.memref_slice %arg3[%dma_wait3A_685] : memref<322560xi32, #tpu.memory_space<hbm>> -> memref<72xi32, #tpu.memory_space<hbm>>
    %dma_wait3A_687 = arith.constant 0 : i32
    %dma_wait3A_688 = tpu.memref_slice %arg3[%dma_wait3A_687] : memref<322560xi32, #tpu.memory_space<hbm>> -> memref<72xi32, #tpu.memory_space<hbm>>
    tpu.wait_dma2 semaphore(%arg57 : memref<!tpu.dma_semaphore, #tpu.memory_space<semaphore_mem>>) src(%dma_wait3A_688 : memref<72xi32, #tpu.memory_space<hbm>>) dst(%arg21 : memref<72xi32, #tpu.memory_space<vmem>>)
    %dma_start3A_689 = arith.constant 0 : i32
    %dma_start3A_690 = arith.constant 0 : i32
    %dma_start3A_691 = tpu.memref_slice %arg31[%dma_start3A_689, %dma_start3A_690] : memref<10112x128xf32, #tpu.memory_space<vmem_shared>> -> memref<10112x128xf32, #tpu.memory_space<vmem_shared>>
    tpu.enqueue_indirect_dma source(%arg26 : memref<72x128xf32, #tpu.memory_space<vmem>>) target(%dma_start3A_691 : memref<10112x128xf32, #tpu.memory_space<vmem_shared>>) offsets(%arg21 : memref<72xi32, #tpu.memory_space<vmem>>) semaphore(%arg37 : memref<!tpu.dma_semaphore, #tpu.memory_space<semaphore_mem>>) {add = true}
    %dma_wait3A_692 = arith.constant 0 : i32
    %dma_wait3A_693 = arith.constant 0 : i32
    %dma_wait3A_694 = tpu.memref_slice %arg31[%dma_wait3A_692, %dma_wait3A_693] : memref<10112x128xf32, #tpu.memory_space<vmem_shared>> -> memref<10112x128xf32, #tpu.memory_space<vmem_shared>>
    tpu.wait_indirect_dma semaphore(%arg41 : memref<!tpu.dma_semaphore, #tpu.memory_space<semaphore_mem>>) src(%arg30 : memref<72x128xf32, #tpu.memory_space<vmem>>) dst(%dma_wait3A_694 : memref<10112x128xf32, #tpu.memory_space<vmem_shared>>)
    %dma_wait3A_695 = arith.constant 0 : i32
    %dma_wait3A_696 = tpu.memref_slice %arg2[%dma_wait3A_695] : memref<322560xi32, #tpu.memory_space<hbm>> -> memref<72xi32, #tpu.memory_space<hbm>>
    %dma_wait3A_697 = arith.constant 0 : i32
    %dma_wait3A_698 = tpu.memref_slice %arg2[%dma_wait3A_697] : memref<322560xi32, #tpu.memory_space<hbm>> -> memref<72xi32, #tpu.memory_space<hbm>>
    tpu.wait_dma2 semaphore(%arg51 : memref<!tpu.dma_semaphore, #tpu.memory_space<semaphore_mem>>) src(%dma_wait3A_698 : memref<72xi32, #tpu.memory_space<hbm>>) dst(%arg15 : memref<72xi32, #tpu.memory_space<vmem>>)
    %dma_start3A_699 = arith.constant 0 : i32
    %dma_start3A_700 = arith.constant 0 : i32
    %dma_start3A_701 = tpu.memref_slice %arg4[%dma_start3A_699, %dma_start3A_700] : memref<10000x128xf32, #tpu.memory_space<hbm>> -> memref<10000x128xf32, #tpu.memory_space<hbm>>
    tpu.enqueue_indirect_dma source(%dma_start3A_701 : memref<10000x128xf32, #tpu.memory_space<hbm>>) target(%arg30 : memref<72x128xf32, #tpu.memory_space<vmem>>) offsets(%arg15 : memref<72xi32, #tpu.memory_space<vmem>>) semaphore(%arg36 : memref<!tpu.dma_semaphore, #tpu.memory_space<semaphore_mem>>)
    %dma_wait3A_702 = arith.constant 0 : i32
    %dma_wait3A_703 = arith.constant 0 : i32
    %dma_wait3A_704 = tpu.memref_slice %arg4[%dma_wait3A_702, %dma_wait3A_703] : memref<10000x128xf32, #tpu.memory_space<hbm>> -> memref<10000x128xf32, #tpu.memory_space<hbm>>
    tpu.wait_indirect_dma semaphore(%arg33 : memref<!tpu.dma_semaphore, #tpu.memory_space<semaphore_mem>>) src(%dma_wait3A_704 : memref<10000x128xf32, #tpu.memory_space<hbm>>) dst(%arg27 : memref<72x128xf32, #tpu.memory_space<vmem>>)
    %dma_wait3A_705 = arith.constant 0 : i32
    %dma_wait3A_706 = tpu.memref_slice %arg3[%dma_wait3A_705] : memref<322560xi32, #tpu.memory_space<hbm>> -> memref<72xi32, #tpu.memory_space<hbm>>
    %dma_wait3A_707 = arith.constant 0 : i32
    %dma_wait3A_708 = tpu.memref_slice %arg3[%dma_wait3A_707] : memref<322560xi32, #tpu.memory_space<hbm>> -> memref<72xi32, #tpu.memory_space<hbm>>
    tpu.wait_dma2 semaphore(%arg58 : memref<!tpu.dma_semaphore, #tpu.memory_space<semaphore_mem>>) src(%dma_wait3A_708 : memref<72xi32, #tpu.memory_space<hbm>>) dst(%arg22 : memref<72xi32, #tpu.memory_space<vmem>>)
    %dma_start3A_709 = arith.constant 0 : i32
    %dma_start3A_710 = arith.constant 0 : i32
    %dma_start3A_711 = tpu.memref_slice %arg31[%dma_start3A_709, %dma_start3A_710] : memref<10112x128xf32, #tpu.memory_space<vmem_shared>> -> memref<10112x128xf32, #tpu.memory_space<vmem_shared>>
    tpu.enqueue_indirect_dma source(%arg27 : memref<72x128xf32, #tpu.memory_space<vmem>>) target(%dma_start3A_711 : memref<10112x128xf32, #tpu.memory_space<vmem_shared>>) offsets(%arg22 : memref<72xi32, #tpu.memory_space<vmem>>) semaphore(%arg38 : memref<!tpu.dma_semaphore, #tpu.memory_space<semaphore_mem>>) {add = true}
    %dma_wait3A_712 = arith.constant 0 : i32
    %dma_wait3A_713 = arith.constant 0 : i32
    %dma_wait3A_714 = tpu.memref_slice %arg31[%dma_wait3A_712, %dma_wait3A_713] : memref<10112x128xf32, #tpu.memory_space<vmem_shared>> -> memref<10112x128xf32, #tpu.memory_space<vmem_shared>>
    tpu.wait_indirect_dma semaphore(%arg37 : memref<!tpu.dma_semaphore, #tpu.memory_space<semaphore_mem>>) src(%arg26 : memref<72x128xf32, #tpu.memory_space<vmem>>) dst(%dma_wait3A_714 : memref<10112x128xf32, #tpu.memory_space<vmem_shared>>)
    %dma_wait3A_715 = arith.constant 0 : i32
    %dma_wait3A_716 = arith.constant 0 : i32
    %dma_wait3A_717 = tpu.memref_slice %arg4[%dma_wait3A_715, %dma_wait3A_716] : memref<10000x128xf32, #tpu.memory_space<hbm>> -> memref<10000x128xf32, #tpu.memory_space<hbm>>
    tpu.wait_indirect_dma semaphore(%arg34 : memref<!tpu.dma_semaphore, #tpu.memory_space<semaphore_mem>>) src(%dma_wait3A_717 : memref<10000x128xf32, #tpu.memory_space<hbm>>) dst(%arg28 : memref<72x128xf32, #tpu.memory_space<vmem>>)
    %dma_wait3A_718 = arith.constant 0 : i32
    %dma_wait3A_719 = tpu.memref_slice %arg3[%dma_wait3A_718] : memref<322560xi32, #tpu.memory_space<hbm>> -> memref<72xi32, #tpu.memory_space<hbm>>
    %dma_wait3A_720 = arith.constant 0 : i32
    %dma_wait3A_721 = tpu.memref_slice %arg3[%dma_wait3A_720] : memref<322560xi32, #tpu.memory_space<hbm>> -> memref<72xi32, #tpu.memory_space<hbm>>
    tpu.wait_dma2 semaphore(%arg59 : memref<!tpu.dma_semaphore, #tpu.memory_space<semaphore_mem>>) src(%dma_wait3A_721 : memref<72xi32, #tpu.memory_space<hbm>>) dst(%arg23 : memref<72xi32, #tpu.memory_space<vmem>>)
    %dma_start3A_722 = arith.constant 0 : i32
    %dma_start3A_723 = arith.constant 0 : i32
    %dma_start3A_724 = tpu.memref_slice %arg31[%dma_start3A_722, %dma_start3A_723] : memref<10112x128xf32, #tpu.memory_space<vmem_shared>> -> memref<10112x128xf32, #tpu.memory_space<vmem_shared>>
    tpu.enqueue_indirect_dma source(%arg28 : memref<72x128xf32, #tpu.memory_space<vmem>>) target(%dma_start3A_724 : memref<10112x128xf32, #tpu.memory_space<vmem_shared>>) offsets(%arg23 : memref<72xi32, #tpu.memory_space<vmem>>) semaphore(%arg39 : memref<!tpu.dma_semaphore, #tpu.memory_space<semaphore_mem>>) {add = true}
    %dma_wait3A_725 = arith.constant 0 : i32
    %dma_wait3A_726 = arith.constant 0 : i32
    %dma_wait3A_727 = tpu.memref_slice %arg31[%dma_wait3A_725, %dma_wait3A_726] : memref<10112x128xf32, #tpu.memory_space<vmem_shared>> -> memref<10112x128xf32, #tpu.memory_space<vmem_shared>>
    tpu.wait_indirect_dma semaphore(%arg38 : memref<!tpu.dma_semaphore, #tpu.memory_space<semaphore_mem>>) src(%arg27 : memref<72x128xf32, #tpu.memory_space<vmem>>) dst(%dma_wait3A_727 : memref<10112x128xf32, #tpu.memory_space<vmem_shared>>)
    %dma_wait3A_728 = arith.constant 0 : i32
    %dma_wait3A_729 = arith.constant 0 : i32
    %dma_wait3A_730 = tpu.memref_slice %arg4[%dma_wait3A_728, %dma_wait3A_729] : memref<10000x128xf32, #tpu.memory_space<hbm>> -> memref<10000x128xf32, #tpu.memory_space<hbm>>
    tpu.wait_indirect_dma semaphore(%arg35 : memref<!tpu.dma_semaphore, #tpu.memory_space<semaphore_mem>>) src(%dma_wait3A_730 : memref<10000x128xf32, #tpu.memory_space<hbm>>) dst(%arg29 : memref<72x128xf32, #tpu.memory_space<vmem>>)
    %dma_wait3A_731 = arith.constant 0 : i32
    %dma_wait3A_732 = tpu.memref_slice %arg3[%dma_wait3A_731] : memref<322560xi32, #tpu.memory_space<hbm>> -> memref<72xi32, #tpu.memory_space<hbm>>
    %dma_wait3A_733 = arith.constant 0 : i32
    %dma_wait3A_734 = tpu.memref_slice %arg3[%dma_wait3A_733] : memref<322560xi32, #tpu.memory_space<hbm>> -> memref<72xi32, #tpu.memory_space<hbm>>
    tpu.wait_dma2 semaphore(%arg60 : memref<!tpu.dma_semaphore, #tpu.memory_space<semaphore_mem>>) src(%dma_wait3A_734 : memref<72xi32, #tpu.memory_space<hbm>>) dst(%arg24 : memref<72xi32, #tpu.memory_space<vmem>>)
    %dma_start3A_735 = arith.constant 0 : i32
    %dma_start3A_736 = arith.constant 0 : i32
    %dma_start3A_737 = tpu.memref_slice %arg31[%dma_start3A_735, %dma_start3A_736] : memref<10112x128xf32, #tpu.memory_space<vmem_shared>> -> memref<10112x128xf32, #tpu.memory_space<vmem_shared>>
    tpu.enqueue_indirect_dma source(%arg29 : memref<72x128xf32, #tpu.memory_space<vmem>>) target(%dma_start3A_737 : memref<10112x128xf32, #tpu.memory_space<vmem_shared>>) offsets(%arg24 : memref<72xi32, #tpu.memory_space<vmem>>) semaphore(%arg40 : memref<!tpu.dma_semaphore, #tpu.memory_space<semaphore_mem>>) {add = true}
    %dma_wait3A_738 = arith.constant 0 : i32
    %dma_wait3A_739 = arith.constant 0 : i32
    %dma_wait3A_740 = tpu.memref_slice %arg31[%dma_wait3A_738, %dma_wait3A_739] : memref<10112x128xf32, #tpu.memory_space<vmem_shared>> -> memref<10112x128xf32, #tpu.memory_space<vmem_shared>>
    tpu.wait_indirect_dma semaphore(%arg39 : memref<!tpu.dma_semaphore, #tpu.memory_space<semaphore_mem>>) src(%arg28 : memref<72x128xf32, #tpu.memory_space<vmem>>) dst(%dma_wait3A_740 : memref<10112x128xf32, #tpu.memory_space<vmem_shared>>)
    %dma_wait3A_741 = arith.constant 0 : i32
    %dma_wait3A_742 = arith.constant 0 : i32
    %dma_wait3A_743 = tpu.memref_slice %arg4[%dma_wait3A_741, %dma_wait3A_742] : memref<10000x128xf32, #tpu.memory_space<hbm>> -> memref<10000x128xf32, #tpu.memory_space<hbm>>
    tpu.wait_indirect_dma semaphore(%arg36 : memref<!tpu.dma_semaphore, #tpu.memory_space<semaphore_mem>>) src(%dma_wait3A_743 : memref<10000x128xf32, #tpu.memory_space<hbm>>) dst(%arg30 : memref<72x128xf32, #tpu.memory_space<vmem>>)
    %dma_wait3A_744 = arith.constant 0 : i32
    %dma_wait3A_745 = tpu.memref_slice %arg3[%dma_wait3A_744] : memref<322560xi32, #tpu.memory_space<hbm>> -> memref<72xi32, #tpu.memory_space<hbm>>
    %dma_wait3A_746 = arith.constant 0 : i32
    %dma_wait3A_747 = tpu.memref_slice %arg3[%dma_wait3A_746] : memref<322560xi32, #tpu.memory_space<hbm>> -> memref<72xi32, #tpu.memory_space<hbm>>
    tpu.wait_dma2 semaphore(%arg61 : memref<!tpu.dma_semaphore, #tpu.memory_space<semaphore_mem>>) src(%dma_wait3A_747 : memref<72xi32, #tpu.memory_space<hbm>>) dst(%arg25 : memref<72xi32, #tpu.memory_space<vmem>>)
    %dma_start3A_748 = arith.constant 0 : i32
    %dma_start3A_749 = arith.constant 0 : i32
    %dma_start3A_750 = tpu.memref_slice %arg31[%dma_start3A_748, %dma_start3A_749] : memref<10112x128xf32, #tpu.memory_space<vmem_shared>> -> memref<10112x128xf32, #tpu.memory_space<vmem_shared>>
    tpu.enqueue_indirect_dma source(%arg30 : memref<72x128xf32, #tpu.memory_space<vmem>>) target(%dma_start3A_750 : memref<10112x128xf32, #tpu.memory_space<vmem_shared>>) offsets(%arg25 : memref<72xi32, #tpu.memory_space<vmem>>) semaphore(%arg41 : memref<!tpu.dma_semaphore, #tpu.memory_space<semaphore_mem>>) {add = true}
    %dma_wait3A_751 = arith.constant 0 : i32
    %dma_wait3A_752 = arith.constant 0 : i32
    %dma_wait3A_753 = tpu.memref_slice %arg31[%dma_wait3A_751, %dma_wait3A_752] : memref<10112x128xf32, #tpu.memory_space<vmem_shared>> -> memref<10112x128xf32, #tpu.memory_space<vmem_shared>>
    tpu.wait_indirect_dma semaphore(%arg40 : memref<!tpu.dma_semaphore, #tpu.memory_space<semaphore_mem>>) src(%arg29 : memref<72x128xf32, #tpu.memory_space<vmem>>) dst(%dma_wait3A_753 : memref<10112x128xf32, #tpu.memory_space<vmem_shared>>)
    %dma_wait3A_754 = arith.constant 0 : i32
    %dma_wait3A_755 = arith.constant 0 : i32
    %dma_wait3A_756 = tpu.memref_slice %arg31[%dma_wait3A_754, %dma_wait3A_755] : memref<10112x128xf32, #tpu.memory_space<vmem_shared>> -> memref<10112x128xf32, #tpu.memory_space<vmem_shared>>
    tpu.wait_indirect_dma semaphore(%arg41 : memref<!tpu.dma_semaphore, #tpu.memory_space<semaphore_mem>>) src(%arg30 : memref<72x128xf32, #tpu.memory_space<vmem>>) dst(%dma_wait3A_756 : memref<10112x128xf32, #tpu.memory_space<vmem_shared>>)
    %barrier3A_757 = arith.constant 0 : index
    tpu.barrier barrier_id(%barrier3A_757)
    "tpu.region"() ({
      %run_scoped3A = tpu.sem_alloc : memref<!tpu.dma_semaphore, #tpu.memory_space<semaphore_mem>>
      %dma_start3A_758 = arith.constant 0 : i32
      %dma_start3A_759 = tpu.memref_slice %arg5[%arg0, %mul3A_8, %dma_start3A_758] : memref<2x10112x128xf32, #tpu.memory_space<hbm>> -> memref<1x632x128xf32, #tpu.memory_space<hbm>>
      %dma_start3A_760 = tpu.memref_squeeze %dma_start3A_759 : memref<1x632x128xf32, #tpu.memory_space<hbm>> -> memref<632x128xf32, #tpu.memory_space<hbm>>
      %dma_start3A_761 = arith.constant 0 : i32
      %dma_start3A_762 = tpu.memref_slice %arg31[%mul3A_8, %dma_start3A_761] : memref<10112x128xf32, #tpu.memory_space<vmem_shared>> -> memref<632x128xf32, #tpu.memory_space<vmem_shared>>
      tpu.enqueue_dma source(%dma_start3A_762 : memref<632x128xf32, #tpu.memory_space<vmem_shared>>) target(%dma_start3A_760 : memref<632x128xf32, #tpu.memory_space<hbm>>) target_semaphore(%run_scoped3A : memref<!tpu.dma_semaphore, #tpu.memory_space<semaphore_mem>>)
      %dma_wait3A_763 = arith.constant 0 : i32
      %dma_wait3A_764 = tpu.memref_slice %arg5[%arg0, %mul3A_8, %dma_wait3A_763] : memref<2x10112x128xf32, #tpu.memory_space<hbm>> -> memref<1x632x128xf32, #tpu.memory_space<hbm>>
      %dma_wait3A_765 = tpu.memref_squeeze %dma_wait3A_764 : memref<1x632x128xf32, #tpu.memory_space<hbm>> -> memref<632x128xf32, #tpu.memory_space<hbm>>
      %dma_wait3A_766 = arith.constant 0 : i32
      %dma_wait3A_767 = tpu.memref_slice %arg31[%mul3A_8, %dma_wait3A_766] : memref<10112x128xf32, #tpu.memory_space<vmem_shared>> -> memref<632x128xf32, #tpu.memory_space<vmem_shared>>
      tpu.wait_dma2 semaphore(%run_scoped3A : memref<!tpu.dma_semaphore, #tpu.memory_space<semaphore_mem>>) src(%dma_wait3A_767 : memref<632x128xf32, #tpu.memory_space<vmem_shared>>) dst(%dma_wait3A_765 : memref<632x128xf32, #tpu.memory_space<hbm>>)
      tpu.yield
    }) : () -> ()
    return
  }
}

module attributes {stable_mosaic.version = 14 : i64} {
  func.func @_linear_body(%arg0: memref<10000x128xf32, #tpu.memory_space<vmem>>, %arg1: memref<128x128xf32, #tpu.memory_space<vmem>>, %arg2: memref<10000x32xf32, #tpu.memory_space<vmem>>, %arg3: memref<10000x128xf32, #tpu.memory_space<vmem>>) attributes {dimension_semantics = [], scalar_prefetch = 0 : i64, scratch_operands = 0 : i64, tpu.core_type = #tpu.core_type<tc>} {
    %get3A = arith.constant 0 : index
    %get3A_0 = arith.constant 0 : index
    %get3A_1 = vector.load %arg2[%get3A, %get3A_0] : memref<10000x32xf32, #tpu.memory_space<vmem>>, vector<10000x32xf32>
    %reduce_sum3A = arith.constant dense<0.000000e+00> : vector<10000xf32>
    %reduce_sum3A_2 = vector.multi_reduction <add>, %get3A_1, %reduce_sum3A [1] : vector<10000x32xf32> to vector<10000xf32>
    %broadcast_in_dim3A = vector.shape_cast %reduce_sum3A_2 : vector<10000xf32> to vector<10000x1xf32>
    %add3A = arith.constant 1.000000e+00 : f32
    %add3A_3 = vector.broadcast %add3A : f32 to vector<10000x1xf32>
    %add3A_4 = arith.addf %broadcast_in_dim3A, %add3A_3 : vector<10000x1xf32>
    %rsqrt3A = math.rsqrt %add3A_4 : vector<10000x1xf32>
    %get3A_5 = arith.constant 0 : index
    %get3A_6 = arith.constant 0 : index
    %get3A_7 = vector.load %arg0[%get3A_5, %get3A_6] : memref<10000x128xf32, #tpu.memory_space<vmem>>, vector<10000x128xf32>
    %mul3A = vector.broadcast %rsqrt3A : vector<10000x1xf32> to vector<10000x128xf32>
    %mul3A_8 = arith.mulf %get3A_7, %mul3A : vector<10000x128xf32>
    %get3A_9 = arith.constant 0 : index
    %get3A_10 = arith.constant 0 : index
    %get3A_11 = vector.load %arg1[%get3A_9, %get3A_10] : memref<128x128xf32, #tpu.memory_space<vmem>>, vector<128x128xf32>
    %dot_general3A = arith.constant dense<0.000000e+00> : vector<10000x128xf32>
    %dot_general3A_12 = tpu.matmul %mul3A_8, %get3A_11, %dot_general3A {dimension_numbers = #tpu.dot_dimension_numbers<[1], [1], [0], [0], [0, 0, 1, 0], [], []>, transpose_lhs_hint = false} : vector<10000x128xf32>, vector<128x128xf32>, vector<10000x128xf32> -> vector<10000x128xf32>
    %swap3A = arith.constant 0 : index
    %swap3A_13 = arith.constant 0 : index
    %swap3A_14 = vector.load %arg3[%swap3A, %swap3A_13] : memref<10000x128xf32, #tpu.memory_space<vmem>>, vector<10000x128xf32>
    tpu.vector_store %arg3[%swap3A, %swap3A_13], %dot_general3A_12 {strides = array<i32>} : memref<10000x128xf32, #tpu.memory_space<vmem>>, vector<10000x128xf32>,
    return
  }
}

module attributes {stable_mosaic.version = 14 : i64} {
  func.func @final_body(%arg0: memref<2x10112x128xf32, #tpu.memory_space<vmem>>, %arg1: memref<10000x128xf32, #tpu.memory_space<vmem>>, %arg2: memref<10000x32xf32, #tpu.memory_space<vmem>>, %arg3: memref<1x128xf32, #tpu.memory_space<vmem>>, %arg4: memref<10000x128xf32, #tpu.memory_space<vmem>>) attributes {dimension_semantics = [], scalar_prefetch = 0 : i64, scratch_operands = 0 : i64, tpu.core_type = #tpu.core_type<tc>} {
    %get3A = arith.constant 0 : index
    %get3A_0 = arith.constant 0 : index
    %get3A_1 = vector.load %arg2[%get3A, %get3A_0] : memref<10000x32xf32, #tpu.memory_space<vmem>>, vector<10000x32xf32>
    %reduce_sum3A = arith.constant dense<0.000000e+00> : vector<10000xf32>
    %reduce_sum3A_2 = vector.multi_reduction <add>, %get3A_1, %reduce_sum3A [1] : vector<10000x32xf32> to vector<10000xf32>
    %broadcast_in_dim3A = vector.shape_cast %reduce_sum3A_2 : vector<10000xf32> to vector<10000x1xf32>
    %add3A = arith.constant 1.000000e+00 : f32
    %add3A_3 = vector.broadcast %add3A : f32 to vector<10000x1xf32>
    %add3A_4 = arith.addf %broadcast_in_dim3A, %add3A_3 : vector<10000x1xf32>
    %rsqrt3A = math.rsqrt %add3A_4 : vector<10000x1xf32>
    %get3A_5 = arith.constant 0 : index
    %get3A_6 = arith.constant 0 : index
    %get3A_7 = arith.constant 0 : index
    %get3A_8 = vector.load %arg0[%get3A_5, %get3A_6, %get3A_7] : memref<2x10112x128xf32, #tpu.memory_space<vmem>>, vector<1x10000x128xf32>
    %get3A_9 = vector.shape_cast %get3A_8 : vector<1x10000x128xf32> to vector<10000x128xf32>
    %get3A_10 = arith.constant 1 : index
    %get3A_11 = arith.constant 0 : index
    %get3A_12 = arith.constant 0 : index
    %get3A_13 = vector.load %arg0[%get3A_10, %get3A_11, %get3A_12] : memref<2x10112x128xf32, #tpu.memory_space<vmem>>, vector<1x10000x128xf32>
    %get3A_14 = vector.shape_cast %get3A_13 : vector<1x10000x128xf32> to vector<10000x128xf32>
    %add3A_15 = arith.addf %get3A_9, %get3A_14 : vector<10000x128xf32>
    %get3A_16 = arith.constant 0 : index
    %get3A_17 = arith.constant 0 : index
    %get3A_18 = vector.load %arg1[%get3A_16, %get3A_17] : memref<10000x128xf32, #tpu.memory_space<vmem>>, vector<10000x128xf32>
    %add3A_19 = arith.addf %add3A_15, %get3A_18 : vector<10000x128xf32>
    %mul3A = vector.broadcast %rsqrt3A : vector<10000x1xf32> to vector<10000x128xf32>
    %mul3A_20 = arith.mulf %mul3A, %add3A_19 : vector<10000x128xf32>
    %get3A_21 = arith.constant 0 : index
    %get3A_22 = arith.constant 0 : index
    %get3A_23 = vector.load %arg3[%get3A_21, %get3A_22] : memref<1x128xf32, #tpu.memory_space<vmem>>, vector<1x128xf32>
    %add3A_24 = vector.broadcast %get3A_23 : vector<1x128xf32> to vector<10000x128xf32>
    %add3A_25 = arith.addf %mul3A_20, %add3A_24 : vector<10000x128xf32>
    %swap3A = arith.constant 0 : index
    %swap3A_26 = arith.constant 0 : index
    %swap3A_27 = vector.load %arg4[%swap3A, %swap3A_26] : memref<10000x128xf32, #tpu.memory_space<vmem>>, vector<10000x128xf32>
    tpu.vector_store %arg4[%swap3A, %swap3A_26], %add3A_25 {strides = array<i32>} : memref<10000x128xf32, #tpu.memory_space<vmem>>, vector<10000x128xf32>,
    return
  }
}

</mosaic_0001>

<sc_bundles>
// kernel: kernel.6.cloned.1.call-start
scs
__scs_entry_jumppad:
0x0: {  	(pc) =	sbr.rel $0x88, $3  }
0x1: {  	(tag) =	ssettag $0x0;
	lr =	simm.s32 $0x1  }
0x2: {  	[smem:$0x3F9D] =	sst lr;
	_ =	strace $0xD0000000  }
0x3: {  	_ = 	snop  }
0x4: {  	_ = 	snop  }
0x5: {  	_ = 	snop  }
0x6: {  	_ = 	snop  }
0x7: {  	_ = 	snop  }
__scs_overlays_trampoline_lowered:
0x8: {  	[smem:$0x3FAC] =	sst s0  }
0x9: {  	[smem:$0x3FAD] =	sst s1  }
0xa: {  	[smem:$0x3FAE] =	sst s2  }
0xb: {  	[smem:$0x3FAF] =	sst s3  }
0xc: {  	[smem:$0x3FB0] =	sst s4  }
0xd: {  	[smem:$0x3FB1] =	sst s5  }
0xe: {  	[smem:$0x3FB2] =	sst s6  }
0xf: {  	[smem:$0x3FB3] =	sst s7  }
0x10: {  	[smem:$0x3FB4] =	sst s8  }
0x11: {  	[smem:$0x3FB5] =	sst s9;
	s0 =	simm.s32 @!p0 $0x0  }
0x12: {  	s1 =	sld [smem:$0x3F9B];
	s0 =	simm.s32 @p0 $0x1  }
0x13: {  	[smem:$0x3FB6] =	sst s0;
	s0 =	simm.s32 @!p1 $0x0  }
0x14: {  	s2 =	sld [smem:$0x3F9A];
	s0 =	simm.s32 @p1 $0x1  }
0x15: {  	[smem:$0x3FB7] =	sst s0;
	s0 =	simm.s32 @!p2 $0x0  }
0x16: {  	s3 =	sld [smem:$0x3FDB];
	s0 =	simm.s32 @p2 $0x1  }
0x17: {  	s4 =	simm.s32 $0x1BF5;
	[smem:$0x3FB9] =	sst s0  }
0x18: {  	s0 =	sld [smem:$0x3F9C];
	_ =	swait.ge [sflag:s4], $0x0  }
0x19: {  	s7 =	sld [smem:$0x3F9D]  }
0x1a: {  	s8 =	sadd.s32 $0xFFFFE003, lr  }
0x1b: {  	s9 =	sadd.s32 $0xFFFFFEF7, lr;
	s5 =	simm.s32 $0xFFFFFFFF;
	p2 =	slt.u32 s8, $0xFFFFF086  }
0x1c: {  	p1 =	slt.u32 s9, $0xF7A;
	s5 =	simm.s32 @!p2 $0x0  }
0x1d: {  	s5 =	simm.s32 @p1 $0x1;
	p0 =	seq.s32 s7, s2  }
0x1e: {  	s7 =	smul.u32 @!p0 $0xF7A, s2;
	p2 =	seq.s32 @!p0 s5, $0x0  }
0x1f: {  	s9 =	smul.u32 $0xF7A, s1;
	s8 =	simm.s32 @!p0 $0x1BF5;
	p2 =	por !p2, p0  }
0x20: {  	[sflag:s8] =	ssyncset.s32 @!p0 $0xFFFFF086;
	s6 =	sadd.s32 @!p0 s3, s7;
	s7 =	simm.s32 @!p0 $0x108  }
0x21: {  	s3 =	sadd.s32 s3, s9;
	s6 =	sadd.s32 @!p0 $0x88, s6;
	s7 =	simm.s32 @p2 $0x1082  }
0x22: {  	[simem:s7], [sflag:s8] =	dma.local @!p0 [hbm:s6], $0xF7A  }
0x23: {  	s9 =	sor.u32 $0xD0000000, s2;
	s6 =	simm.s32 $0x108;
	_ =	swait.ge @!p0 [sflag:s8], $0x0  }
0x24: {  	s3 =	sadd.s32 $0x88, s3;
	s6 =	simm.s32 @!p1 $0x1082;
	[sflag:s4] =	ssyncset.s32 $0xFFFFF086  }
0x25: {  	[simem:s6], [sflag:s4] =	dma.local [hbm:s3], $0xF7A  }
0x26: {  	[smem:$0x3F9D] =	sst s1;
	(tag) =	ssettag s2;
	_ =	strace s9  }
0x27: {  	s1 =	sld [smem:$0x3FAD]  }
0x28: {  	s2 =	sld [smem:$0x3FAE]  }
0x29: {  	s4 =	sld [smem:$0x3FB0]  }
0x2a: {  	p0 =	seq.s32 s5, $0x0;
	s5 =	sld [smem:$0x3FB1]  }
0x2b: {  	s6 =	sld [smem:$0x3FB2]  }
0x2c: {  	s7 =	sld [smem:$0x3FB3]  }
0x2d: {  	s3 =	simm.s32 $0x108;
	s8 =	sld [smem:$0x3FB4]  }
0x2e: {  	s3 =	simm.s32 @!p0 $0x1082;
	s9 =	sld [smem:$0x3FB5]  }
0x2f: {  	lr =	sadd.s32 s0, s3;
	s0 =	sld [smem:$0x3FAC]  }
0x30: {  	s3 =	sld [smem:$0x3FAF]  }
0x31: {  	[smem:$0x3FB8] =	sst s10  }
0x32: {  	s10 =	sld [smem:$0x3FB6];
	_ =	sdelay $0x3  }
0x33: {  	p0 =	seq.s32 s10, $0x1;
	s10 =	sld [smem:$0x3FB8];
	_ =	sdelay $0x3  }
0x34: {  	[smem:$0x3FB8] =	sst s10  }
0x35: {  	s10 =	sld [smem:$0x3FB7];
	_ =	sdelay $0x3  }
0x36: {  	p1 =	seq.s32 s10, $0x1;
	s10 =	sld [smem:$0x3FB8];
	_ =	sdelay $0x3  }
0x37: {  	[smem:$0x3FB8] =	sst s10  }
0x38: {  	s10 =	sld [smem:$0x3FB9]  }
0x39: {  	_ = 	snop;
	(pc) =	sbr.ind lr, $3  }
0x3a: {  	_ = 	snop  }
0x3b: {  	_ = 	snop  }
0x3c: {  	p2 =	seq.s32 s10, $0x1;
	s10 =	sld [smem:$0x3FB8]  }
0x3d: {  	_ =	shalt  }
0x3e: {  	_ =	shalt  }
0x3f: {  	_ =	shalt  }
0x40: {  	_ =	shalt  }
0x41: {  	_ =	shalt  }
0x42: {  	_ =	shalt  }
0x43: {  	_ =	shalt  }
0x44: {  	_ =	shalt  }
0x45: {  	_ =	shalt  }
0x46: {  	_ =	shalt  }
0x47: {  	_ =	shalt  }
0x48: {  	_ =	shalt  }
0x49: {  	_ =	shalt  }
0x4a: {  	_ =	shalt  }
0x4b: {  	_ =	shalt  }
0x4c: {  	_ =	shalt  }
0x4d: {  	_ =	shalt  }
0x4e: {  	_ =	shalt  }
0x4f: {  	_ =	shalt  }
0x50: {  	_ =	shalt  }
0x51: {  	_ =	shalt  }
0x52: {  	_ =	shalt  }
0x53: {  	_ =	shalt  }
0x54: {  	_ =	shalt  }
0x55: {  	_ =	shalt  }
0x56: {  	_ =	shalt  }
0x57: {  	_ =	shalt  }
0x58: {  	_ =	shalt  }
0x59: {  	_ =	shalt  }
0x5a: {  	_ =	shalt  }
0x5b: {  	_ =	shalt  }
0x5c: {  	_ =	shalt  }
0x5d: {  	_ =	shalt  }
0x5e: {  	_ =	shalt  }
0x5f: {  	_ =	shalt  }
0x60: {  	_ =	shalt  }
0x61: {  	_ =	shalt  }
0x62: {  	_ =	shalt  }
0x63: {  	_ =	shalt  }
0x64: {  	_ =	shalt  }
0x65: {  	_ =	shalt  }
0x66: {  	_ =	shalt  }
0x67: {  	_ =	shalt  }
0x68: {  	_ =	shalt  }
0x69: {  	_ =	shalt  }
0x6a: {  	_ =	shalt  }
0x6b: {  	_ =	shalt  }
0x6c: {  	_ =	shalt  }
0x6d: {  	_ =	shalt  }
0x6e: {  	_ =	shalt  }
0x6f: {  	_ =	shalt  }
0x70: {  	_ =	shalt  }
0x71: {  	_ =	shalt  }
0x72: {  	_ =	shalt  }
0x73: {  	_ =	shalt  }
0x74: {  	_ =	shalt  }
0x75: {  	_ =	shalt  }
0x76: {  	_ =	shalt  }
0x77: {  	_ =	shalt  }
0x78: {  	_ =	shalt  }
0x79: {  	_ =	shalt  }
0x7a: {  	_ =	shalt  }
0x7b: {  	_ =	shalt  }
0x7c: {  	_ =	shalt  }
0x7d: {  	_ =	shalt  }
0x7e: {  	_ =	shalt  }
0x7f: {  	_ =	shalt  }
0x80: {  	_ =	shalt  }
0x81: {  	_ =	shalt  }
0x82: {  	_ =	shalt  }
0x83: {  	_ =	shalt  }
0x84: {  	_ =	shalt  }
0x85: {  	_ =	shalt  }
0x86: {  	_ =	shalt  }
0x87: {  	_ =	shalt  }
.Lfunc_end0:
.L_simem_size_0:
called_computation_lowered:
.L_overlay_start_0:
0x88: {  	s2 =	sld [smem:$0x3FD9]  }
0x89: {  	s3 =	sld [smem:$0x3FFE];
	_ =	sdelay $0x1  }
0x8a: {  	s1 =	srdreg.scid  }
0x8b: {  	s0 =	sand.u32 $0x1, s1  }
0x8c: {  	s17 =	sshll.u32 s0, $0xA;
	s2 =	sadd.s32 s3, s2  }
0x8d: {  	s2 =	sadd.s32 s2, s17  }
0x8e: {  	[smem:$0x3FC4] =	sst s2  }
0x8f: {  	_ = 	snop  }
0x90: {  	s2 =	sld [smem:$0x3FD0];
	(tm) =	ssettm $0x1  }
0x91: {  	s18 =	sld [smem:$0x3FFB];
	_ =	sdelay $0x3  }
0x92: {  	_ =	strace s18  }
0x93: {  	s3 =	sld [smem:$0x3FFC];
	_ =	sdelay $0x3  }
0x94: {  	_ =	strace s3  }
0x95: {  	s3 =	sld [smem:$0x3FFD];
	_ =	sdelay $0x3  }
0x96: {  	_ =	strace s3  }
0x97: {  	_ =	strace $0x8FFFFFFF  }
0x98: {  	s19 =	sld [smem:$0x3FDB];
	_ =	sdelay $0x1  }
0x99: {  	s4 =	simm.s32 $_scs_section_size  }
0x9a: {  	s5 =	simm.s32 $_size__tile_overlayer_lowered;
	s6 =	simm.s32 $_tile_overlayer_lowered  }
0x9b: {  	s22 =	simm.s32 $0x1BFF;
	s21 =	sshll.u32 s6, $0x1;
	s3 =	sadd.s32 s4, s19  }
0x9c: {  	s7 =	simm.s32 $0x0;
	s20 =	sshll.u32 s5, $0x1;
	s5 =	sadd.s32 s21, s3  }
0x9d: {  	[timem:s7], [sflag:s22] =	dma.local [hbm:s5], s20  }
0x9e: {  	_ =	swait.ge [sflag:s22], s20  }
0x9f: {  	s4 =	ssub.s32 $0x0, s20;
	[sflag:s22] =	ssyncset.done $0x0  }
0xa0: {  	[sflag:s22] =	ssyncadd.s32 s4;
	_ =	sdelay $0x1  }
0xa1: {  	s23 =	simm.s32 $0x1B8B  }
0xa2: {  	_ =	swait.ge [sflag:s23], $0x1  }
0xa3: {  	[sflag:s23] =	ssyncset.done $0x0  }
0xa4: {  	s25 =	simm.s32 $0x1B8E;
	s24 =	sld [smem:$0x3FFE];
	[sflag:s23] =	ssyncadd.s32 $0xFFFFFFFF  }
0xa5: {  	s26 =	simm.s32 $execute0_lowered;
	[smem:$0x3FD2] =	sst s25  }
0xa6: {  	s5 =	sshll.u32 s26, $0x1;
	_ =	strace $0x80000046;
	[dreg:$0x1] =	wrdreg $0xFFFFFFFF  }
0xa7: {  	s28 =	simm.s32 $_size_execute0_lowered;
	s3 =	sadd.s32 s3, s5;
	[dreg:$0x0] =	wrdreg $0x0  }
0xa8: {  	s5 =	sshll.u32 s28, $0x1;
	[dreg:$0x2] =	wrdreg s3  }
0xa9: {  	[dreg:$0x3] =	wrdreg s5  }
0xaa: {  	[dreg:$0x4] =	wrdreg $0xC0  }
0xab: {  	_ =	task [dreg:s7], $0x5FFFF  }
0xac: {  	[dreg:$0x1] =	wrdreg $0xFFFFFFFF  }
0xad: {  	[dreg:$0x0] =	wrdreg $0x60  }
0xae: {  	[dreg:$0x2] =	wrdreg s24  }
0xaf: {  	[dreg:$0x3] =	wrdreg s2  }
0xb0: {  	[dreg:$0x4] =	wrdreg $0x9  }
0xb1: {  	_ =	task.clear_ibuf [dreg:s7], $0x5FFFF;
	_ =	strace $0x90000046  }
0xb2: {  	s29 =	simm.s32 $0x9;
	_ =	strace $0x80000048  }
0xb3: {  	_ =	swait.ge [sflag:s29], $0x1  }
0xb4: {  	[sflag:s29] =	ssyncadd.s32 $0xFFFFFFFF  }
0xb5: {  	_ =	strace $0x90000048  }
0xb6: {  	_ =	sfence  }
0xb7: {  	s30 =	sld [smem:$0x0];
	_ =	sdelay $0x2  }
0xb8: {  	s31 =	sshll.u32 s1, $0xD;
	s1 =	sshrl.u32 s1, $0x2  }
0xb9: {  	s3 =	sand.u32 $0x4000, s31;
	s1 =	sadd.s32 s1, s30  }
0xba: {  	s0 =	sor.u32 s3, s0;
	s1 =	sshll.u32 s1, $0x11  }
0xbb: {  	s0 =	sor.u32 s1, s0  }
0xbc: {  	s0 =	sadd.s32 $0x8F2B, s0  }
0xbd: {  	[sflag:s0] =	ssyncadd.remote.s32 $0x1  }
0xbe: {  	_ =	sfence.sel $0xFFFF  }
0xbf: {  	[dreg:$0x0] =	wrdreg $0xFFFFFFFF;
	(pc) =	sbr.abs _section_cstart, $3  }
0xc0: {  	[dreg:$0x1] =	wrdreg $0xFFFFFFFF  }
0xc1: {  	_ =	task.clear_ibuf [dreg:s7], $0x2FFFF;
	_ =	strace $0x9FFFFFFF  }
0xc2: {  	(tm) =	ssettm $0x7FFFFFFF  }
0xc3: {  	_ =	shalt  }
tec
execute0_lowered:
.L_overlay_start_1:
0x0: {  	(tag) =	ssettag $0x1  }
0x1: {  	s0 =	srdreg.scid;
	s3 =	rddreg [dreg:$0x0]  }
0x2: {  	s5 =	rddreg [dreg:$0x1];
	s1 =	stileid.u32;
	s4 =	sand.u32 $0x1, s0  }
0x3: {  	s9 =	simm.s32 $0x400;
	s0 =	rddreg [dreg:$0x2];
	s2 =	sshll.u32 s4, $0x4  }
0x4: {  	s8 =	sshll.u32 s1, $0x7;
	s4 =	ssub.s32 $0x2, s4;
	s6 =	sor.u32 s1, s2  }
0x5: {  	s2 =	simm.s32 $0x0;
	s7 =	smul.u32 $0x4EC, s6;
	s6 =	sshrl.u32 s6, $0x3  }
0x6: {  	s8 =	sand.u32 $0x380, s8;
	[smem:$0x7FF] =	sst s2;
	s6 =	smul.u32 $0x13C00, s6  }
0x7: {  	s30 =	sshrl.u32 s4, $0x1;
	_ =	strace $0x80000047;
	s3 =	sadd.s32 s7, s3  }
0x8: {  	s7 =	ssub.s32 s4, s30;
	s6 =	sor.u32 s8, s6;
	s3 =	sadd.s32 $0xB800, s3  }
0x9: {  	s8 =	simm.s32 $0x80;
	s31 =	sshrl.u32 s6, $0x3;
	s6 =	simm.s32 $0x1  }
0xa: {  	v0 =	vimm.f32 $0.0e+00;
	v1 =	vimm.f32 $1.000000000e+00;
	s4 =	sadd.s32 s5, s31;
	s5 =	smax.u32 s7, $0x1;
	s7 =	simm.s32 $0x2780  }
.LBB2_1:
0xb: {  	s10 =	simm.s32 $0x40;
	s11 =	simm.s32 $0x0  }
.LBB2_2:
0xc: {  	p0 =	sne.s32 s10, $0x9DC0;
	[tilespmem:s11+$0x2780] =	vst v0;
	s11 =	smov.u32 s10;
	s10 =	sadd.s32 $0x40, s10  }
.Ltmp0:
0xd: {  	(pc) =	sbr.rel @p0 .LBB2_2-.Ltmp0, $2  }
0xe: {  	_ =	sdelay $0x2  }
0xf: {  	s11 =	sshra.s32 s11, $0x2  }
0x10: {  	[tilespmem:s11+$0x2780] =	vst v0;
	s10 =	simm.s32 $0x0  }
0x11: {  	[tilespmem:s10], [sflag:$0x1] =	stream.linear.gather [hbm4b:s3+s10], $0x2760, $0x38;
	[tilespmem:$0x4F00] =	vst v63  }
0x12: {  	_ =	swait.ge [sflag:s6], $0x2760  }
0x13: {  	[sflag:s6] =	ssyncset.done $0x0  }
0x14: {  	s11 =	simm.s32 $0x0;
	s10 =	simm.s32 $0x40;
	[sflag:s6] =	ssyncadd.s32 $0xFFFFD8A0  }
.LBB2_4:
0x15: {  	p0 =	sne.s32 s10, $0x9D40;
	v2 =	vld [tilespmem:s11+$0x0];
	_ =	sdelay $0x3  }
.Ltmp1:
0x16: {  	(pc) =	sbr.rel @p0 .LBB2_4-.Ltmp1, $2  }
0x17: {  	_ =	sdelay $0x2  }
0x18: {  	s11 =	sshra.s32 s10, $0x2;
	s10 =	sadd.s32 $0x40, s10;
	[tilespmem:v2+s7+$0x0] =	vst.idx.add.f32.msk $0xffff, v1  }
0x19: {  	v2 =	vld [tilespmem:s11+$0x0];
	_ =	sdelay $0x5  }
0x1a: {  	s2 =	sadd.s32 $0x1, s2  }
0x1b: {  	p0 =	sne.s32 s2, s5  }
.Ltmp2:
0x1c: {  	[tilespmem:v2+s7+$0x0] =	vst.idx.add.f32.msk $0xffff, v1;
	(pc) =	sbr.rel @p0 .LBB2_1-.Ltmp2, $4  }
0x1d: {  	[hbm4b:s4+s8] =	stream.strided.scatter [tilespmem:s7], [sflag:$0x1], $0x2780, s9, s8, $0x38;
	[tilespmem:$0x4F00] =	vst v63  }
0x1e: {  	_ =	swait.ge [sflag:s6], $0x2780  }
0x1f: {  	[sflag:s6] =	ssyncset.done $0x0  }
0x20: {  	[sflag:s6] =	ssyncadd.s32 $0xFFFFD880  }
0x21: {  	_ =	sfence.sel $0x180000  }
0x22: {  	[bflag:$0x0] =	sbarrier.arrive $0xFFFF  }
0x23: {  	p0 =	sne.s32 s1, $0x0;
	_ =	strace $0x90000047  }
0x24: {  	s0 =	sadd.s32 @!p0 $0x100000, s0;
	[bflag:$0x2] =	sbarrier.arrive $0xFFFF  }
0x25: {  	[sflag:s0] =	ssyncadd.tile.s32 @!p0 $0x1;
	_ =	shalt  }
.Lfunc_end2:
_tile_overlayer_lowered:
.L_overlay_start_2:
0x26: {  	(tag) =	ssettag $0x2  }
0x27: {  	s0 =	rddreg [dreg:$0x0];
	s2 =	stileid.u32  }
0x28: {  	s1 =	rddreg [dreg:$0x1];
	p0 =	sne.s32 s2, $0x0  }
0x29: {  	s3 =	rddreg [dreg:$0x2];
	[bflag:$0x3] =	sbarrier.arrive $0xFFFF;
	s2 =	simm.s32 @!p0 $0x1C01  }
0x2a: {  	[timem:s3], [sflag:s2] =	dma.local @!p0 [hbm:s0], s1  }
0x2b: {  	s0 =	simm.s32 @!p0 $0x1  }
0x2c: {  	_ =	swait.ge @!p0 [sflag:s0], s1  }
0x2d: {  	s1 =	ssub.s32 @!p0 $0x0, s1;
	[sflag:s0] =	ssyncset.done @!p0 $0x0  }
0x2e: {  	[sflag:s0] =	ssyncadd.s32 @!p0 s1  }
0x2f: {  	[bflag:$0x3] =	sbarrier.arrive $0xFFFF  }
0x30: {  	_ =	shalt  }

// kernel: kernel.9.cloned.1.call-start
scs
__scs_entry_jumppad:
0x0: {  	(pc) =	sbr.rel $0x88, $3  }
0x1: {  	(tag) =	ssettag $0x0;
	lr =	simm.s32 $0x1  }
0x2: {  	[smem:$0x3F9D] =	sst lr;
	_ =	strace $0xD0000000  }
0x3: {  	_ = 	snop  }
0x4: {  	_ = 	snop  }
0x5: {  	_ = 	snop  }
0x6: {  	_ = 	snop  }
0x7: {  	_ = 	snop  }
__scs_overlays_trampoline_lowered:
0x8: {  	[smem:$0x3FAC] =	sst s0  }
0x9: {  	[smem:$0x3FAD] =	sst s1  }
0xa: {  	[smem:$0x3FAE] =	sst s2  }
0xb: {  	[smem:$0x3FAF] =	sst s3  }
0xc: {  	[smem:$0x3FB0] =	sst s4  }
0xd: {  	[smem:$0x3FB1] =	sst s5  }
0xe: {  	[smem:$0x3FB2] =	sst s6  }
0xf: {  	[smem:$0x3FB3] =	sst s7  }
0x10: {  	[smem:$0x3FB4] =	sst s8  }
0x11: {  	[smem:$0x3FB5] =	sst s9;
	s0 =	simm.s32 @!p0 $0x0  }
0x12: {  	s1 =	sld [smem:$0x3F9B];
	s0 =	simm.s32 @p0 $0x1  }
0x13: {  	[smem:$0x3FB6] =	sst s0;
	s0 =	simm.s32 @!p1 $0x0  }
0x14: {  	s2 =	sld [smem:$0x3F9A];
	s0 =	simm.s32 @p1 $0x1  }
0x15: {  	[smem:$0x3FB7] =	sst s0;
	s0 =	simm.s32 @!p2 $0x0  }
0x16: {  	s3 =	sld [smem:$0x3FDB];
	s0 =	simm.s32 @p2 $0x1  }
0x17: {  	s4 =	simm.s32 $0x1BF5;
	[smem:$0x3FB9] =	sst s0  }
0x18: {  	s0 =	sld [smem:$0x3F9C];
	_ =	swait.ge [sflag:s4], $0x0  }
0x19: {  	s7 =	sld [smem:$0x3F9D]  }
0x1a: {  	s8 =	sadd.s32 $0xFFFFE003, lr  }
0x1b: {  	s9 =	sadd.s32 $0xFFFFFEF7, lr;
	s5 =	simm.s32 $0xFFFFFFFF;
	p2 =	slt.u32 s8, $0xFFFFF086  }
0x1c: {  	p1 =	slt.u32 s9, $0xF7A;
	s5 =	simm.s32 @!p2 $0x0  }
0x1d: {  	s5 =	simm.s32 @p1 $0x1;
	p0 =	seq.s32 s7, s2  }
0x1e: {  	s7 =	smul.u32 @!p0 $0xF7A, s2;
	p2 =	seq.s32 @!p0 s5, $0x0  }
0x1f: {  	s9 =	smul.u32 $0xF7A, s1;
	s8 =	simm.s32 @!p0 $0x1BF5;
	p2 =	por !p2, p0  }
0x20: {  	[sflag:s8] =	ssyncset.s32 @!p0 $0xFFFFF086;
	s6 =	sadd.s32 @!p0 s3, s7;
	s7 =	simm.s32 @!p0 $0x108  }
0x21: {  	s3 =	sadd.s32 s3, s9;
	s6 =	sadd.s32 @!p0 $0x88, s6;
	s7 =	simm.s32 @p2 $0x1082  }
0x22: {  	[simem:s7], [sflag:s8] =	dma.local @!p0 [hbm:s6], $0xF7A  }
0x23: {  	s9 =	sor.u32 $0xD0000000, s2;
	s6 =	simm.s32 $0x108;
	_ =	swait.ge @!p0 [sflag:s8], $0x0  }
0x24: {  	s3 =	sadd.s32 $0x88, s3;
	s6 =	simm.s32 @!p1 $0x1082;
	[sflag:s4] =	ssyncset.s32 $0xFFFFF086  }
0x25: {  	[simem:s6], [sflag:s4] =	dma.local [hbm:s3], $0xF7A  }
0x26: {  	[smem:$0x3F9D] =	sst s1;
	(tag) =	ssettag s2;
	_ =	strace s9  }
0x27: {  	s1 =	sld [smem:$0x3FAD]  }
0x28: {  	s2 =	sld [smem:$0x3FAE]  }
0x29: {  	s4 =	sld [smem:$0x3FB0]  }
0x2a: {  	p0 =	seq.s32 s5, $0x0;
	s5 =	sld [smem:$0x3FB1]  }
0x2b: {  	s6 =	sld [smem:$0x3FB2]  }
0x2c: {  	s7 =	sld [smem:$0x3FB3]  }
0x2d: {  	s3 =	simm.s32 $0x108;
	s8 =	sld [smem:$0x3FB4]  }
0x2e: {  	s3 =	simm.s32 @!p0 $0x1082;
	s9 =	sld [smem:$0x3FB5]  }
0x2f: {  	lr =	sadd.s32 s0, s3;
	s0 =	sld [smem:$0x3FAC]  }
0x30: {  	s3 =	sld [smem:$0x3FAF]  }
0x31: {  	[smem:$0x3FB8] =	sst s10  }
0x32: {  	s10 =	sld [smem:$0x3FB6];
	_ =	sdelay $0x3  }
0x33: {  	p0 =	seq.s32 s10, $0x1;
	s10 =	sld [smem:$0x3FB8];
	_ =	sdelay $0x3  }
0x34: {  	[smem:$0x3FB8] =	sst s10  }
0x35: {  	s10 =	sld [smem:$0x3FB7];
	_ =	sdelay $0x3  }
0x36: {  	p1 =	seq.s32 s10, $0x1;
	s10 =	sld [smem:$0x3FB8];
	_ =	sdelay $0x3  }
0x37: {  	[smem:$0x3FB8] =	sst s10  }
0x38: {  	s10 =	sld [smem:$0x3FB9]  }
0x39: {  	_ = 	snop;
	(pc) =	sbr.ind lr, $3  }
0x3a: {  	_ = 	snop  }
0x3b: {  	_ = 	snop  }
0x3c: {  	p2 =	seq.s32 s10, $0x1;
	s10 =	sld [smem:$0x3FB8]  }
0x3d: {  	_ =	shalt  }
0x3e: {  	_ =	shalt  }
0x3f: {  	_ =	shalt  }
0x40: {  	_ =	shalt  }
0x41: {  	_ =	shalt  }
0x42: {  	_ =	shalt  }
0x43: {  	_ =	shalt  }
0x44: {  	_ =	shalt  }
0x45: {  	_ =	shalt  }
0x46: {  	_ =	shalt  }
0x47: {  	_ =	shalt  }
0x48: {  	_ =	shalt  }
0x49: {  	_ =	shalt  }
0x4a: {  	_ =	shalt  }
0x4b: {  	_ =	shalt  }
0x4c: {  	_ =	shalt  }
0x4d: {  	_ =	shalt  }
0x4e: {  	_ =	shalt  }
0x4f: {  	_ =	shalt  }
0x50: {  	_ =	shalt  }
0x51: {  	_ =	shalt  }
0x52: {  	_ =	shalt  }
0x53: {  	_ =	shalt  }
0x54: {  	_ =	shalt  }
0x55: {  	_ =	shalt  }
0x56: {  	_ =	shalt  }
0x57: {  	_ =	shalt  }
0x58: {  	_ =	shalt  }
0x59: {  	_ =	shalt  }
0x5a: {  	_ =	shalt  }
0x5b: {  	_ =	shalt  }
0x5c: {  	_ =	shalt  }
0x5d: {  	_ =	shalt  }
0x5e: {  	_ =	shalt  }
0x5f: {  	_ =	shalt  }
0x60: {  	_ =	shalt  }
0x61: {  	_ =	shalt  }
0x62: {  	_ =	shalt  }
0x63: {  	_ =	shalt  }
0x64: {  	_ =	shalt  }
0x65: {  	_ =	shalt  }
0x66: {  	_ =	shalt  }
0x67: {  	_ =	shalt  }
0x68: {  	_ =	shalt  }
0x69: {  	_ =	shalt  }
0x6a: {  	_ =	shalt  }
0x6b: {  	_ =	shalt  }
0x6c: {  	_ =	shalt  }
0x6d: {  	_ =	shalt  }
0x6e: {  	_ =	shalt  }
0x6f: {  	_ =	shalt  }
0x70: {  	_ =	shalt  }
0x71: {  	_ =	shalt  }
0x72: {  	_ =	shalt  }
0x73: {  	_ =	shalt  }
0x74: {  	_ =	shalt  }
0x75: {  	_ =	shalt  }
0x76: {  	_ =	shalt  }
0x77: {  	_ =	shalt  }
0x78: {  	_ =	shalt  }
0x79: {  	_ =	shalt  }
0x7a: {  	_ =	shalt  }
0x7b: {  	_ =	shalt  }
0x7c: {  	_ =	shalt  }
0x7d: {  	_ =	shalt  }
0x7e: {  	_ =	shalt  }
0x7f: {  	_ =	shalt  }
0x80: {  	_ =	shalt  }
0x81: {  	_ =	shalt  }
0x82: {  	_ =	shalt  }
0x83: {  	_ =	shalt  }
0x84: {  	_ =	shalt  }
0x85: {  	_ =	shalt  }
0x86: {  	_ =	shalt  }
0x87: {  	_ =	shalt  }
.Lfunc_end0:
.L_simem_size_0:
called_computation.1_lowered:
.L_overlay_start_0:
0x88: {  	s2 =	sld [smem:$0x3FD9]  }
0x89: {  	s3 =	sld [smem:$0x3FFE];
	_ =	sdelay $0x1  }
0x8a: {  	s1 =	srdreg.scid  }
0x8b: {  	s0 =	sand.u32 $0x1, s1  }
0x8c: {  	s17 =	sshll.u32 s0, $0xA;
	s2 =	sadd.s32 s3, s2  }
0x8d: {  	s2 =	sadd.s32 s2, s17  }
0x8e: {  	[smem:$0x3FC4] =	sst s2  }
0x8f: {  	_ = 	snop  }
0x90: {  	s2 =	sld [smem:$0x3FD0];
	(tm) =	ssettm $0x1  }
0x91: {  	s18 =	sld [smem:$0x3FFB];
	_ =	sdelay $0x3  }
0x92: {  	_ =	strace s18  }
0x93: {  	s3 =	sld [smem:$0x3FFC];
	_ =	sdelay $0x3  }
0x94: {  	_ =	strace s3  }
0x95: {  	s3 =	sld [smem:$0x3FFD];
	_ =	sdelay $0x3  }
0x96: {  	_ =	strace s3  }
0x97: {  	_ =	strace $0x8FFFFFFF  }
0x98: {  	s19 =	sld [smem:$0x3FDB];
	_ =	sdelay $0x1  }
0x99: {  	s4 =	simm.s32 $_scs_section_size  }
0x9a: {  	s5 =	simm.s32 $_size__tile_overlayer_lowered;
	s6 =	simm.s32 $_tile_overlayer_lowered  }
0x9b: {  	s22 =	simm.s32 $0x1BFF;
	s21 =	sshll.u32 s6, $0x1;
	s3 =	sadd.s32 s4, s19  }
0x9c: {  	s7 =	simm.s32 $0x0;
	s20 =	sshll.u32 s5, $0x1;
	s5 =	sadd.s32 s21, s3  }
0x9d: {  	[timem:s7], [sflag:s22] =	dma.local [hbm:s5], s20  }
0x9e: {  	_ =	swait.ge [sflag:s22], s20  }
0x9f: {  	s4 =	ssub.s32 $0x0, s20;
	[sflag:s22] =	ssyncset.done $0x0  }
0xa0: {  	[sflag:s22] =	ssyncadd.s32 s4;
	_ =	sdelay $0x1  }
0xa1: {  	s23 =	simm.s32 $0x1B8B  }
0xa2: {  	_ =	swait.ge [sflag:s23], $0x1  }
0xa3: {  	[sflag:s23] =	ssyncset.done $0x0  }
0xa4: {  	s25 =	simm.s32 $0x1B8E;
	s24 =	sld [smem:$0x3FFE];
	[sflag:s23] =	ssyncadd.s32 $0xFFFFFFFF  }
0xa5: {  	s26 =	simm.s32 $execute0_lowered;
	[smem:$0x3FD2] =	sst s25  }
0xa6: {  	s5 =	sshll.u32 s26, $0x1;
	_ =	strace $0x80000049;
	[dreg:$0x1] =	wrdreg $0xFFFFFFFF  }
0xa7: {  	s28 =	simm.s32 $_size_execute0_lowered;
	s3 =	sadd.s32 s3, s5;
	[dreg:$0x0] =	wrdreg $0x0  }
0xa8: {  	s5 =	sshll.u32 s28, $0x1;
	[dreg:$0x2] =	wrdreg s3  }
0xa9: {  	[dreg:$0x3] =	wrdreg s5  }
0xaa: {  	[dreg:$0x4] =	wrdreg $0xC0  }
0xab: {  	_ =	task [dreg:s7], $0x5FFFF  }
0xac: {  	[dreg:$0x1] =	wrdreg $0xFFFFFFFF  }
0xad: {  	[dreg:$0x0] =	wrdreg $0x60  }
0xae: {  	[dreg:$0x2] =	wrdreg s24  }
0xaf: {  	[dreg:$0x3] =	wrdreg s2  }
0xb0: {  	[dreg:$0x4] =	wrdreg $0xBE000  }
0xb1: {  	[dreg:$0x5] =	wrdreg $0x9  }
0xb2: {  	_ =	task.clear_ibuf [dreg:s7], $0x6FFFF;
	_ =	strace $0x90000049  }
0xb3: {  	s29 =	simm.s32 $0x9;
	_ =	strace $0x8000004B  }
0xb4: {  	_ =	swait.ge [sflag:s29], $0x1  }
0xb5: {  	[sflag:s29] =	ssyncadd.s32 $0xFFFFFFFF  }
0xb6: {  	_ =	strace $0x9000004B  }
0xb7: {  	_ =	sfence  }
0xb8: {  	s30 =	sld [smem:$0x0];
	_ =	sdelay $0x2  }
0xb9: {  	s31 =	sshll.u32 s1, $0xD;
	s1 =	sshrl.u32 s1, $0x2  }
0xba: {  	s3 =	sand.u32 $0x4000, s31;
	s1 =	sadd.s32 s1, s30  }
0xbb: {  	s0 =	sor.u32 s3, s0;
	s1 =	sshll.u32 s1, $0x11  }
0xbc: {  	s0 =	sor.u32 s1, s0  }
0xbd: {  	s0 =	sadd.s32 $0x8F2B, s0  }
0xbe: {  	[sflag:s0] =	ssyncadd.remote.s32 $0x1  }
0xbf: {  	_ =	sfence.sel $0xFFFF  }
0xc0: {  	[dreg:$0x0] =	wrdreg $0xFFFFFFFF;
	(pc) =	sbr.abs _section_cstart, $3  }
0xc1: {  	[dreg:$0x1] =	wrdreg $0xFFFFFFFF  }
0xc2: {  	_ =	task.clear_ibuf [dreg:s7], $0x2FFFF;
	_ =	strace $0x9FFFFFFF  }
0xc3: {  	(tm) =	ssettm $0x7FFFFFFF  }
tec
execute0_lowered:
.L_overlay_start_1:
0x0: {  	(tag) =	ssettag $0x1  }
0x1: {  	s5 =	rddreg [dreg:$0x0]  }
0x2: {  	s24 =	rddreg [dreg:$0x1]  }
0x3: {  	s2 =	rddreg [dreg:$0x2];
	s14 =	stileid.u32  }
0x4: {  	s0 =	srdreg.scid;
	s6 =	smul.u32 $0x13C00, s14  }
0x5: {  	s23 =	simm.s32 $0x0;
	s9 =	sand.u32 $0x1, s0;
	s16 =	smul.u32 $0x2760, s14  }
0x6: {  	[smem:$0x7FF] =	sst s23;
	s3 =	smul.u32 $0x13C000, s9  }
0x7: {  	s0 =	sshll.u32 s9, $0x4;
	_ =	strace $0x8000004A;
	s10 =	ssub.s32 $0x2, s9  }
0x8: {  	s9 =	smul.u32 $0x27600, s9;
	s8 =	sor.u32 s14, s0;
	s0 =	sadd.s32 $0x1A00, s5  }
0x9: {  	s11 =	sshrl.u32 s10, $0x1;
	s6 =	sadd.s32 s6, s3;
	s7 =	smul.u32 $0x2760, s8  }
0xa: {  	s3 =	sadd.s32 $0xB800, s5;
	s8 =	smul.u32 $0x4EC, s8;
	s9 =	sadd.s32 s16, s9  }
0xb: {  	s6 =	sshrl.u32 s6, $0x3;
	s25 =	sadd.s32 $0x798, s9;
	s29 =	sadd.s32 $0x750, s9  }
0xc: {  	s12 =	sadd.s32 $0x48, s7;
	s5 =	sadd.s32 s6, s5;
	s1 =	sadd.s32 s0, s8  }
0xd: {  	s8 =	sadd.s32 s3, s8;
	s26 =	sshrl.u32 s25, $0x3;
	[dreg:$0x18] =	wrdreg s1  }
0xe: {  	s6 =	ssub.s32 s10, s11;
	[dreg:$0x19] =	wrdreg s8;
	s28 =	sadd.s32 s26, s3  }
0xf: {  	s31 =	sshrl.u32 s12, $0x3;
	s30 =	sadd.s32 s26, s0;
	[dreg:$0x6] =	wrdreg s28  }
0x10: {  	s8 =	sshrl.u32 s7, $0x3;
	s4 =	sadd.s32 s0, s31;
	[dreg:$0x7] =	wrdreg s30  }
0x11: {  	s11 =	sadd.s32 s3, s31;
	s12 =	sadd.s32 $0x12, s8;
	[dreg:$0x1a] =	wrdreg s4  }
0x12: {  	s15 =	sadd.s32 $0xD8, s7;
	[dreg:$0x1b] =	wrdreg s11;
	s13 =	sadd.s32 s0, s12  }
0x13: {  	s17 =	sshrl.u32 s15, $0x3;
	s10 =	sadd.s32 s3, s12;
	[dreg:$0x1c] =	wrdreg s13  }
0x14: {  	s18 =	sadd.s32 $0x24, s8;
	s11 =	sadd.s32 s0, s17;
	[dreg:$0x1d] =	wrdreg s10  }
0x15: {  	s31 =	sshrl.u32 s29, $0x3;
	s19 =	sadd.s32 s0, s18;
	[dreg:$0x1e] =	wrdreg s11  }
0x16: {  	s26 =	sadd.s32 $0x630, s9;
	s1 =	sadd.s32 s31, s3;
	[smem:$0x7D3] =	sst s19  }
0x17: {  	s29 =	sshrl.u32 s26, $0x3;
	s12 =	sadd.s32 s31, s0;
	[dreg:$0x8] =	wrdreg s1  }
0x18: {  	s16 =	sadd.s32 $0x6C0, s9;
	s30 =	sadd.s32 s29, s3;
	[dreg:$0x9] =	wrdreg s12  }
0x19: {  	s21 =	sadd.s32 $0x168, s7;
	s10 =	sadd.s32 s3, s17;
	[dreg:$0x10] =	wrdreg s30  }
0x1a: {  	s4 =	sadd.s32 $0x708, s9;
	s11 =	sadd.s32 s3, s18;
	[dreg:$0x1f] =	wrdreg s10  }
0x1b: {  	s13 =	sshrl.u32 s4, $0x3;
	s1 =	sadd.s32 s29, s0;
	[smem:$0x7D4] =	sst s11  }
0x1c: {  	s31 =	sadd.s32 $0x5E8, s9;
	s15 =	sadd.s32 s13, s3;
	[dreg:$0x11] =	wrdreg s1  }
0x1d: {  	s18 =	sshrl.u32 s16, $0x3;
	s17 =	sadd.s32 s13, s0;
	[dreg:$0xa] =	wrdreg s15  }
0x1e: {  	s4 =	sshrl.u32 s31, $0x3;
	s19 =	sadd.s32 s18, s3;
	[dreg:$0xb] =	wrdreg s17  }
0x1f: {  	s11 =	sshrl.u32 s21, $0x3;
	s21 =	sadd.s32 s18, s0;
	[dreg:$0xc] =	wrdreg s19  }
0x20: {  	s20 =	sadd.s32 $0x7E0, s9;
	s13 =	sadd.s32 s4, s3;
	[dreg:$0xd] =	wrdreg s21  }
0x21: {  	s10 =	sshrl.u32 s20, $0x3;
	s16 =	sadd.s32 s4, s0;
	[dreg:$0x12] =	wrdreg s13  }
0x22: {  	s30 =	sadd.s32 $0x288, s7;
	s22 =	sadd.s32 s10, s3;
	[dreg:$0x13] =	wrdreg s16  }
0x23: {  	s1 =	sadd.s32 $0x48, s8;
	s10 =	sadd.s32 s10, s0;
	[dreg:$0x4] =	wrdreg s22  }
0x24: {  	s31 =	sshrl.u32 s30, $0x3;
	s4 =	sadd.s32 s0, s1;
	[dreg:$0x5] =	wrdreg s10  }
0x25: {  	s20 =	sadd.s32 $0x678, s9;
	s12 =	sadd.s32 s0, s31;
	[smem:$0x7DB] =	sst s4  }
0x26: {  	s22 =	sshrl.u32 s20, $0x3;
	s20 =	sadd.s32 s0, s11;
	[smem:$0x7DD] =	sst s12  }
0x27: {  	s13 =	sadd.s32 $0x5A, s8;
	s11 =	sadd.s32 s3, s11;
	[smem:$0x7D5] =	sst s20  }
0x28: {  	s16 =	sadd.s32 s0, s13;
	[smem:$0x7D6] =	sst s11  }
0x29: {  	s15 =	sadd.s32 $0x5A0, s9;
	s25 =	sadd.s32 s22, s3;
	[smem:$0x7DF] =	sst s16  }
0x2a: {  	s17 =	sshrl.u32 s15, $0x3;
	s28 =	sadd.s32 s22, s0;
	[dreg:$0xe] =	wrdreg s25  }
0x2b: {  	s9 =	sadd.s32 $0x558, s9;
	s18 =	sadd.s32 s17, s3;
	[dreg:$0xf] =	wrdreg s28  }
0x2c: {  	s9 =	sshrl.u32 s9, $0x3;
	s19 =	sadd.s32 s17, s0;
	[dreg:$0x14] =	wrdreg s18  }
0x2d: {  	s15 =	sadd.s32 $0x318, s7;
	s21 =	sadd.s32 s9, s3;
	[dreg:$0x15] =	wrdreg s19  }
0x2e: {  	s22 =	sadd.s32 $0x36, s8;
	s11 =	sadd.s32 s3, s1;
	[dreg:$0x16] =	wrdreg s21  }
0x2f: {  	s17 =	sshrl.u32 s15, $0x3;
	s26 =	sadd.s32 s0, s22;
	[smem:$0x7DC] =	sst s11  }
0x30: {  	s15 =	smul.u32 $0x4F000, s14;
	s28 =	sadd.s32 s3, s22;
	[smem:$0x7D7] =	sst s26  }
0x31: {  	s11 =	sadd.s32 s0, s17;
	s18 =	sadd.s32 $0x6C, s8;
	[smem:$0x7D8] =	sst s28  }
0x32: {  	s25 =	sadd.s32 $0x1F8, s7;
	[smem:$0x7E1] =	sst s11;
	s21 =	sadd.s32 s0, s18  }
0x33: {  	s10 =	sshrl.u32 s25, $0x3;
	s11 =	sadd.s32 s3, s18;
	[smem:$0x7E3] =	sst s21  }
0x34: {  	s19 =	sadd.s32 $0x3A8, s7;
	s29 =	sadd.s32 s0, s10;
	[smem:$0x7E4] =	sst s11  }
0x35: {  	s20 =	sshrl.u32 s19, $0x3;
	s10 =	sadd.s32 s3, s10;
	[smem:$0x7D9] =	sst s29  }
0x36: {  	s28 =	sadd.s32 $0x7E, s8;
	s22 =	sadd.s32 s0, s20;
	[smem:$0x7DA] =	sst s10  }
0x37: {  	s11 =	sadd.s32 s3, s28;
	[smem:$0x7E5] =	sst s22  }
0x38: {  	s18 =	sshrl.u32 s15, $0x2;
	s21 =	smax.u32 s6, $0x1;
	[smem:$0x7E8] =	sst s11  }
0x39: {  	s19 =	sadd.s32 s18, s2;
	[smem:$0x7F4] =	sst s21  }
0x3a: {  	s25 =	sadd.s32 $0x438, s7;
	s10 =	sadd.s32 s3, s31;
	[smem:$0x7FC] =	sst s19  }
0x3b: {  	s26 =	sshrl.u32 s25, $0x3;
	s29 =	sadd.s32 s0, s28;
	[smem:$0x7DE] =	sst s10  }
0x3c: {  	s30 =	sadd.s32 s0, s26;
	[smem:$0x7E7] =	sst s29  }
0x3d: {  	s22 =	sadd.s32 $0x2400, s19;
	[smem:$0x7E9] =	sst s30  }
0x3e: {  	s25 =	sadd.s32 $0x4800, s19;
	[smem:$0x7F5] =	sst s22  }
0x3f: {  	s28 =	sadd.s32 $0x9000, s19;
	[smem:$0x7F6] =	sst s25  }
0x40: {  	s31 =	sadd.s32 $0x90, s8;
	s10 =	sadd.s32 s3, s13;
	[smem:$0x7F8] =	sst s28  }
0x41: {  	s8 =	sadd.s32 $0xA2, s8;
	s4 =	sadd.s32 s0, s31;
	[smem:$0x7E0] =	sst s10  }
0x42: {  	s16 =	sadd.s32 s0, s8;
	[smem:$0x7EB] =	sst s4  }
0x43: {  	s8 =	sadd.s32 s3, s8;
	[smem:$0x7EF] =	sst s16  }
0x44: {  	s1 =	sadd.s32 $0x4C8, s7;
	s29 =	sadd.s32 $0xB400, s19;
	[smem:$0x7F0] =	sst s8  }
0x45: {  	s7 =	sadd.s32 $0x2718, s7;
	s30 =	sadd.s32 $0xD800, s19;
	[smem:$0x7F9] =	sst s29  }
0x46: {  	s13 =	sshrl.u32 s1, $0x3;
	s10 =	sadd.s32 s3, s17;
	[smem:$0x7FA] =	sst s30  }
0x47: {  	s7 =	sshrl.u32 s7, $0x3;
	s11 =	sadd.s32 s0, s13;
	[smem:$0x7E2] =	sst s10  }
0x48: {  	s17 =	sadd.s32 s0, s7;
	[smem:$0x7ED] =	sst s11  }
0x49: {  	s0 =	sadd.s32 s9, s0;
	[smem:$0x7F2] =	sst s17  }
0x4a: {  	s10 =	sadd.s32 s3, s20;
	[dreg:$0x17] =	wrdreg s0  }
0x4b: {  	s20 =	sadd.s32 $0x15600, s5;
	[smem:$0x7E6] =	sst s10  }
0x4c: {  	s0 =	sadd.s32 $0x12000, s19;
	[smem:$0x7F3] =	sst s20  }
0x4d: {  	s15 =	simm.s32 $0x0;
	s10 =	sadd.s32 s3, s26;
	[smem:$0x7FD] =	sst s0  }
0x4e: {  	s6 =	simm.s32 $0x1;
	s26 =	sadd.s32 $0x6C00, s19;
	[smem:$0x7EA] =	sst s10  }
0x4f: {  	s21 =	simm.s32 $0x48;
	s10 =	sadd.s32 s3, s31;
	[smem:$0x7F7] =	sst s26  }
0x50: {  	s9 =	simm.s32 $0x5200;
	s31 =	sadd.s32 $0xFC00, s19;
	[smem:$0x7EC] =	sst s10  }
0x51: {  	s8 =	simm.s32 $0x2;
	s10 =	sadd.s32 s3, s13;
	[smem:$0x7FB] =	sst s31  }
0x52: {  	s5 =	simm.s32 $0x9A00;
	s3 =	sadd.s32 s3, s7;
	[smem:$0x7EE] =	sst s10  }
0x53: {  	v0 =	vimm.f32 $0.0e+00;
	s7 =	simm.s32 $0x2E00;
	[smem:$0x7F1] =	sst s3;
	s3 =	simm.s32 $0xA00  }
.LBB2_1:
0x54: {  	s11 =	sand.u32 $0xFE00, s23  }
0x55: {  	[smem:$0x7D2] =	sst s15;
	s13 =	sand.u32 $0x70, s23;
	s31 =	sshrl.u32 s11, $0x2  }
0x56: {  	s11 =	simm.s32 $0x40;
	s15 =	sor.u32 s13, s31;
	s13 =	simm.s32 $0x0  }
.LBB2_2:
0x57: {  	p0 =	sne.s32 s11, $0x8FC0  }
0x58: {  	[tilespmem:s15+$0xA00] =	vst v0;
	s13 =	sadd.s32 $0x10, s13;
	s15 =	smov.u32 s11;
	s11 =	sadd.s32 $0x40, s11  }
.Ltmp0:
0x59: {  	(pc) =	sbr.rel @p0 .LBB2_2-.Ltmp0, $4  }
0x5a: {  	_ = 	snop  }
0x5b: {  	s15 =	sand.u32 $0xFE00, s15  }
0x5c: {  	s18 =	sand.u32 $0x70, s13;
	s15 =	sshrl.u32 s15, $0x2  }
0x5d: {  	s15 =	sor.u32 s18, s15  }
0x5e: {  	s11 =	sld [smem:$0x7FC];
	_ =	sdelay $0x1  }
0x5f: {  	[tilespmem:s15+$0xA00] =	vst v0;
	s13 =	simm.s32 $0x1F  }
0x60: {  	[spmem:s11] =	stream.linear.scatter [tilespmem:s3], [sflag:$0x1F], $0x2400, $0x38;
	[tilespmem:$0x1FA00] =	vst v63  }
0x61: {  	_ =	swait.ge [sflag:s13], $0x2400  }
0x62: {  	s15 =	sld [smem:$0x7F5]  }
0x63: {  	[sflag:s13] =	ssyncset.done $0x0  }
0x64: {  	[sflag:s13] =	ssyncadd.s32 $0xFFFFDC00  }
0x65: {  	[spmem:s15] =	stream.linear.scatter [tilespmem:s3], [sflag:$0x1F], $0x2400, $0x38;
	[tilespmem:$0x1FA00] =	vst v63  }
0x66: {  	_ =	swait.ge [sflag:s13], $0x2400  }
0x67: {  	s16 =	sld [smem:$0x7F6]  }
0x68: {  	[sflag:s13] =	ssyncset.done $0x0  }
0x69: {  	[sflag:s13] =	ssyncadd.s32 $0xFFFFDC00  }
0x6a: {  	[spmem:s16] =	stream.linear.scatter [tilespmem:s3], [sflag:$0x1F], $0x2400, $0x38;
	[tilespmem:$0x1FA00] =	vst v63  }
0x6b: {  	_ =	swait.ge [sflag:s13], $0x2400  }
0x6c: {  	s17 =	sld [smem:$0x7F7]  }
0x6d: {  	[sflag:s13] =	ssyncset.done $0x0  }
0x6e: {  	[sflag:s13] =	ssyncadd.s32 $0xFFFFDC00  }
0x6f: {  	[spmem:s17] =	stream.linear.scatter [tilespmem:s3], [sflag:$0x1F], $0x2400, $0x38;
	[tilespmem:$0x1FA00] =	vst v63  }
0x70: {  	_ =	swait.ge [sflag:s13], $0x2400  }
0x71: {  	s18 =	sld [smem:$0x7F8]  }
0x72: {  	[sflag:s13] =	ssyncset.done $0x0  }
0x73: {  	[sflag:s13] =	ssyncadd.s32 $0xFFFFDC00  }
0x74: {  	[spmem:s18] =	stream.linear.scatter [tilespmem:s3], [sflag:$0x1F], $0x2400, $0x38;
	[tilespmem:$0x1FA00] =	vst v63  }
0x75: {  	_ =	swait.ge [sflag:s13], $0x2400  }
0x76: {  	s19 =	sld [smem:$0x7F9]  }
0x77: {  	[sflag:s13] =	ssyncset.done $0x0  }
0x78: {  	[sflag:s13] =	ssyncadd.s32 $0xFFFFDC00  }
0x79: {  	[spmem:s19] =	stream.linear.scatter [tilespmem:s3], [sflag:$0x1F], $0x2400, $0x38;
	[tilespmem:$0x1FA00] =	vst v63  }
0x7a: {  	_ =	swait.ge [sflag:s13], $0x2400  }
0x7b: {  	s20 =	sld [smem:$0x7FA]  }
0x7c: {  	[sflag:s13] =	ssyncset.done $0x0  }
0x7d: {  	[sflag:s13] =	ssyncadd.s32 $0xFFFFDC00  }
0x7e: {  	[spmem:s20] =	stream.linear.scatter [tilespmem:s3], [sflag:$0x1F], $0x2400, $0x38;
	[tilespmem:$0x1FA00] =	vst v63  }
0x7f: {  	_ =	swait.ge [sflag:s13], $0x2400  }
0x80: {  	s22 =	sld [smem:$0x7FB]  }
0x81: {  	[sflag:s13] =	ssyncset.done $0x0  }
0x82: {  	[sflag:s13] =	ssyncadd.s32 $0xFFFFDC00  }
0x83: {  	[spmem:s22] =	stream.linear.scatter [tilespmem:s3], [sflag:$0x1F], $0x2400, $0x38;
	[tilespmem:$0x1FA00] =	vst v63  }
0x84: {  	_ =	swait.ge [sflag:s13], $0x2400  }
0x85: {  	s25 =	sld [smem:$0x7FD]  }
0x86: {  	[sflag:s13] =	ssyncset.done $0x0  }
0x87: {  	[sflag:s13] =	ssyncadd.s32 $0xFFFFDC00  }
0x88: {  	[spmem:s25] =	stream.linear.scatter [tilespmem:s3], [sflag:$0x1F], $0x1C00, $0x38;
	[tilespmem:$0x1FA00] =	vst v63  }
0x89: {  	_ =	swait.ge [sflag:s13], $0x1C00  }
0x8a: {  	[sflag:s13] =	ssyncset.done $0x0  }
0x8b: {  	[sflag:s13] =	ssyncadd.s32 $0xFFFFE400  }
0x8c: {  	[bflag:$0x0] =	sbarrier.arrive $0xFFFF  }
0x8d: {  	s26 =	rddreg [dreg:$0x18]  }
0x8e: {  	s11 =	simm.s32 $0x0;
	s28 =	rddreg [dreg:$0x19]  }
0x8f: {  	[tilespmem:s11], [sflag:$0xB] =	stream.linear.gather [hbm4b:s26+s11], $0x48, $0x38;
	[tilespmem:$0x1FA00] =	vst v63  }
0x90: {  	s15 =	simm.s32 $0x500;
	s29 =	rddreg [dreg:$0x1a]  }
0x91: {  	[tilespmem:s15], [sflag:$0x15] =	stream.linear.gather [hbm4b:s28+s11], $0x48, $0x38;
	[tilespmem:$0x1FA00] =	vst v63  }
0x92: {  	s0 =	simm.s32 $0x80;
	s30 =	rddreg [dreg:$0x1b]  }
0x93: {  	[tilespmem:s0], [sflag:$0xC] =	stream.linear.gather [hbm4b:s29+s11], $0x48, $0x38;
	[tilespmem:$0x1FA00] =	vst v63  }
0x94: {  	s31 =	simm.s32 $0x580;
	s1 =	rddreg [dreg:$0x1c]  }
0x95: {  	[tilespmem:s31], [sflag:$0x16] =	stream.linear.gather [hbm4b:s30+s11], $0x48, $0x38;
	[tilespmem:$0x1FA00] =	vst v63  }
0x96: {  	s4 =	simm.s32 $0x100;
	s10 =	rddreg [dreg:$0x1d]  }
0x97: {  	[tilespmem:s4], [sflag:$0xD] =	stream.linear.gather [hbm4b:s1+s11], $0x48, $0x38;
	[tilespmem:$0x1FA00] =	vst v63  }
0x98: {  	s14 =	simm.s32 $0x600;
	s16 =	rddreg [dreg:$0x1e]  }
0x99: {  	[tilespmem:s14], [sflag:$0x17] =	stream.linear.gather [hbm4b:s10+s11], $0x48, $0x38;
	[tilespmem:$0x1FA00] =	vst v63  }
0x9a: {  	s18 =	simm.s32 $0x180;
	s17 =	rddreg [dreg:$0x1f]  }
0x9b: {  	[tilespmem:s18], [sflag:$0xE] =	stream.linear.gather [hbm4b:s16+s11], $0x48, $0x38;
	[tilespmem:$0x1FA00] =	vst v63  }
0x9c: {  	s19 =	simm.s32 $0x680;
	s20 =	sld [smem:$0x7D3]  }
0x9d: {  	[tilespmem:s19], [sflag:$0x18] =	stream.linear.gather [hbm4b:s17+s11], $0x48, $0x38;
	[tilespmem:$0x1FA00] =	vst v63  }
0x9e: {  	s22 =	simm.s32 $0x200;
	s25 =	sld [smem:$0x7D4]  }
0x9f: {  	[tilespmem:s22], [sflag:$0xF] =	stream.linear.gather [hbm4b:s20+s11], $0x48, $0x38;
	[tilespmem:$0x1FA00] =	vst v63  }
0xa0: {  	s26 =	simm.s32 $0x700;
	s28 =	sld [smem:$0x7D5]  }
0xa1: {  	[tilespmem:s26], [sflag:$0x19] =	stream.linear.gather [hbm4b:s25+s11], $0x48, $0x38;
	[tilespmem:$0x1FA00] =	vst v63  }
0xa2: {  	s29 =	simm.s32 $0x280;
	s30 =	sld [smem:$0x7D6]  }
0xa3: {  	[tilespmem:s29], [sflag:$0x10] =	stream.linear.gather [hbm4b:s28+s11], $0x48, $0x38;
	[tilespmem:$0x1FA00] =	vst v63  }
0xa4: {  	s31 =	simm.s32 $0x780;
	s1 =	sld [smem:$0x7D7]  }
0xa5: {  	[tilespmem:s31], [sflag:$0x1A] =	stream.linear.gather [hbm4b:s30+s11], $0x48, $0x38;
	[tilespmem:$0x1FA00] =	vst v63  }
0xa6: {  	s10 =	simm.s32 $0x300;
	s16 =	sld [smem:$0x7D8]  }
0xa7: {  	[tilespmem:s10], [sflag:$0x11] =	stream.linear.gather [hbm4b:s1+s11], $0x48, $0x38;
	[tilespmem:$0x1FA00] =	vst v63  }
0xa8: {  	s20 =	simm.s32 $0x800;
	s22 =	sld [smem:$0x7D9]  }
0xa9: {  	[tilespmem:s20], [sflag:$0x1B] =	stream.linear.gather [hbm4b:s16+s11], $0x48, $0x38;
	[tilespmem:$0x1FA00] =	vst v63  }
0xaa: {  	s25 =	simm.s32 $0x380;
	s26 =	sld [smem:$0x7DA]  }
0xab: {  	[tilespmem:s25], [sflag:$0x12] =	stream.linear.gather [hbm4b:s22+s11], $0x48, $0x38;
	[tilespmem:$0x1FA00] =	vst v63  }
0xac: {  	s28 =	simm.s32 $0x880;
	s30 =	sld [smem:$0x7DB]  }
0xad: {  	[tilespmem:s28], [sflag:$0x1C] =	stream.linear.gather [hbm4b:s26+s11], $0x48, $0x38;
	[tilespmem:$0x1FA00] =	vst v63  }
0xae: {  	s31 =	simm.s32 $0x400;
	s1 =	sld [smem:$0x7DC]  }
0xaf: {  	[tilespmem:s31], [sflag:$0x13] =	stream.linear.gather [hbm4b:s30+s11], $0x48, $0x38;
	[tilespmem:$0x1FA00] =	vst v63  }
0xb0: {  	s10 =	simm.s32 $0x900;
	s16 =	simm.s32 $0xB  }
0xb1: {  	[tilespmem:s10], [sflag:$0x1D] =	stream.linear.gather [hbm4b:s1+s11], $0x48, $0x38;
	[tilespmem:$0x1FA00] =	vst v63  }
0xb2: {  	_ =	swait.ge [sflag:s16], $0x48  }
0xb3: {  	[sflag:s16] =	ssyncset.done $0x0  }
0xb4: {  	s20 =	simm.s32 $0xC;
	[sflag:s16] =	ssyncadd.s32 $0xFFFFFFB8  }
0xb5: {  	[tilespmem:s3], [sflag:$0x1] =	stream.indirect.gather [hbm4b:s24+s21], $0x80, s11, s21, $0xb8;
	[tilespmem:$0x1FA00] =	vst v63  }
0xb6: {  	_ =	swait.ge [sflag:s20], $0x48  }
0xb7: {  	[sflag:s20] =	ssyncset.done $0x0  }
0xb8: {  	s12 =	simm.s32 $0x80;
	s22 =	simm.s32 $0xD;
	[sflag:s20] =	ssyncadd.s32 $0xFFFFFFB8  }
0xb9: {  	[tilespmem:s7], [sflag:$0x2] =	stream.indirect.gather [hbm4b:s24+s21], $0x80, s12, s21, $0xb8;
	[tilespmem:$0x1FA00] =	vst v63  }
0xba: {  	_ =	swait.ge [sflag:s22], $0x48  }
0xbb: {  	[sflag:s22] =	ssyncset.done $0x0  }
0xbc: {  	s4 =	simm.s32 $0x100;
	s28 =	simm.s32 $0xE;
	[sflag:s22] =	ssyncadd.s32 $0xFFFFFFB8  }
0xbd: {  	[tilespmem:s9], [sflag:$0x3] =	stream.indirect.gather [hbm4b:s24+s21], $0x80, s4, s21, $0xb8;
	[tilespmem:$0x1FA00] =	vst v63  }
0xbe: {  	_ =	swait.ge [sflag:s28], $0x48  }
0xbf: {  	[sflag:s28] =	ssyncset.done $0x0  }
0xc0: {  	s30 =	simm.s32 $0x7600;
	[sflag:s28] =	ssyncadd.s32 $0xFFFFFFB8  }
0xc1: {  	[tilespmem:s30], [sflag:$0x4] =	stream.indirect.gather [hbm4b:s24+s21], $0x80, s18, s21, $0xb8;
	[tilespmem:$0x1FA00] =	vst v63  }
0xc2: {  	_ =	swait.ge [sflag:s6], $0x2400  }
0xc3: {  	[sflag:s6] =	ssyncset.done $0x0  }
0xc4: {  	[sflag:s6] =	ssyncadd.s32 $0xFFFFDC00;
	s6 =	simm.s32 $0x15  }
0xc5: {  	_ =	swait.ge [sflag:s6], $0x48  }
0xc6: {  	[sflag:s6] =	ssyncset.done $0x0  }
0xc7: {  	s26 =	simm.s32 $0xA00;
	s20 =	sld [smem:$0x7DD];
	[sflag:s6] =	ssyncadd.s32 $0xFFFFFFB8  }
0xc8: {  	[spmem:s2] =	stream.indirect.scatter.add.f32 [tilespmem:s26], [sflag:$0x6], $0x80, s15, s21, $0xb8;
	[tilespmem:$0x1FA00] =	vst v63  }
0xc9: {  	s22 =	simm.s32 $0x480;
	s26 =	sld [smem:$0x7DE]  }
0xca: {  	[tilespmem:s22], [sflag:$0x14] =	stream.linear.gather [hbm4b:s20+s11], $0x48, $0x38;
	[tilespmem:$0x1FA00] =	vst v63  }
0xcb: {  	s16 =	simm.s32 $0xF;
	s28 =	simm.s32 $0x980  }
0xcc: {  	[tilespmem:s28], [sflag:$0x1E] =	stream.linear.gather [hbm4b:s26+s11], $0x48, $0x38;
	[tilespmem:$0x1FA00] =	vst v63  }
0xcd: {  	_ =	swait.ge [sflag:s16], $0x48  }
0xce: {  	[sflag:s16] =	ssyncset.done $0x0  }
0xcf: {  	s19 =	simm.s32 $0x200;
	[sflag:s16] =	ssyncadd.s32 $0xFFFFFFB8  }
0xd0: {  	[tilespmem:s5], [sflag:$0x5] =	stream.indirect.gather [hbm4b:s24+s21], $0x80, s19, s21, $0xb8;
	[tilespmem:$0x1FA00] =	vst v63  }
0xd1: {  	_ =	swait.ge [sflag:s8], $0x2400  }
0xd2: {  	[sflag:s8] =	ssyncset.done $0x0  }
0xd3: {  	s9 =	simm.s32 $0x16;
	[sflag:s8] =	ssyncadd.s32 $0xFFFFDC00  }
0xd4: {  	_ =	swait.ge [sflag:s9], $0x48  }
0xd5: {  	s31 =	simm.s32 $0x2E00;
	[sflag:s9] =	ssyncset.done $0x0  }
0xd6: {  	s20 =	simm.s32 $0x6;
	s26 =	simm.s32 $0x580;
	[sflag:s9] =	ssyncadd.s32 $0xFFFFFFB8  }
0xd7: {  	[spmem:s2] =	stream.indirect.scatter.add.f32 [tilespmem:s31], [sflag:$0x7], $0x80, s26, s21, $0xb8;
	[tilespmem:$0x1FA00] =	vst v63  }
0xd8: {  	_ =	swait.ge [sflag:s20], $0x2400  }
0xd9: {  	s5 =	sld [smem:$0x7DF]  }
0xda: {  	[sflag:s20] =	ssyncset.done $0x0  }
0xdb: {  	s7 =	sld [smem:$0x7E0];
	[sflag:s20] =	ssyncadd.s32 $0xFFFFDC00  }
0xdc: {  	[tilespmem:s11], [sflag:$0xB] =	stream.linear.gather [hbm4b:s5+s11], $0x48, $0x38;
	[tilespmem:$0x1FA00] =	vst v63  }
0xdd: {  	s22 =	simm.s32 $0x10  }
0xde: {  	[tilespmem:s15], [sflag:$0x15] =	stream.linear.gather [hbm4b:s7+s11], $0x48, $0x38;
	[tilespmem:$0x1FA00] =	vst v63  }
0xdf: {  	_ =	swait.ge [sflag:s22], $0x48  }
0xe0: {  	s14 =	simm.s32 $0x280;
	[sflag:s22] =	ssyncset.done $0x0  }
0xe1: {  	s10 =	simm.s32 $0xA00;
	s12 =	simm.s32 $0x3;
	[sflag:s22] =	ssyncadd.s32 $0xFFFFFFB8  }
0xe2: {  	[tilespmem:s10], [sflag:$0x1] =	stream.indirect.gather [hbm4b:s24+s21], $0x80, s14, s21, $0xb8;
	[tilespmem:$0x1FA00] =	vst v63  }
0xe3: {  	_ =	swait.ge [sflag:s12], $0x2400  }
0xe4: {  	[sflag:s12] =	ssyncset.done $0x0  }
0xe5: {  	s19 =	simm.s32 $0x17;
	[sflag:s12] =	ssyncadd.s32 $0xFFFFDC00  }
0xe6: {  	_ =	swait.ge [sflag:s19], $0x48  }
0xe7: {  	s30 =	simm.s32 $0x5200;
	[sflag:s19] =	ssyncset.done $0x0  }
0xe8: {  	s28 =	simm.s32 $0x600;
	s14 =	simm.s32 $0x7;
	[sflag:s19] =	ssyncadd.s32 $0xFFFFFFB8  }
0xe9: {  	[spmem:s2] =	stream.indirect.scatter.add.f32 [tilespmem:s30], [sflag:$0x8], $0x80, s28, s21, $0xb8;
	[tilespmem:$0x1FA00] =	vst v63  }
0xea: {  	_ =	swait.ge [sflag:s14], $0x2400  }
0xeb: {  	s10 =	sld [smem:$0x7E1]  }
0xec: {  	[sflag:s14] =	ssyncset.done $0x0  }
0xed: {  	s25 =	simm.s32 $0x80;
	s30 =	sld [smem:$0x7E2];
	[sflag:s14] =	ssyncadd.s32 $0xFFFFDC00  }
0xee: {  	[tilespmem:s25], [sflag:$0xC] =	stream.linear.gather [hbm4b:s10+s11], $0x48, $0x38;
	[tilespmem:$0x1FA00] =	vst v63  }
0xef: {  	s25 =	simm.s32 $0x11  }
0xf0: {  	[tilespmem:s26], [sflag:$0x16] =	stream.linear.gather [hbm4b:s30+s11], $0x48, $0x38;
	[tilespmem:$0x1FA00] =	vst v63  }
0xf1: {  	_ =	swait.ge [sflag:s25], $0x48  }
0xf2: {  	s17 =	simm.s32 $0x300;
	[sflag:s25] =	ssyncset.done $0x0  }
0xf3: {  	s31 =	simm.s32 $0x2E00;
	s10 =	simm.s32 $0x4;
	[sflag:s25] =	ssyncadd.s32 $0xFFFFFFB8  }
0xf4: {  	[tilespmem:s31], [sflag:$0x2] =	stream.indirect.gather [hbm4b:s24+s21], $0x80, s17, s21, $0xb8;
	[tilespmem:$0x1FA00] =	vst v63  }
0xf5: {  	_ =	swait.ge [sflag:s10], $0x2400  }
0xf6: {  	[sflag:s10] =	ssyncset.done $0x0  }
0xf7: {  	s31 =	simm.s32 $0x18;
	[sflag:s10] =	ssyncadd.s32 $0xFFFFDC00  }
0xf8: {  	_ =	swait.ge [sflag:s31], $0x48  }
0xf9: {  	s30 =	simm.s32 $0x7600;
	[sflag:s31] =	ssyncset.done $0x0  }
0xfa: {  	s17 =	simm.s32 $0x8;
	[sflag:s31] =	ssyncadd.s32 $0xFFFFFFB8;
	s31 =	simm.s32 $0x680  }
0xfb: {  	[spmem:s2] =	stream.indirect.scatter.add.f32 [tilespmem:s30], [sflag:$0x9], $0x80, s31, s21, $0xb8;
	[tilespmem:$0x1FA00] =	vst v63  }
0xfc: {  	_ =	swait.ge [sflag:s17], $0x2400  }
0xfd: {  	s5 =	sld [smem:$0x7E3]  }
0xfe: {  	[sflag:s17] =	ssyncset.done $0x0  }
0xff: {  	s3 =	simm.s32 $0x100;
	s7 =	sld [smem:$0x7E4];
	[sflag:s17] =	ssyncadd.s32 $0xFFFFDC00  }
0x100: {  	[tilespmem:s3], [sflag:$0xD] =	stream.linear.gather [hbm4b:s5+s11], $0x48, $0x38;
	[tilespmem:$0x1FA00] =	vst v63  }
0x101: {  	_ = 	snop  }
0x102: {  	[tilespmem:s28], [sflag:$0x17] =	stream.linear.gather [hbm4b:s7+s11], $0x48, $0x38;
	[tilespmem:$0x1FA00] =	vst v63  }
0x103: {  	s28 =	simm.s32 $0x12  }
0x104: {  	_ =	swait.ge [sflag:s28], $0x48  }
0x105: {  	s0 =	simm.s32 $0x5200;
	[sflag:s28] =	ssyncset.done $0x0  }
0x106: {  	s29 =	simm.s32 $0x380;
	s26 =	simm.s32 $0x5;
	[sflag:s28] =	ssyncadd.s32 $0xFFFFFFB8  }
0x107: {  	[tilespmem:s0], [sflag:$0x3] =	stream.indirect.gather [hbm4b:s24+s21], $0x80, s29, s21, $0xb8;
	[tilespmem:$0x1FA00] =	vst v63  }
0x108: {  	_ =	swait.ge [sflag:s26], $0x2400  }
0x109: {  	[sflag:s26] =	ssyncset.done $0x0  }
0x10a: {  	s4 =	simm.s32 $0x19;
	[sflag:s26] =	ssyncadd.s32 $0xFFFFDC00  }
0x10b: {  	_ =	swait.ge [sflag:s4], $0x48  }
0x10c: {  	s13 =	simm.s32 $0x9A00;
	[sflag:s4] =	ssyncset.done $0x0  }
0x10d: {  	s0 =	simm.s32 $0x700;
	s29 =	simm.s32 $0x9;
	[sflag:s4] =	ssyncadd.s32 $0xFFFFFFB8  }
0x10e: {  	[spmem:s2] =	stream.indirect.scatter.add.f32 [tilespmem:s13], [sflag:$0xA], $0x80, s0, s21, $0xb8;
	[tilespmem:$0x1FA00] =	vst v63  }
0x10f: {  	_ =	swait.ge [sflag:s29], $0x2400  }
0x110: {  	s5 =	sld [smem:$0x7E5]  }
0x111: {  	[sflag:s29] =	ssyncset.done $0x0  }
0x112: {  	s3 =	sld [smem:$0x7E6];
	[sflag:s29] =	ssyncadd.s32 $0xFFFFDC00  }
0x113: {  	[tilespmem:s18], [sflag:$0xE] =	stream.linear.gather [hbm4b:s5+s11], $0x48, $0x38;
	[tilespmem:$0x1FA00] =	vst v63  }
0x114: {  	_ = 	snop  }
0x115: {  	[tilespmem:s31], [sflag:$0x18] =	stream.linear.gather [hbm4b:s3+s11], $0x48, $0x38;
	[tilespmem:$0x1FA00] =	vst v63  }
0x116: {  	s31 =	simm.s32 $0x13  }
0x117: {  	_ =	swait.ge [sflag:s31], $0x48  }
0x118: {  	[sflag:s31] =	ssyncset.done $0x0  }
0x119: {  	s1 =	simm.s32 $0x1;
	s5 =	simm.s32 $0x400;
	[sflag:s31] =	ssyncadd.s32 $0xFFFFFFB8  }
0x11a: {  	[tilespmem:s30], [sflag:$0x4] =	stream.indirect.gather [hbm4b:s24+s21], $0x80, s5, s21, $0xb8;
	[tilespmem:$0x1FA00] =	vst v63  }
0x11b: {  	_ =	swait.ge [sflag:s1], $0x2400  }
0x11c: {  	[sflag:s1] =	ssyncset.done $0x0  }
0x11d: {  	s13 =	simm.s32 $0x1A;
	[sflag:s1] =	ssyncadd.s32 $0xFFFFDC00  }
0x11e: {  	_ =	swait.ge [sflag:s13], $0x48  }
0x11f: {  	s3 =	simm.s32 $0xA00;
	[sflag:s13] =	ssyncset.done $0x0  }
0x120: {  	s5 =	simm.s32 $0xA;
	s1 =	simm.s32 $0x780;
	[sflag:s13] =	ssyncadd.s32 $0xFFFFFFB8  }
0x121: {  	[spmem:s2] =	stream.indirect.scatter.add.f32 [tilespmem:s3], [sflag:$0x6], $0x80, s1, s21, $0xb8;
	[tilespmem:$0x1FA00] =	vst v63  }
0x122: {  	_ =	swait.ge [sflag:s5], $0x2400  }
0x123: {  	s13 =	sld [smem:$0x7E7]  }
0x124: {  	[sflag:s5] =	ssyncset.done $0x0  }
0x125: {  	s30 =	simm.s32 $0x200;
	[sflag:s5] =	ssyncadd.s32 $0xFFFFDC00  }
0x126: {  	[tilespmem:s30], [sflag:$0xF] =	stream.linear.gather [hbm4b:s13+s11], $0x48, $0x38;
	[tilespmem:$0x1FA00] =	vst v63  }
0x127: {  	s30 =	sld [smem:$0x7E8];
	_ =	sdelay $0x1  }
0x128: {  	s13 =	simm.s32 $0x14  }
0x129: {  	[tilespmem:s0], [sflag:$0x19] =	stream.linear.gather [hbm4b:s30+s11], $0x48, $0x38;
	[tilespmem:$0x1FA00] =	vst v63  }
0x12a: {  	_ =	swait.ge [sflag:s13], $0x48  }
0x12b: {  	[sflag:s13] =	ssyncset.done $0x0  }
0x12c: {  	s4 =	simm.s32 $0x9A00;
	s30 =	simm.s32 $0x480;
	[sflag:s13] =	ssyncadd.s32 $0xFFFFFFB8  }
0x12d: {  	[tilespmem:s4], [sflag:$0x5] =	stream.indirect.gather [hbm4b:s24+s21], $0x80, s30, s21, $0xb8;
	[tilespmem:$0x1FA00] =	vst v63  }
0x12e: {  	_ =	swait.ge [sflag:s8], $0x2400  }
0x12f: {  	[sflag:s8] =	ssyncset.done $0x0  }
0x130: {  	s13 =	simm.s32 $0x1B;
	[sflag:s8] =	ssyncadd.s32 $0xFFFFDC00  }
0x131: {  	_ =	swait.ge [sflag:s13], $0x48  }
0x132: {  	[sflag:s13] =	ssyncset.done $0x0  }
0x133: {  	s0 =	simm.s32 $0x800;
	s4 =	simm.s32 $0x2E00;
	[sflag:s13] =	ssyncadd.s32 $0xFFFFFFB8  }
0x134: {  	[spmem:s2] =	stream.indirect.scatter.add.f32 [tilespmem:s4], [sflag:$0x7], $0x80, s0, s21, $0xb8;
	[tilespmem:$0x1FA00] =	vst v63  }
0x135: {  	_ =	swait.ge [sflag:s20], $0x2400  }
0x136: {  	s13 =	sld [smem:$0x7E9]  }
0x137: {  	[sflag:s20] =	ssyncset.done $0x0  }
0x138: {  	s30 =	simm.s32 $0x280;
	[sflag:s20] =	ssyncadd.s32 $0xFFFFDC00  }
0x139: {  	[tilespmem:s30], [sflag:$0x10] =	stream.linear.gather [hbm4b:s13+s11], $0x48, $0x38;
	[tilespmem:$0x1FA00] =	vst v63  }
0x13a: {  	s30 =	sld [smem:$0x7EA];
	_ =	sdelay $0x1  }
0x13b: {  	s13 =	simm.s32 $0xB  }
0x13c: {  	[tilespmem:s1], [sflag:$0x1A] =	stream.linear.gather [hbm4b:s30+s11], $0x48, $0x38;
	[tilespmem:$0x1FA00] =	vst v63  }
0x13d: {  	_ =	swait.ge [sflag:s13], $0x48  }
0x13e: {  	[sflag:s13] =	ssyncset.done $0x0  }
0x13f: {  	[sflag:s13] =	ssyncadd.s32 $0xFFFFFFB8  }
0x140: {  	[tilespmem:s3], [sflag:$0x1] =	stream.indirect.gather [hbm4b:s24+s21], $0x80, s11, s21, $0xb8;
	[tilespmem:$0x1FA00] =	vst v63  }
0x141: {  	_ =	swait.ge [sflag:s12], $0x2400  }
0x142: {  	[sflag:s12] =	ssyncset.done $0x0  }
0x143: {  	s30 =	simm.s32 $0x1C;
	[sflag:s12] =	ssyncadd.s32 $0xFFFFDC00  }
0x144: {  	_ =	swait.ge [sflag:s30], $0x48  }
0x145: {  	[sflag:s30] =	ssyncset.done $0x0  }
0x146: {  	s7 =	simm.s32 $0x5200;
	s1 =	simm.s32 $0x880;
	[sflag:s30] =	ssyncadd.s32 $0xFFFFFFB8  }
0x147: {  	[spmem:s2] =	stream.indirect.scatter.add.f32 [tilespmem:s7], [sflag:$0x8], $0x80, s1, s21, $0xb8;
	[tilespmem:$0x1FA00] =	vst v63  }
0x148: {  	_ =	swait.ge [sflag:s14], $0x2400  }
0x149: {  	s3 =	sld [smem:$0x7EB]  }
0x14a: {  	[sflag:s14] =	ssyncset.done $0x0  }
0x14b: {  	s30 =	simm.s32 $0x300;
	[sflag:s14] =	ssyncadd.s32 $0xFFFFDC00  }
0x14c: {  	[tilespmem:s30], [sflag:$0x11] =	stream.linear.gather [hbm4b:s3+s11], $0x48, $0x38;
	[tilespmem:$0x1FA00] =	vst v63  }
0x14d: {  	s30 =	sld [smem:$0x7EC];
	_ =	sdelay $0x1  }
0x14e: {  	s3 =	simm.s32 $0xC  }
0x14f: {  	[tilespmem:s0], [sflag:$0x1B] =	stream.linear.gather [hbm4b:s30+s11], $0x48, $0x38;
	[tilespmem:$0x1FA00] =	vst v63  }
0x150: {  	_ =	swait.ge [sflag:s3], $0x48  }
0x151: {  	[sflag:s3] =	ssyncset.done $0x0  }
0x152: {  	s13 =	simm.s32 $0x80;
	[sflag:s3] =	ssyncadd.s32 $0xFFFFFFB8  }
0x153: {  	[tilespmem:s4], [sflag:$0x2] =	stream.indirect.gather [hbm4b:s24+s21], $0x80, s13, s21, $0xb8;
	[tilespmem:$0x1FA00] =	vst v63  }
0x154: {  	_ =	swait.ge [sflag:s10], $0x2400  }
0x155: {  	[sflag:s10] =	ssyncset.done $0x0  }
0x156: {  	s30 =	simm.s32 $0x1D;
	[sflag:s10] =	ssyncadd.s32 $0xFFFFDC00  }
0x157: {  	_ =	swait.ge [sflag:s30], $0x48  }
0x158: {  	[sflag:s30] =	ssyncset.done $0x0  }
0x159: {  	s0 =	simm.s32 $0x900;
	[sflag:s30] =	ssyncadd.s32 $0xFFFFFFB8;
	s30 =	simm.s32 $0x7600  }
0x15a: {  	[spmem:s2] =	stream.indirect.scatter.add.f32 [tilespmem:s30], [sflag:$0x9], $0x80, s0, s21, $0xb8;
	[tilespmem:$0x1FA00] =	vst v63  }
0x15b: {  	_ =	swait.ge [sflag:s17], $0x2400  }
0x15c: {  	s3 =	sld [smem:$0x7ED]  }
0x15d: {  	[sflag:s17] =	ssyncset.done $0x0  }
0x15e: {  	s4 =	simm.s32 $0x380;
	[sflag:s17] =	ssyncadd.s32 $0xFFFFDC00  }
0x15f: {  	[tilespmem:s4], [sflag:$0x12] =	stream.linear.gather [hbm4b:s3+s11], $0x48, $0x38;
	[tilespmem:$0x1FA00] =	vst v63  }
0x160: {  	s4 =	sld [smem:$0x7EE];
	_ =	sdelay $0x1  }
0x161: {  	s3 =	simm.s32 $0xD  }
0x162: {  	[tilespmem:s1], [sflag:$0x1C] =	stream.linear.gather [hbm4b:s4+s11], $0x48, $0x38;
	[tilespmem:$0x1FA00] =	vst v63  }
0x163: {  	_ =	swait.ge [sflag:s3], $0x48  }
0x164: {  	[sflag:s3] =	ssyncset.done $0x0  }
0x165: {  	s4 =	simm.s32 $0x100;
	[sflag:s3] =	ssyncadd.s32 $0xFFFFFFB8  }
0x166: {  	[tilespmem:s7], [sflag:$0x3] =	stream.indirect.gather [hbm4b:s24+s21], $0x80, s4, s21, $0xb8;
	[tilespmem:$0x1FA00] =	vst v63  }
0x167: {  	_ =	swait.ge [sflag:s26], $0x2400  }
0x168: {  	[sflag:s26] =	ssyncset.done $0x0  }
0x169: {  	s7 =	simm.s32 $0x1E;
	[sflag:s26] =	ssyncadd.s32 $0xFFFFDC00  }
0x16a: {  	_ =	swait.ge [sflag:s7], $0x48  }
0x16b: {  	[sflag:s7] =	ssyncset.done $0x0  }
0x16c: {  	s13 =	simm.s32 $0x9A00;
	s1 =	simm.s32 $0x980;
	[sflag:s7] =	ssyncadd.s32 $0xFFFFFFB8  }
0x16d: {  	[spmem:s2] =	stream.indirect.scatter.add.f32 [tilespmem:s13], [sflag:$0xA], $0x80, s1, s21, $0xb8;
	[tilespmem:$0x1FA00] =	vst v63  }
0x16e: {  	_ =	swait.ge [sflag:s29], $0x2400  }
0x16f: {  	s3 =	sld [smem:$0x7EF]  }
0x170: {  	[sflag:s29] =	ssyncset.done $0x0  }
0x171: {  	s4 =	simm.s32 $0x400;
	[sflag:s29] =	ssyncadd.s32 $0xFFFFDC00  }
0x172: {  	[tilespmem:s4], [sflag:$0x13] =	stream.linear.gather [hbm4b:s3+s11], $0x48, $0x38;
	[tilespmem:$0x1FA00] =	vst v63  }
0x173: {  	s4 =	sld [smem:$0x7F0];
	_ =	sdelay $0x2  }
0x174: {  	[tilespmem:s0], [sflag:$0x1D] =	stream.linear.gather [hbm4b:s4+s11], $0x48, $0x38;
	[tilespmem:$0x1FA00] =	vst v63  }
0x175: {  	s11 =	simm.s32 $0xE  }
0x176: {  	_ =	swait.ge [sflag:s11], $0x48  }
0x177: {  	[sflag:s11] =	ssyncset.done $0x0  }
0x178: {  	s13 =	simm.s32 $0x1;
	[sflag:s11] =	ssyncadd.s32 $0xFFFFFFB8  }
0x179: {  	[tilespmem:s30], [sflag:$0x4] =	stream.indirect.gather [hbm4b:s24+s21], $0x80, s18, s21, $0xb8;
	[tilespmem:$0x1FA00] =	vst v63  }
0x17a: {  	_ =	swait.ge [sflag:s13], $0x2400  }
0x17b: {  	[sflag:s13] =	ssyncset.done $0x0  }
0x17c: {  	[sflag:s13] =	ssyncadd.s32 $0xFFFFDC00  }
0x17d: {  	_ =	swait.ge [sflag:s6], $0x48  }
0x17e: {  	[sflag:s6] =	ssyncset.done $0x0  }
0x17f: {  	s3 =	simm.s32 $0xA00;
	[sflag:s6] =	ssyncadd.s32 $0xFFFFFFB8  }
0x180: {  	[spmem:s2] =	stream.indirect.scatter.add.f32 [tilespmem:s3], [sflag:$0x6], $0x80, s15, s21, $0xb8;
	[tilespmem:$0x1FA00] =	vst v63  }
0x181: {  	_ =	swait.ge [sflag:s5], $0x2400  }
0x182: {  	s30 =	rddreg [dreg:$0x17]  }
0x183: {  	[sflag:s5] =	ssyncset.done $0x0;
	s0 =	rddreg [dreg:$0x16]  }
0x184: {  	[sflag:s5] =	ssyncadd.s32 $0xFFFFDC00;
	s11 =	sadd.s32 $0x0, s30;
	s30 =	simm.s32 $0x480  }
0x185: {  	[tilespmem:s30], [sflag:$0x14] =	stream.linear.gather [hbm4b:s11+s23], $0x48, $0x38;
	[tilespmem:$0x1FA00] =	vst v63  }
0x186: {  	s0 =	sadd.s32 $0x0, s0  }
0x187: {  	[tilespmem:s1], [sflag:$0x1E] =	stream.linear.gather [hbm4b:s0+s23], $0x48, $0x38;
	[tilespmem:$0x1FA00] =	vst v63  }
0x188: {  	_ =	swait.ge [sflag:s16], $0x48  }
0x189: {  	[sflag:s16] =	ssyncset.done $0x0  }
0x18a: {  	s7 =	simm.s32 $0x9A00;
	s30 =	simm.s32 $0x200;
	[sflag:s16] =	ssyncadd.s32 $0xFFFFFFB8  }
0x18b: {  	[tilespmem:s7], [sflag:$0x5] =	stream.indirect.gather [hbm4b:s24+s21], $0x80, s30, s21, $0xb8;
	[tilespmem:$0x1FA00] =	vst v63  }
0x18c: {  	_ =	swait.ge [sflag:s8], $0x2400  }
0x18d: {  	[sflag:s8] =	ssyncset.done $0x0  }
0x18e: {  	[sflag:s8] =	ssyncadd.s32 $0xFFFFDC00  }
0x18f: {  	_ =	swait.ge [sflag:s9], $0x48  }
0x190: {  	[sflag:s9] =	ssyncset.done $0x0  }
0x191: {  	s1 =	simm.s32 $0x2E00;
	s0 =	simm.s32 $0x580;
	[sflag:s9] =	ssyncadd.s32 $0xFFFFFFB8  }
0x192: {  	[spmem:s2] =	stream.indirect.scatter.add.f32 [tilespmem:s1], [sflag:$0x7], $0x80, s0, s21, $0xb8;
	[tilespmem:$0x1FA00] =	vst v63  }
0x193: {  	_ =	swait.ge [sflag:s20], $0x2400  }
0x194: {  	s6 =	rddreg [dreg:$0x15];
	[sflag:s20] =	ssyncset.done $0x0  }
0x195: {  	s7 =	rddreg [dreg:$0x14];
	[sflag:s20] =	ssyncadd.s32 $0xFFFFDC00;
	s11 =	sadd.s32 $0x0, s6  }
0x196: {  	[tilespmem:s23], [sflag:$0xB] =	stream.linear.gather [hbm4b:s11+s23], $0x48, $0x38;
	[tilespmem:$0x1FA00] =	vst v63  }
0x197: {  	s9 =	sadd.s32 $0x0, s7  }
0x198: {  	[tilespmem:s15], [sflag:$0x15] =	stream.linear.gather [hbm4b:s9+s23], $0x48, $0x38;
	[tilespmem:$0x1FA00] =	vst v63  }
0x199: {  	_ =	swait.ge [sflag:s22], $0x48  }
0x19a: {  	[sflag:s22] =	ssyncset.done $0x0  }
0x19b: {  	s11 =	simm.s32 $0x280;
	[sflag:s22] =	ssyncadd.s32 $0xFFFFFFB8  }
0x19c: {  	[tilespmem:s3], [sflag:$0x1] =	stream.indirect.gather [hbm4b:s24+s21], $0x80, s11, s21, $0xb8;
	[tilespmem:$0x1FA00] =	vst v63  }
0x19d: {  	_ =	swait.ge [sflag:s12], $0x2400  }
0x19e: {  	[sflag:s12] =	ssyncset.done $0x0  }
0x19f: {  	[sflag:s12] =	ssyncadd.s32 $0xFFFFDC00  }
0x1a0: {  	_ =	swait.ge [sflag:s19], $0x48  }
0x1a1: {  	[sflag:s19] =	ssyncset.done $0x0  }
0x1a2: {  	s16 =	simm.s32 $0x5200;
	[sflag:s19] =	ssyncadd.s32 $0xFFFFFFB8;
	s19 =	simm.s32 $0x600  }
0x1a3: {  	[spmem:s2] =	stream.indirect.scatter.add.f32 [tilespmem:s16], [sflag:$0x8], $0x80, s19, s21, $0xb8;
	[tilespmem:$0x1FA00] =	vst v63  }
0x1a4: {  	_ =	swait.ge [sflag:s14], $0x2400  }
0x1a5: {  	s3 =	simm.s32 $0x80;
	s13 =	rddreg [dreg:$0x13];
	[sflag:s14] =	ssyncset.done $0x0  }
0x1a6: {  	s22 =	rddreg [dreg:$0x12];
	[sflag:s14] =	ssyncadd.s32 $0xFFFFDC00;
	s11 =	sadd.s32 $0x0, s13  }
0x1a7: {  	[tilespmem:s3], [sflag:$0xC] =	stream.linear.gather [hbm4b:s11+s23], $0x48, $0x38;
	[tilespmem:$0x1FA00] =	vst v63  }
0x1a8: {  	s7 =	sadd.s32 $0x0, s22  }
0x1a9: {  	[tilespmem:s0], [sflag:$0x16] =	stream.linear.gather [hbm4b:s7+s23], $0x48, $0x38;
	[tilespmem:$0x1FA00] =	vst v63  }
0x1aa: {  	_ =	swait.ge [sflag:s25], $0x48  }
0x1ab: {  	[sflag:s25] =	ssyncset.done $0x0  }
0x1ac: {  	s11 =	simm.s32 $0x300;
	[sflag:s25] =	ssyncadd.s32 $0xFFFFFFB8  }
0x1ad: {  	[tilespmem:s1], [sflag:$0x2] =	stream.indirect.gather [hbm4b:s24+s21], $0x80, s11, s21, $0xb8;
	[tilespmem:$0x1FA00] =	vst v63  }
0x1ae: {  	_ =	swait.ge [sflag:s10], $0x2400  }
0x1af: {  	[sflag:s10] =	ssyncset.done $0x0  }
0x1b0: {  	s13 =	simm.s32 $0x18;
	[sflag:s10] =	ssyncadd.s32 $0xFFFFDC00  }
0x1b1: {  	_ =	swait.ge [sflag:s13], $0x48  }
0x1b2: {  	[sflag:s13] =	ssyncset.done $0x0  }
0x1b3: {  	s0 =	simm.s32 $0x7600;
	s25 =	simm.s32 $0x680;
	[sflag:s13] =	ssyncadd.s32 $0xFFFFFFB8  }
0x1b4: {  	[spmem:s2] =	stream.indirect.scatter.add.f32 [tilespmem:s0], [sflag:$0x9], $0x80, s25, s21, $0xb8;
	[tilespmem:$0x1FA00] =	vst v63  }
0x1b5: {  	_ =	swait.ge [sflag:s17], $0x2400  }
0x1b6: {  	s3 =	simm.s32 $0x100;
	s22 =	rddreg [dreg:$0x11];
	[sflag:s17] =	ssyncset.done $0x0  }
0x1b7: {  	s1 =	rddreg [dreg:$0x10];
	[sflag:s17] =	ssyncadd.s32 $0xFFFFDC00;
	s11 =	sadd.s32 $0x0, s22  }
0x1b8: {  	[tilespmem:s3], [sflag:$0xD] =	stream.linear.gather [hbm4b:s11+s23], $0x48, $0x38;
	[tilespmem:$0x1FA00] =	vst v63  }
0x1b9: {  	s13 =	sadd.s32 $0x0, s1  }
0x1ba: {  	[tilespmem:s19], [sflag:$0x17] =	stream.linear.gather [hbm4b:s13+s23], $0x48, $0x38;
	[tilespmem:$0x1FA00] =	vst v63  }
0x1bb: {  	_ =	swait.ge [sflag:s28], $0x48  }
0x1bc: {  	[sflag:s28] =	ssyncset.done $0x0  }
0x1bd: {  	s1 =	simm.s32 $0x380;
	[sflag:s28] =	ssyncadd.s32 $0xFFFFFFB8  }
0x1be: {  	[tilespmem:s16], [sflag:$0x3] =	stream.indirect.gather [hbm4b:s24+s21], $0x80, s1, s21, $0xb8;
	[tilespmem:$0x1FA00] =	vst v63  }
0x1bf: {  	_ =	swait.ge [sflag:s26], $0x2400  }
0x1c0: {  	[sflag:s26] =	ssyncset.done $0x0  }
0x1c1: {  	s16 =	simm.s32 $0x19;
	[sflag:s26] =	ssyncadd.s32 $0xFFFFDC00  }
0x1c2: {  	_ =	swait.ge [sflag:s16], $0x48  }
0x1c3: {  	[sflag:s16] =	ssyncset.done $0x0  }
0x1c4: {  	s28 =	simm.s32 $0x700;
	[sflag:s16] =	ssyncadd.s32 $0xFFFFFFB8;
	s16 =	simm.s32 $0x9A00  }
0x1c5: {  	[spmem:s2] =	stream.indirect.scatter.add.f32 [tilespmem:s16], [sflag:$0xA], $0x80, s28, s21, $0xb8;
	[tilespmem:$0x1FA00] =	vst v63  }
0x1c6: {  	_ =	swait.ge [sflag:s29], $0x2400  }
0x1c7: {  	s22 =	rddreg [dreg:$0xf];
	[sflag:s29] =	ssyncset.done $0x0  }
0x1c8: {  	s3 =	rddreg [dreg:$0xe];
	[sflag:s29] =	ssyncadd.s32 $0xFFFFDC00;
	s11 =	sadd.s32 $0x0, s22  }
0x1c9: {  	[tilespmem:s18], [sflag:$0xE] =	stream.linear.gather [hbm4b:s11+s23], $0x48, $0x38;
	[tilespmem:$0x1FA00] =	vst v63  }
0x1ca: {  	s22 =	sadd.s32 $0x0, s3  }
0x1cb: {  	[tilespmem:s25], [sflag:$0x18] =	stream.linear.gather [hbm4b:s22+s23], $0x48, $0x38;
	[tilespmem:$0x1FA00] =	vst v63  }
0x1cc: {  	_ =	swait.ge [sflag:s31], $0x48  }
0x1cd: {  	[sflag:s31] =	ssyncset.done $0x0  }
0x1ce: {  	s4 =	simm.s32 $0x1;
	s25 =	simm.s32 $0x400;
	[sflag:s31] =	ssyncadd.s32 $0xFFFFFFB8  }
0x1cf: {  	[tilespmem:s0], [sflag:$0x4] =	stream.indirect.gather [hbm4b:s24+s21], $0x80, s25, s21, $0xb8;
	[tilespmem:$0x1FA00] =	vst v63  }
0x1d0: {  	_ =	swait.ge [sflag:s4], $0x2400  }
0x1d1: {  	[sflag:s4] =	ssyncset.done $0x0  }
0x1d2: {  	s0 =	simm.s32 $0x1A;
	[sflag:s4] =	ssyncadd.s32 $0xFFFFDC00  }
0x1d3: {  	_ =	swait.ge [sflag:s0], $0x48  }
0x1d4: {  	[sflag:s0] =	ssyncset.done $0x0  }
0x1d5: {  	s6 =	simm.s32 $0xA00;
	s22 =	simm.s32 $0x780;
	[sflag:s0] =	ssyncadd.s32 $0xFFFFFFB8  }
0x1d6: {  	[spmem:s2] =	stream.indirect.scatter.add.f32 [tilespmem:s6], [sflag:$0x6], $0x80, s22, s21, $0xb8;
	[tilespmem:$0x1FA00] =	vst v63  }
0x1d7: {  	_ =	swait.ge [sflag:s5], $0x2400  }
0x1d8: {  	s3 =	rddreg [dreg:$0xd];
	[sflag:s5] =	ssyncset.done $0x0  }
0x1d9: {  	s4 =	rddreg [dreg:$0xc];
	[sflag:s5] =	ssyncadd.s32 $0xFFFFDC00;
	s11 =	sadd.s32 $0x0, s3  }
0x1da: {  	[tilespmem:s30], [sflag:$0xF] =	stream.linear.gather [hbm4b:s11+s23], $0x48, $0x38;
	[tilespmem:$0x1FA00] =	vst v63  }
0x1db: {  	s13 =	simm.s32 $0x14;
	s5 =	sadd.s32 $0x0, s4  }
0x1dc: {  	[tilespmem:s28], [sflag:$0x19] =	stream.linear.gather [hbm4b:s5+s23], $0x48, $0x38;
	[tilespmem:$0x1FA00] =	vst v63  }
0x1dd: {  	_ =	swait.ge [sflag:s13], $0x48  }
0x1de: {  	[sflag:s13] =	ssyncset.done $0x0  }
0x1df: {  	s28 =	simm.s32 $0x480;
	[sflag:s13] =	ssyncadd.s32 $0xFFFFFFB8  }
0x1e0: {  	[tilespmem:s16], [sflag:$0x5] =	stream.indirect.gather [hbm4b:s24+s21], $0x80, s28, s21, $0xb8;
	[tilespmem:$0x1FA00] =	vst v63  }
0x1e1: {  	_ =	swait.ge [sflag:s8], $0x2400  }
0x1e2: {  	[sflag:s8] =	ssyncset.done $0x0  }
0x1e3: {  	s30 =	simm.s32 $0x1B;
	[sflag:s8] =	ssyncadd.s32 $0xFFFFDC00  }
0x1e4: {  	_ =	swait.ge [sflag:s30], $0x48  }
0x1e5: {  	[sflag:s30] =	ssyncset.done $0x0  }
0x1e6: {  	s4 =	simm.s32 $0x2E00;
	s8 =	simm.s32 $0x800;
	[sflag:s30] =	ssyncadd.s32 $0xFFFFFFB8  }
0x1e7: {  	[spmem:s2] =	stream.indirect.scatter.add.f32 [tilespmem:s4], [sflag:$0x7], $0x80, s8, s21, $0xb8;
	[tilespmem:$0x1FA00] =	vst v63  }
0x1e8: {  	_ =	swait.ge [sflag:s20], $0x2400  }
0x1e9: {  	s9 =	simm.s32 $0x280;
	s0 =	rddreg [dreg:$0xb];
	[sflag:s20] =	ssyncset.done $0x0  }
0x1ea: {  	s5 =	rddreg [dreg:$0xa];
	[sflag:s20] =	ssyncadd.s32 $0xFFFFDC00;
	s11 =	sadd.s32 $0x0, s0  }
0x1eb: {  	[tilespmem:s9], [sflag:$0x10] =	stream.linear.gather [hbm4b:s11+s23], $0x48, $0x38;
	[tilespmem:$0x1FA00] =	vst v63  }
0x1ec: {  	s13 =	simm.s32 $0xB;
	s9 =	sadd.s32 $0x0, s5  }
0x1ed: {  	[tilespmem:s22], [sflag:$0x1A] =	stream.linear.gather [hbm4b:s9+s23], $0x48, $0x38;
	[tilespmem:$0x1FA00] =	vst v63  }
0x1ee: {  	_ =	swait.ge [sflag:s13], $0x48  }
0x1ef: {  	[sflag:s13] =	ssyncset.done $0x0  }
0x1f0: {  	[sflag:s13] =	ssyncadd.s32 $0xFFFFFFB8  }
0x1f1: {  	[tilespmem:s6], [sflag:$0x1] =	stream.indirect.gather [hbm4b:s24+s21], $0x80, s23, s21, $0xb8;
	[tilespmem:$0x1FA00] =	vst v63  }
0x1f2: {  	_ =	swait.ge [sflag:s12], $0x2400  }
0x1f3: {  	[sflag:s12] =	ssyncset.done $0x0  }
0x1f4: {  	s16 =	simm.s32 $0x1C;
	[sflag:s12] =	ssyncadd.s32 $0xFFFFDC00  }
0x1f5: {  	_ =	swait.ge [sflag:s16], $0x48  }
0x1f6: {  	[sflag:s16] =	ssyncset.done $0x0  }
0x1f7: {  	s19 =	simm.s32 $0x5200;
	s20 =	simm.s32 $0x880;
	[sflag:s16] =	ssyncadd.s32 $0xFFFFFFB8  }
0x1f8: {  	[spmem:s2] =	stream.indirect.scatter.add.f32 [tilespmem:s19], [sflag:$0x8], $0x80, s20, s21, $0xb8;
	[tilespmem:$0x1FA00] =	vst v63  }
0x1f9: {  	_ =	swait.ge [sflag:s14], $0x2400  }
0x1fa: {  	s30 =	simm.s32 $0x300;
	s22 =	rddreg [dreg:$0x9];
	[sflag:s14] =	ssyncset.done $0x0  }
0x1fb: {  	s28 =	rddreg [dreg:$0x8];
	[sflag:s14] =	ssyncadd.s32 $0xFFFFDC00;
	s11 =	sadd.s32 $0x0, s22  }
0x1fc: {  	[tilespmem:s30], [sflag:$0x11] =	stream.linear.gather [hbm4b:s11+s23], $0x48, $0x38;
	[tilespmem:$0x1FA00] =	vst v63  }
0x1fd: {  	s5 =	sadd.s32 $0x0, s28  }
0x1fe: {  	[tilespmem:s8], [sflag:$0x1B] =	stream.linear.gather [hbm4b:s5+s23], $0x48, $0x38;
	[tilespmem:$0x1FA00] =	vst v63  }
0x1ff: {  	s8 =	simm.s32 $0xC  }
0x200: {  	_ =	swait.ge [sflag:s8], $0x48  }
0x201: {  	[sflag:s8] =	ssyncset.done $0x0  }
0x202: {  	s9 =	simm.s32 $0x80;
	[sflag:s8] =	ssyncadd.s32 $0xFFFFFFB8  }
0x203: {  	[tilespmem:s4], [sflag:$0x2] =	stream.indirect.gather [hbm4b:s24+s21], $0x80, s9, s21, $0xb8;
	[tilespmem:$0x1FA00] =	vst v63  }
0x204: {  	_ =	swait.ge [sflag:s10], $0x2400  }
0x205: {  	[sflag:s10] =	ssyncset.done $0x0  }
0x206: {  	s11 =	simm.s32 $0x1D;
	[sflag:s10] =	ssyncadd.s32 $0xFFFFDC00  }
0x207: {  	_ =	swait.ge [sflag:s11], $0x48  }
0x208: {  	[sflag:s11] =	ssyncset.done $0x0  }
0x209: {  	s31 =	simm.s32 $0x7600;
	s12 =	simm.s32 $0x900;
	[sflag:s11] =	ssyncadd.s32 $0xFFFFFFB8  }
0x20a: {  	[spmem:s2] =	stream.indirect.scatter.add.f32 [tilespmem:s31], [sflag:$0x9], $0x80, s12, s21, $0xb8;
	[tilespmem:$0x1FA00] =	vst v63  }
0x20b: {  	_ =	swait.ge [sflag:s17], $0x2400  }
0x20c: {  	s13 =	rddreg [dreg:$0x7];
	[sflag:s17] =	ssyncset.done $0x0  }
0x20d: {  	s14 =	rddreg [dreg:$0x6];
	[sflag:s17] =	ssyncadd.s32 $0xFFFFDC00;
	s11 =	sadd.s32 $0x0, s13  }
0x20e: {  	[tilespmem:s1], [sflag:$0x12] =	stream.linear.gather [hbm4b:s11+s23], $0x48, $0x38;
	[tilespmem:$0x1FA00] =	vst v63  }
0x20f: {  	s16 =	sadd.s32 $0x0, s14;
	s17 =	simm.s32 $0xD  }
0x210: {  	[tilespmem:s20], [sflag:$0x1C] =	stream.linear.gather [hbm4b:s16+s23], $0x48, $0x38;
	[tilespmem:$0x1FA00] =	vst v63  }
0x211: {  	_ =	swait.ge [sflag:s17], $0x48  }
0x212: {  	[sflag:s17] =	ssyncset.done $0x0  }
0x213: {  	s7 =	simm.s32 $0x100;
	[sflag:s17] =	ssyncadd.s32 $0xFFFFFFB8  }
0x214: {  	[tilespmem:s19], [sflag:$0x3] =	stream.indirect.gather [hbm4b:s24+s21], $0x80, s7, s21, $0xb8;
	[tilespmem:$0x1FA00] =	vst v63  }
0x215: {  	_ =	swait.ge [sflag:s26], $0x2400  }
0x216: {  	[sflag:s26] =	ssyncset.done $0x0  }
0x217: {  	s20 =	simm.s32 $0x1E;
	[sflag:s26] =	ssyncadd.s32 $0xFFFFDC00  }
0x218: {  	_ =	swait.ge [sflag:s20], $0x48  }
0x219: {  	[sflag:s20] =	ssyncset.done $0x0  }
0x21a: {  	s3 =	simm.s32 $0x9A00;
	s22 =	simm.s32 $0x980;
	[sflag:s20] =	ssyncadd.s32 $0xFFFFFFB8  }
0x21b: {  	[spmem:s2] =	stream.indirect.scatter.add.f32 [tilespmem:s3], [sflag:$0xA], $0x80, s22, s21, $0xb8;
	[tilespmem:$0x1FA00] =	vst v63  }
0x21c: {  	_ =	swait.ge [sflag:s29], $0x2400  }
0x21d: {  	s26 =	rddreg [dreg:$0x5];
	[sflag:s29] =	ssyncset.done $0x0  }
0x21e: {  	s28 =	rddreg [dreg:$0x4];
	[sflag:s29] =	ssyncadd.s32 $0xFFFFDC00;
	s11 =	sadd.s32 $0x0, s26  }
0x21f: {  	[tilespmem:s25], [sflag:$0x13] =	stream.linear.gather [hbm4b:s11+s23], $0x48, $0x38;
	[tilespmem:$0x1FA00] =	vst v63  }
0x220: {  	s30 =	simm.s32 $0xE;
	s29 =	sadd.s32 $0x0, s28  }
0x221: {  	[tilespmem:s12], [sflag:$0x1D] =	stream.linear.gather [hbm4b:s29+s23], $0x48, $0x38;
	[tilespmem:$0x1FA00] =	vst v63  }
0x222: {  	_ =	swait.ge [sflag:s30], $0x48  }
0x223: {  	s31 =	simm.s32 $0xE;
	[sflag:s30] =	ssyncset.done $0x0  }
0x224: {  	s11 =	simm.s32 $0x5A;
	[sflag:s31] =	ssyncadd.s32 $0xFFFFFFB8  }
.LBB2_4:
0x225: {  	s0 =	simm.s32 $0x7600;
	s12 =	simm.s32 $0x1  }
0x226: {  	[tilespmem:s0], [sflag:$0x4] =	stream.indirect.gather [hbm4b:s24+s21], $0x80, s18, s21, $0xb8;
	[tilespmem:$0x1FA00] =	vst v63  }
0x227: {  	_ =	swait.ge [sflag:s12], $0x2400  }
0x228: {  	[sflag:s12] =	ssyncset.done $0x0  }
0x229: {  	s4 =	simm.s32 $0x15;
	[sflag:s12] =	ssyncadd.s32 $0xFFFFDC00  }
0x22a: {  	_ =	swait.ge [sflag:s4], $0x48  }
0x22b: {  	[sflag:s4] =	ssyncset.done $0x0  }
0x22c: {  	s28 =	simm.s32 $0xA00;
	s8 =	simm.s32 $0xA;
	[sflag:s4] =	ssyncadd.s32 $0xFFFFFFB8  }
0x22d: {  	[spmem:s2] =	stream.indirect.scatter.add.f32 [tilespmem:s28], [sflag:$0x6], $0x80, s15, s21, $0xb8;
	[tilespmem:$0x1FA00] =	vst v63  }
0x22e: {  	s13 =	smov.u32 s11;
	_ =	swait.ge [sflag:s8], $0x2400  }
0x22f: {  	s9 =	simm.s32 $0x480;
	s5 =	rddreg [dreg:$0x17];
	[sflag:s8] =	ssyncset.done $0x0  }
0x230: {  	s6 =	rddreg [dreg:$0x16];
	[sflag:s8] =	ssyncadd.s32 $0xFFFFDC00;
	s15 =	sadd.s32 s13, s5  }
0x231: {  	[tilespmem:s9], [sflag:$0x14] =	stream.linear.gather [hbm4b:s15+s23], $0x48, $0x38;
	[tilespmem:$0x1FA00] =	vst v63  }
0x232: {  	s10 =	simm.s32 $0x980;
	s14 =	simm.s32 $0xF;
	s7 =	sadd.s32 s13, s6  }
0x233: {  	[tilespmem:s10], [sflag:$0x1E] =	stream.linear.gather [hbm4b:s7+s23], $0x48, $0x38;
	[tilespmem:$0x1FA00] =	vst v63  }
0x234: {  	_ =	swait.ge [sflag:s14], $0x48  }
0x235: {  	s4 =	simm.s32 $0x2;
	[sflag:s14] =	ssyncset.done $0x0  }
0x236: {  	s5 =	simm.s32 $0x200;
	s15 =	simm.s32 $0x9A00;
	[sflag:s14] =	ssyncadd.s32 $0xFFFFFFB8  }
0x237: {  	[tilespmem:s15], [sflag:$0x5] =	stream.indirect.gather [hbm4b:s24+s21], $0x80, s5, s21, $0xb8;
	[tilespmem:$0x1FA00] =	vst v63  }
0x238: {  	_ =	swait.ge [sflag:s4], $0x2400  }
0x239: {  	[sflag:s4] =	ssyncset.done $0x0  }
0x23a: {  	s16 =	simm.s32 $0x16;
	[sflag:s4] =	ssyncadd.s32 $0xFFFFDC00  }
0x23b: {  	_ =	swait.ge [sflag:s16], $0x48  }
0x23c: {  	s22 =	simm.s32 $0x2E00;
	[sflag:s16] =	ssyncset.done $0x0  }
0x23d: {  	s17 =	simm.s32 $0x580;
	s6 =	simm.s32 $0x6;
	[sflag:s16] =	ssyncadd.s32 $0xFFFFFFB8  }
0x23e: {  	[spmem:s2] =	stream.indirect.scatter.add.f32 [tilespmem:s22], [sflag:$0x7], $0x80, s17, s21, $0xb8;
	[tilespmem:$0x1FA00] =	vst v63  }
0x23f: {  	_ =	swait.ge [sflag:s6], $0x2400  }
0x240: {  	s18 =	rddreg [dreg:$0x15];
	[sflag:s6] =	ssyncset.done $0x0  }
0x241: {  	s19 =	rddreg [dreg:$0x14];
	[sflag:s6] =	ssyncadd.s32 $0xFFFFDC00;
	s15 =	sadd.s32 s13, s18  }
0x242: {  	[tilespmem:s23], [sflag:$0xB] =	stream.linear.gather [hbm4b:s15+s23], $0x48, $0x38;
	[tilespmem:$0x1FA00] =	vst v63  }
0x243: {  	s31 =	simm.s32 $0x500;
	s1 =	simm.s32 $0x10;
	s20 =	sadd.s32 s13, s19  }
0x244: {  	[tilespmem:s31], [sflag:$0x15] =	stream.linear.gather [hbm4b:s20+s23], $0x48, $0x38;
	[tilespmem:$0x1FA00] =	vst v63  }
0x245: {  	_ =	swait.ge [sflag:s1], $0x48  }
0x246: {  	[sflag:s1] =	ssyncset.done $0x0  }
0x247: {  	s26 =	simm.s32 $0x280;
	s14 =	simm.s32 $0x3;
	[sflag:s1] =	ssyncadd.s32 $0xFFFFFFB8  }
0x248: {  	[tilespmem:s28], [sflag:$0x1] =	stream.indirect.gather [hbm4b:s24+s21], $0x80, s26, s21, $0xb8;
	[tilespmem:$0x1FA00] =	vst v63  }
0x249: {  	_ =	swait.ge [sflag:s14], $0x2400  }
0x24a: {  	[sflag:s14] =	ssyncset.done $0x0  }
0x24b: {  	s25 =	simm.s32 $0x17;
	[sflag:s14] =	ssyncadd.s32 $0xFFFFDC00  }
0x24c: {  	_ =	swait.ge [sflag:s25], $0x48  }
0x24d: {  	s7 =	simm.s32 $0x600;
	[sflag:s25] =	ssyncset.done $0x0  }
0x24e: {  	s16 =	simm.s32 $0x7;
	[sflag:s25] =	ssyncadd.s32 $0xFFFFFFB8;
	s25 =	simm.s32 $0x5200  }
0x24f: {  	[spmem:s2] =	stream.indirect.scatter.add.f32 [tilespmem:s25], [sflag:$0x8], $0x80, s7, s21, $0xb8;
	[tilespmem:$0x1FA00] =	vst v63  }
0x250: {  	_ =	swait.ge [sflag:s16], $0x2400  }
0x251: {  	s3 =	simm.s32 $0x80;
	s31 =	rddreg [dreg:$0x13];
	[sflag:s16] =	ssyncset.done $0x0  }
0x252: {  	s1 =	rddreg [dreg:$0x12];
	[sflag:s16] =	ssyncadd.s32 $0xFFFFDC00;
	s15 =	sadd.s32 s13, s31  }
0x253: {  	[tilespmem:s3], [sflag:$0xC] =	stream.linear.gather [hbm4b:s15+s23], $0x48, $0x38;
	[tilespmem:$0x1FA00] =	vst v63  }
0x254: {  	s10 =	sadd.s32 s13, s1;
	s15 =	simm.s32 $0x11  }
0x255: {  	[tilespmem:s17], [sflag:$0x16] =	stream.linear.gather [hbm4b:s10+s23], $0x48, $0x38;
	[tilespmem:$0x1FA00] =	vst v63  }
0x256: {  	_ =	swait.ge [sflag:s15], $0x48  }
0x257: {  	[sflag:s15] =	ssyncset.done $0x0  }
0x258: {  	s29 =	simm.s32 $0x300;
	s19 =	simm.s32 $0x4;
	[sflag:s15] =	ssyncadd.s32 $0xFFFFFFB8  }
0x259: {  	[tilespmem:s22], [sflag:$0x2] =	stream.indirect.gather [hbm4b:s24+s21], $0x80, s29, s21, $0xb8;
	[tilespmem:$0x1FA00] =	vst v63  }
0x25a: {  	_ =	swait.ge [sflag:s19], $0x2400  }
0x25b: {  	[sflag:s19] =	ssyncset.done $0x0  }
0x25c: {  	s17 =	simm.s32 $0x18;
	[sflag:s19] =	ssyncadd.s32 $0xFFFFDC00  }
0x25d: {  	_ =	swait.ge [sflag:s17], $0x48  }
0x25e: {  	s3 =	simm.s32 $0x680;
	[sflag:s17] =	ssyncset.done $0x0  }
0x25f: {  	s10 =	simm.s32 $0x8;
	[sflag:s17] =	ssyncadd.s32 $0xFFFFFFB8;
	s17 =	simm.s32 $0x7600  }
0x260: {  	[spmem:s2] =	stream.indirect.scatter.add.f32 [tilespmem:s17], [sflag:$0x9], $0x80, s3, s21, $0xb8;
	[tilespmem:$0x1FA00] =	vst v63  }
0x261: {  	_ =	swait.ge [sflag:s10], $0x2400  }
0x262: {  	s31 =	simm.s32 $0x100;
	s18 =	rddreg [dreg:$0x11];
	[sflag:s10] =	ssyncset.done $0x0  }
0x263: {  	s20 =	rddreg [dreg:$0x10];
	[sflag:s10] =	ssyncadd.s32 $0xFFFFDC00;
	s15 =	sadd.s32 s13, s18  }
0x264: {  	[tilespmem:s31], [sflag:$0xD] =	stream.linear.gather [hbm4b:s15+s23], $0x48, $0x38;
	[tilespmem:$0x1FA00] =	vst v63  }
0x265: {  	s1 =	sadd.s32 s13, s20;
	s18 =	simm.s32 $0x12  }
0x266: {  	[tilespmem:s7], [sflag:$0x17] =	stream.linear.gather [hbm4b:s1+s23], $0x48, $0x38;
	[tilespmem:$0x1FA00] =	vst v63  }
0x267: {  	_ =	swait.ge [sflag:s18], $0x48  }
0x268: {  	[sflag:s18] =	ssyncset.done $0x0  }
0x269: {  	s20 =	simm.s32 $0x380;
	s1 =	simm.s32 $0x5;
	[sflag:s18] =	ssyncadd.s32 $0xFFFFFFB8  }
0x26a: {  	[tilespmem:s25], [sflag:$0x3] =	stream.indirect.gather [hbm4b:s24+s21], $0x80, s20, s21, $0xb8;
	[tilespmem:$0x1FA00] =	vst v63  }
0x26b: {  	_ =	swait.ge [sflag:s1], $0x2400  }
0x26c: {  	[sflag:s1] =	ssyncset.done $0x0  }
0x26d: {  	s31 =	simm.s32 $0x19;
	[sflag:s1] =	ssyncadd.s32 $0xFFFFDC00  }
0x26e: {  	_ =	swait.ge [sflag:s31], $0x48  }
0x26f: {  	s7 =	simm.s32 $0x700;
	[sflag:s31] =	ssyncset.done $0x0  }
0x270: {  	s20 =	simm.s32 $0x9A00;
	[sflag:s31] =	ssyncadd.s32 $0xFFFFFFB8;
	s31 =	simm.s32 $0x9  }
0x271: {  	[spmem:s2] =	stream.indirect.scatter.add.f32 [tilespmem:s20], [sflag:$0xA], $0x80, s7, s21, $0xb8;
	[tilespmem:$0x1FA00] =	vst v63  }
0x272: {  	_ =	swait.ge [sflag:s31], $0x2400  }
0x273: {  	s30 =	simm.s32 $0x180;
	s0 =	rddreg [dreg:$0xf];
	[sflag:s31] =	ssyncset.done $0x0  }
0x274: {  	s18 =	rddreg [dreg:$0xe];
	[sflag:s31] =	ssyncadd.s32 $0xFFFFDC00;
	s15 =	sadd.s32 s13, s0  }
0x275: {  	[tilespmem:s30], [sflag:$0xE] =	stream.linear.gather [hbm4b:s15+s23], $0x48, $0x38;
	[tilespmem:$0x1FA00] =	vst v63  }
0x276: {  	s18 =	sadd.s32 s13, s18;
	s30 =	simm.s32 $0x13  }
0x277: {  	[tilespmem:s3], [sflag:$0x18] =	stream.linear.gather [hbm4b:s18+s23], $0x48, $0x38;
	[tilespmem:$0x1FA00] =	vst v63  }
0x278: {  	_ =	swait.ge [sflag:s30], $0x48  }
0x279: {  	[sflag:s30] =	ssyncset.done $0x0  }
0x27a: {  	[sflag:s30] =	ssyncadd.s32 $0xFFFFFFB8;
	s30 =	simm.s32 $0x400  }
0x27b: {  	[tilespmem:s17], [sflag:$0x4] =	stream.indirect.gather [hbm4b:s24+s21], $0x80, s30, s21, $0xb8;
	[tilespmem:$0x1FA00] =	vst v63  }
0x27c: {  	_ =	swait.ge [sflag:s12], $0x2400  }
0x27d: {  	[sflag:s12] =	ssyncset.done $0x0  }
0x27e: {  	s15 =	simm.s32 $0x1A;
	[sflag:s12] =	ssyncadd.s32 $0xFFFFDC00  }
0x27f: {  	_ =	swait.ge [sflag:s15], $0x48  }
0x280: {  	[sflag:s15] =	ssyncset.done $0x0  }
0x281: {  	s0 =	simm.s32 $0x780;
	[sflag:s15] =	ssyncadd.s32 $0xFFFFFFB8  }
0x282: {  	[spmem:s2] =	stream.indirect.scatter.add.f32 [tilespmem:s28], [sflag:$0x6], $0x80, s0, s21, $0xb8;
	[tilespmem:$0x1FA00] =	vst v63  }
0x283: {  	_ =	swait.ge [sflag:s8], $0x2400  }
0x284: {  	s18 =	rddreg [dreg:$0xd];
	[sflag:s8] =	ssyncset.done $0x0  }
0x285: {  	s3 =	rddreg [dreg:$0xc];
	[sflag:s8] =	ssyncadd.s32 $0xFFFFDC00;
	s15 =	sadd.s32 s13, s18  }
0x286: {  	[tilespmem:s5], [sflag:$0xF] =	stream.linear.gather [hbm4b:s15+s23], $0x48, $0x38;
	[tilespmem:$0x1FA00] =	vst v63  }
0x287: {  	s12 =	simm.s32 $0x14;
	s5 =	sadd.s32 s13, s3  }
0x288: {  	[tilespmem:s7], [sflag:$0x19] =	stream.linear.gather [hbm4b:s5+s23], $0x48, $0x38;
	[tilespmem:$0x1FA00] =	vst v63  }
0x289: {  	_ =	swait.ge [sflag:s12], $0x48  }
0x28a: {  	[sflag:s12] =	ssyncset.done $0x0  }
0x28b: {  	[sflag:s12] =	ssyncadd.s32 $0xFFFFFFB8  }
0x28c: {  	[tilespmem:s20], [sflag:$0x5] =	stream.indirect.gather [hbm4b:s24+s21], $0x80, s9, s21, $0xb8;
	[tilespmem:$0x1FA00] =	vst v63  }
0x28d: {  	_ =	swait.ge [sflag:s4], $0x2400  }
0x28e: {  	[sflag:s4] =	ssyncset.done $0x0  }
0x28f: {  	s15 =	simm.s32 $0x1B;
	[sflag:s4] =	ssyncadd.s32 $0xFFFFDC00  }
0x290: {  	_ =	swait.ge [sflag:s15], $0x48  }
0x291: {  	[sflag:s15] =	ssyncset.done $0x0  }
0x292: {  	s9 =	simm.s32 $0x800;
	[sflag:s15] =	ssyncadd.s32 $0xFFFFFFB8  }
0x293: {  	[spmem:s2] =	stream.indirect.scatter.add.f32 [tilespmem:s22], [sflag:$0x7], $0x80, s9, s21, $0xb8;
	[tilespmem:$0x1FA00] =	vst v63  }
0x294: {  	_ =	swait.ge [sflag:s6], $0x2400  }
0x295: {  	s18 =	rddreg [dreg:$0xb];
	[sflag:s6] =	ssyncset.done $0x0  }
0x296: {  	s20 =	rddreg [dreg:$0xa];
	[sflag:s6] =	ssyncadd.s32 $0xFFFFDC00;
	s15 =	sadd.s32 s13, s18  }
0x297: {  	[tilespmem:s26], [sflag:$0x10] =	stream.linear.gather [hbm4b:s15+s23], $0x48, $0x38;
	[tilespmem:$0x1FA00] =	vst v63  }
0x298: {  	s5 =	simm.s32 $0xB;
	s4 =	sadd.s32 s13, s20  }
0x299: {  	[tilespmem:s0], [sflag:$0x1A] =	stream.linear.gather [hbm4b:s4+s23], $0x48, $0x38;
	[tilespmem:$0x1FA00] =	vst v63  }
0x29a: {  	_ =	swait.ge [sflag:s5], $0x48  }
0x29b: {  	[sflag:s5] =	ssyncset.done $0x0  }
0x29c: {  	[sflag:s5] =	ssyncadd.s32 $0xFFFFFFB8  }
0x29d: {  	[tilespmem:s28], [sflag:$0x1] =	stream.indirect.gather [hbm4b:s24+s21], $0x80, s23, s21, $0xb8;
	[tilespmem:$0x1FA00] =	vst v63  }
0x29e: {  	_ =	swait.ge [sflag:s14], $0x2400  }
0x29f: {  	[sflag:s14] =	ssyncset.done $0x0  }
0x2a0: {  	s7 =	simm.s32 $0x1C;
	[sflag:s14] =	ssyncadd.s32 $0xFFFFDC00  }
0x2a1: {  	_ =	swait.ge [sflag:s7], $0x48  }
0x2a2: {  	[sflag:s7] =	ssyncset.done $0x0  }
0x2a3: {  	[sflag:s7] =	ssyncadd.s32 $0xFFFFFFB8;
	s7 =	simm.s32 $0x880  }
0x2a4: {  	[spmem:s2] =	stream.indirect.scatter.add.f32 [tilespmem:s25], [sflag:$0x8], $0x80, s7, s21, $0xb8;
	[tilespmem:$0x1FA00] =	vst v63  }
0x2a5: {  	_ =	swait.ge [sflag:s16], $0x2400  }
0x2a6: {  	s12 =	rddreg [dreg:$0x9];
	[sflag:s16] =	ssyncset.done $0x0  }
0x2a7: {  	s14 =	rddreg [dreg:$0x8];
	[sflag:s16] =	ssyncadd.s32 $0xFFFFDC00;
	s15 =	sadd.s32 s13, s12  }
0x2a8: {  	[tilespmem:s29], [sflag:$0x11] =	stream.linear.gather [hbm4b:s15+s23], $0x48, $0x38;
	[tilespmem:$0x1FA00] =	vst v63  }
0x2a9: {  	s18 =	simm.s32 $0xC;
	s16 =	sadd.s32 s13, s14  }
0x2aa: {  	[tilespmem:s9], [sflag:$0x1B] =	stream.linear.gather [hbm4b:s16+s23], $0x48, $0x38;
	[tilespmem:$0x1FA00] =	vst v63  }
0x2ab: {  	_ =	swait.ge [sflag:s18], $0x48  }
0x2ac: {  	[sflag:s18] =	ssyncset.done $0x0  }
0x2ad: {  	s20 =	simm.s32 $0x80;
	[sflag:s18] =	ssyncadd.s32 $0xFFFFFFB8  }
0x2ae: {  	[tilespmem:s22], [sflag:$0x2] =	stream.indirect.gather [hbm4b:s24+s21], $0x80, s20, s21, $0xb8;
	[tilespmem:$0x1FA00] =	vst v63  }
0x2af: {  	_ =	swait.ge [sflag:s19], $0x2400  }
0x2b0: {  	[sflag:s19] =	ssyncset.done $0x0  }
0x2b1: {  	s22 =	simm.s32 $0x1D;
	[sflag:s19] =	ssyncadd.s32 $0xFFFFDC00  }
0x2b2: {  	_ =	swait.ge [sflag:s22], $0x48  }
0x2b3: {  	[sflag:s22] =	ssyncset.done $0x0  }
0x2b4: {  	s17 =	simm.s32 $0x7600;
	s9 =	simm.s32 $0x900;
	[sflag:s22] =	ssyncadd.s32 $0xFFFFFFB8  }
0x2b5: {  	[spmem:s2] =	stream.indirect.scatter.add.f32 [tilespmem:s17], [sflag:$0x9], $0x80, s9, s21, $0xb8;
	[tilespmem:$0x1FA00] =	vst v63  }
0x2b6: {  	_ =	swait.ge [sflag:s10], $0x2400  }
0x2b7: {  	s4 =	rddreg [dreg:$0x7]  }
0x2b8: {  	[sflag:s10] =	ssyncset.done $0x0;
	s5 =	rddreg [dreg:$0x6]  }
0x2b9: {  	[sflag:s10] =	ssyncadd.s32 $0xFFFFDC00;
	s15 =	sadd.s32 s13, s4;
	s10 =	simm.s32 $0x380  }
0x2ba: {  	[tilespmem:s10], [sflag:$0x12] =	stream.linear.gather [hbm4b:s15+s23], $0x48, $0x38;
	[tilespmem:$0x1FA00] =	vst v63  }
0x2bb: {  	s16 =	simm.s32 $0xD;
	s14 =	sadd.s32 s13, s5  }
0x2bc: {  	[tilespmem:s7], [sflag:$0x1C] =	stream.linear.gather [hbm4b:s14+s23], $0x48, $0x38;
	[tilespmem:$0x1FA00] =	vst v63  }
0x2bd: {  	_ =	swait.ge [sflag:s16], $0x48  }
0x2be: {  	[sflag:s16] =	ssyncset.done $0x0  }
0x2bf: {  	s17 =	simm.s32 $0x100;
	[sflag:s16] =	ssyncadd.s32 $0xFFFFFFB8  }
0x2c0: {  	[tilespmem:s25], [sflag:$0x3] =	stream.indirect.gather [hbm4b:s24+s21], $0x80, s17, s21, $0xb8;
	[tilespmem:$0x1FA00] =	vst v63  }
0x2c1: {  	_ =	swait.ge [sflag:s1], $0x2400  }
0x2c2: {  	[sflag:s1] =	ssyncset.done $0x0  }
0x2c3: {  	s18 =	simm.s32 $0x1E;
	[sflag:s1] =	ssyncadd.s32 $0xFFFFDC00  }
0x2c4: {  	p0 =	sne.s32 s11, $0x3DE;
	s11 =	sadd.s32 $0x5A, s11;
	_ =	swait.ge [sflag:s18], $0x48  }
0x2c5: {  	s8 =	simm.s32 $0x200;
	s3 =	simm.s32 $0x9A00;
	[sflag:s18] =	ssyncset.done $0x0  }
0x2c6: {  	s6 =	simm.s32 $0x280;
	s19 =	simm.s32 $0x980;
	[sflag:s18] =	ssyncadd.s32 $0xFFFFFFB8  }
0x2c7: {  	[spmem:s2] =	stream.indirect.scatter.add.f32 [tilespmem:s3], [sflag:$0xA], $0x80, s19, s21, $0xb8;
	[tilespmem:$0x1FA00] =	vst v63  }
0x2c8: {  	s26 =	simm.s32 $0x780;
	s28 =	simm.s32 $0x800;
	_ =	swait.ge [sflag:s31], $0x2400  }
0x2c9: {  	s12 =	simm.s32 $0x300;
	s20 =	rddreg [dreg:$0x5];
	[sflag:s31] =	ssyncset.done $0x0  }
0x2ca: {  	s25 =	rddreg [dreg:$0x4];
	[sflag:s31] =	ssyncadd.s32 $0xFFFFDC00;
	s15 =	sadd.s32 s13, s20  }
0x2cb: {  	[tilespmem:s30], [sflag:$0x13] =	stream.linear.gather [hbm4b:s15+s23], $0x48, $0x38;
	[tilespmem:$0x1FA00] =	vst v63  }
.Ltmp1:
0x2cc: {  	s13 =	sadd.s32 s13, s25;
	s31 =	simm.s32 $0xE;
	(pc) =	sbr.rel @p0 .LBB2_4-.Ltmp1, $4  }
0x2cd: {  	[tilespmem:s9], [sflag:$0x1D] =	stream.linear.gather [hbm4b:s13+s23], $0x48, $0x38;
	[tilespmem:$0x1FA00] =	vst v63  }
0x2ce: {  	s29 =	simm.s32 $0x880;
	s22 =	simm.s32 $0x380;
	_ =	swait.ge [sflag:s31], $0x48  }
0x2cf: {  	s5 =	simm.s32 $0x400;
	s7 =	simm.s32 $0x900;
	[sflag:s31] =	ssyncset.done $0x0  }
0x2d0: {  	s18 =	simm.s32 $0x180;
	s15 =	simm.s32 $0x500;
	[sflag:s31] =	ssyncadd.s32 $0xFFFFFFB8  }
0x2d1: {  	s13 =	simm.s32 $0x7600;
	s0 =	simm.s32 $0x1  }
0x2d2: {  	[tilespmem:s13], [sflag:$0x4] =	stream.indirect.gather [hbm4b:s24+s21], $0x80, s18, s21, $0xb8;
	[tilespmem:$0x1FA00] =	vst v63  }
0x2d3: {  	_ =	swait.ge [sflag:s0], $0x2400  }
0x2d4: {  	[sflag:s0] =	ssyncset.done $0x0  }
0x2d5: {  	s1 =	simm.s32 $0x15;
	[sflag:s0] =	ssyncadd.s32 $0xFFFFDC00  }
0x2d6: {  	_ =	swait.ge [sflag:s1], $0x48  }
0x2d7: {  	[sflag:s1] =	ssyncset.done $0x0  }
0x2d8: {  	s17 =	simm.s32 $0xA00;
	s25 =	simm.s32 $0xA;
	[sflag:s1] =	ssyncadd.s32 $0xFFFFFFB8  }
0x2d9: {  	[spmem:s2] =	stream.indirect.scatter.add.f32 [tilespmem:s17], [sflag:$0x6], $0x80, s15, s21, $0xb8;
	[tilespmem:$0x1FA00] =	vst v63  }
0x2da: {  	_ =	swait.ge [sflag:s25], $0x2400  }
0x2db: {  	s11 =	sld [smem:$0x7F2]  }
0x2dc: {  	[sflag:s25] =	ssyncset.done $0x0  }
0x2dd: {  	s15 =	simm.s32 $0x480;
	s3 =	sld [smem:$0x7F1];
	[sflag:s25] =	ssyncadd.s32 $0xFFFFDC00  }
0x2de: {  	[tilespmem:s15], [sflag:$0x14] =	stream.linear.gather [hbm4b:s11+s23], $0x48, $0x38;
	[tilespmem:$0x1FA00] =	vst v63  }
0x2df: {  	s9 =	simm.s32 $0x980;
	s4 =	simm.s32 $0xF  }
0x2e0: {  	[tilespmem:s9], [sflag:$0x1E] =	stream.linear.gather [hbm4b:s3+s23], $0x48, $0x38;
	[tilespmem:$0x1FA00] =	vst v63  }
0x2e1: {  	_ =	swait.ge [sflag:s4], $0x48  }
0x2e2: {  	[sflag:s4] =	ssyncset.done $0x0  }
0x2e3: {  	s20 =	simm.s32 $0x9A00;
	[sflag:s4] =	ssyncadd.s32 $0xFFFFFFB8;
	s4 =	simm.s32 $0x2  }
0x2e4: {  	[tilespmem:s20], [sflag:$0x5] =	stream.indirect.gather [hbm4b:s24+s21], $0x80, s8, s21, $0xb8;
	[tilespmem:$0x1FA00] =	vst v63  }
0x2e5: {  	_ =	swait.ge [sflag:s4], $0x2400  }
0x2e6: {  	[sflag:s4] =	ssyncset.done $0x0  }
0x2e7: {  	s10 =	simm.s32 $0x16;
	[sflag:s4] =	ssyncadd.s32 $0xFFFFDC00  }
0x2e8: {  	_ =	swait.ge [sflag:s10], $0x48  }
0x2e9: {  	s19 =	simm.s32 $0x6;
	[sflag:s10] =	ssyncset.done $0x0  }
0x2ea: {  	s18 =	simm.s32 $0x2E00;
	s11 =	simm.s32 $0x580;
	[sflag:s10] =	ssyncadd.s32 $0xFFFFFFB8  }
0x2eb: {  	[spmem:s2] =	stream.indirect.scatter.add.f32 [tilespmem:s18], [sflag:$0x7], $0x80, s11, s21, $0xb8;
	[tilespmem:$0x1FA00] =	vst v63  }
0x2ec: {  	_ =	swait.ge [sflag:s19], $0x2400  }
0x2ed: {  	[sflag:s19] =	ssyncset.done $0x0  }
0x2ee: {  	s14 =	simm.s32 $0x10;
	[sflag:s19] =	ssyncadd.s32 $0xFFFFDC00  }
0x2ef: {  	_ =	swait.ge [sflag:s14], $0x48  }
0x2f0: {  	[sflag:s14] =	ssyncset.done $0x0  }
0x2f1: {  	[sflag:s14] =	ssyncadd.s32 $0xFFFFFFB8;
	s14 =	simm.s32 $0x3  }
0x2f2: {  	[tilespmem:s17], [sflag:$0x1] =	stream.indirect.gather [hbm4b:s24+s21], $0x80, s6, s21, $0xb8;
	[tilespmem:$0x1FA00] =	vst v63  }
0x2f3: {  	_ =	swait.ge [sflag:s14], $0x2400  }
0x2f4: {  	[sflag:s14] =	ssyncset.done $0x0  }
0x2f5: {  	s16 =	simm.s32 $0x17;
	[sflag:s14] =	ssyncadd.s32 $0xFFFFDC00  }
0x2f6: {  	_ =	swait.ge [sflag:s16], $0x48  }
0x2f7: {  	s30 =	simm.s32 $0x600;
	[sflag:s16] =	ssyncset.done $0x0  }
0x2f8: {  	s11 =	simm.s32 $0x5200;
	[sflag:s16] =	ssyncadd.s32 $0xFFFFFFB8;
	s16 =	simm.s32 $0x7  }
0x2f9: {  	[spmem:s2] =	stream.indirect.scatter.add.f32 [tilespmem:s11], [sflag:$0x8], $0x80, s30, s21, $0xb8;
	[tilespmem:$0x1FA00] =	vst v63  }
0x2fa: {  	_ =	swait.ge [sflag:s16], $0x2400  }
0x2fb: {  	[sflag:s16] =	ssyncset.done $0x0  }
0x2fc: {  	s31 =	simm.s32 $0x11;
	[sflag:s16] =	ssyncadd.s32 $0xFFFFDC00  }
0x2fd: {  	_ =	swait.ge [sflag:s31], $0x48  }
0x2fe: {  	[sflag:s31] =	ssyncset.done $0x0  }
0x2ff: {  	[sflag:s31] =	ssyncadd.s32 $0xFFFFFFB8  }
0x300: {  	[tilespmem:s18], [sflag:$0x2] =	stream.indirect.gather [hbm4b:s24+s21], $0x80, s12, s21, $0xb8;
	[tilespmem:$0x1FA00] =	vst v63  }
0x301: {  	s12 =	simm.s32 $0x4  }
0x302: {  	_ =	swait.ge [sflag:s12], $0x2400  }
0x303: {  	[sflag:s12] =	ssyncset.done $0x0  }
0x304: {  	s3 =	simm.s32 $0x18;
	[sflag:s12] =	ssyncadd.s32 $0xFFFFDC00  }
0x305: {  	_ =	swait.ge [sflag:s3], $0x48  }
0x306: {  	[sflag:s3] =	ssyncset.done $0x0  }
0x307: {  	s10 =	simm.s32 $0x8;
	s6 =	simm.s32 $0x680;
	[sflag:s3] =	ssyncadd.s32 $0xFFFFFFB8  }
0x308: {  	[spmem:s2] =	stream.indirect.scatter.add.f32 [tilespmem:s13], [sflag:$0x9], $0x80, s6, s21, $0xb8;
	[tilespmem:$0x1FA00] =	vst v63  }
0x309: {  	_ =	swait.ge [sflag:s10], $0x2400  }
0x30a: {  	[sflag:s10] =	ssyncset.done $0x0  }
0x30b: {  	s8 =	simm.s32 $0x12;
	[sflag:s10] =	ssyncadd.s32 $0xFFFFDC00  }
0x30c: {  	_ =	swait.ge [sflag:s8], $0x48  }
0x30d: {  	[sflag:s8] =	ssyncset.done $0x0  }
0x30e: {  	s1 =	simm.s32 $0x5;
	[sflag:s8] =	ssyncadd.s32 $0xFFFFFFB8  }
0x30f: {  	[tilespmem:s11], [sflag:$0x3] =	stream.indirect.gather [hbm4b:s24+s21], $0x80, s22, s21, $0xb8;
	[tilespmem:$0x1FA00] =	vst v63  }
0x310: {  	_ =	swait.ge [sflag:s1], $0x2400  }
0x311: {  	[sflag:s1] =	ssyncset.done $0x0  }
0x312: {  	s22 =	simm.s32 $0x19;
	[sflag:s1] =	ssyncadd.s32 $0xFFFFDC00  }
0x313: {  	_ =	swait.ge [sflag:s22], $0x48  }
0x314: {  	[sflag:s22] =	ssyncset.done $0x0  }
0x315: {  	s30 =	simm.s32 $0x9;
	s3 =	simm.s32 $0x700;
	[sflag:s22] =	ssyncadd.s32 $0xFFFFFFB8  }
0x316: {  	[spmem:s2] =	stream.indirect.scatter.add.f32 [tilespmem:s20], [sflag:$0xA], $0x80, s3, s21, $0xb8;
	[tilespmem:$0x1FA00] =	vst v63  }
0x317: {  	_ =	swait.ge [sflag:s30], $0x2400  }
0x318: {  	[sflag:s30] =	ssyncset.done $0x0  }
0x319: {  	s31 =	simm.s32 $0x13;
	[sflag:s30] =	ssyncadd.s32 $0xFFFFDC00  }
0x31a: {  	_ =	swait.ge [sflag:s31], $0x48  }
0x31b: {  	[sflag:s31] =	ssyncset.done $0x0  }
0x31c: {  	[sflag:s31] =	ssyncadd.s32 $0xFFFFFFB8  }
0x31d: {  	[tilespmem:s13], [sflag:$0x4] =	stream.indirect.gather [hbm4b:s24+s21], $0x80, s5, s21, $0xb8;
	[tilespmem:$0x1FA00] =	vst v63  }
0x31e: {  	_ =	swait.ge [sflag:s0], $0x2400  }
0x31f: {  	[sflag:s0] =	ssyncset.done $0x0  }
0x320: {  	s6 =	simm.s32 $0x1A;
	[sflag:s0] =	ssyncadd.s32 $0xFFFFDC00  }
0x321: {  	_ =	swait.ge [sflag:s6], $0x48  }
0x322: {  	[sflag:s6] =	ssyncset.done $0x0  }
0x323: {  	[sflag:s6] =	ssyncadd.s32 $0xFFFFFFB8  }
0x324: {  	[spmem:s2] =	stream.indirect.scatter.add.f32 [tilespmem:s17], [sflag:$0x6], $0x80, s26, s21, $0xb8;
	[tilespmem:$0x1FA00] =	vst v63  }
0x325: {  	_ =	swait.ge [sflag:s25], $0x2400  }
0x326: {  	[sflag:s25] =	ssyncset.done $0x0  }
0x327: {  	s8 =	simm.s32 $0x14;
	[sflag:s25] =	ssyncadd.s32 $0xFFFFDC00  }
0x328: {  	_ =	swait.ge [sflag:s8], $0x48  }
0x329: {  	[sflag:s8] =	ssyncset.done $0x0  }
0x32a: {  	[sflag:s8] =	ssyncadd.s32 $0xFFFFFFB8  }
0x32b: {  	[tilespmem:s20], [sflag:$0x5] =	stream.indirect.gather [hbm4b:s24+s21], $0x80, s15, s21, $0xb8;
	[tilespmem:$0x1FA00] =	vst v63  }
0x32c: {  	_ =	swait.ge [sflag:s4], $0x2400  }
0x32d: {  	[sflag:s4] =	ssyncset.done $0x0  }
0x32e: {  	s17 =	simm.s32 $0x1B;
	[sflag:s4] =	ssyncadd.s32 $0xFFFFDC00  }
0x32f: {  	_ =	swait.ge [sflag:s17], $0x48  }
0x330: {  	[sflag:s17] =	ssyncset.done $0x0  }
0x331: {  	[sflag:s17] =	ssyncadd.s32 $0xFFFFFFB8  }
0x332: {  	[spmem:s2] =	stream.indirect.scatter.add.f32 [tilespmem:s18], [sflag:$0x7], $0x80, s28, s21, $0xb8;
	[tilespmem:$0x1FA00] =	vst v63  }
0x333: {  	_ =	swait.ge [sflag:s19], $0x2400  }
0x334: {  	[sflag:s19] =	ssyncset.done $0x0  }
0x335: {  	[sflag:s19] =	ssyncadd.s32 $0xFFFFDC00  }
0x336: {  	_ =	swait.ge [sflag:s14], $0x2400  }
0x337: {  	[sflag:s14] =	ssyncset.done $0x0  }
0x338: {  	s18 =	simm.s32 $0x1C;
	[sflag:s14] =	ssyncadd.s32 $0xFFFFDC00  }
0x339: {  	_ =	swait.ge [sflag:s18], $0x48  }
0x33a: {  	[sflag:s18] =	ssyncset.done $0x0  }
0x33b: {  	[sflag:s18] =	ssyncadd.s32 $0xFFFFFFB8  }
0x33c: {  	[spmem:s2] =	stream.indirect.scatter.add.f32 [tilespmem:s11], [sflag:$0x8], $0x80, s29, s21, $0xb8;
	[tilespmem:$0x1FA00] =	vst v63  }
0x33d: {  	_ =	swait.ge [sflag:s16], $0x2400  }
0x33e: {  	[sflag:s16] =	ssyncset.done $0x0  }
0x33f: {  	[sflag:s16] =	ssyncadd.s32 $0xFFFFDC00  }
0x340: {  	_ =	swait.ge [sflag:s12], $0x2400  }
0x341: {  	[sflag:s12] =	ssyncset.done $0x0  }
0x342: {  	s19 =	simm.s32 $0x1D;
	[sflag:s12] =	ssyncadd.s32 $0xFFFFDC00  }
0x343: {  	_ =	swait.ge [sflag:s19], $0x48  }
0x344: {  	[sflag:s19] =	ssyncset.done $0x0  }
0x345: {  	[sflag:s19] =	ssyncadd.s32 $0xFFFFFFB8  }
0x346: {  	[spmem:s2] =	stream.indirect.scatter.add.f32 [tilespmem:s13], [sflag:$0x9], $0x80, s7, s21, $0xb8;
	[tilespmem:$0x1FA00] =	vst v63  }
0x347: {  	_ =	swait.ge [sflag:s10], $0x2400  }
0x348: {  	[sflag:s10] =	ssyncset.done $0x0  }
0x349: {  	[sflag:s10] =	ssyncadd.s32 $0xFFFFDC00  }
0x34a: {  	_ =	swait.ge [sflag:s1], $0x2400  }
0x34b: {  	[sflag:s1] =	ssyncset.done $0x0  }
0x34c: {  	s22 =	simm.s32 $0x1E;
	[sflag:s1] =	ssyncadd.s32 $0xFFFFDC00  }
0x34d: {  	_ =	swait.ge [sflag:s22], $0x48  }
0x34e: {  	[sflag:s22] =	ssyncset.done $0x0  }
0x34f: {  	[sflag:s22] =	ssyncadd.s32 $0xFFFFFFB8  }
0x350: {  	[spmem:s2] =	stream.indirect.scatter.add.f32 [tilespmem:s20], [sflag:$0xA], $0x80, s9, s21, $0xb8;
	[tilespmem:$0x1FA00] =	vst v63  }
0x351: {  	_ =	swait.ge [sflag:s30], $0x2400  }
0x352: {  	[sflag:s30] =	ssyncset.done $0x0  }
0x353: {  	[sflag:s30] =	ssyncadd.s32 $0xFFFFDC00  }
0x354: {  	_ =	swait.ge [sflag:s25], $0x2400  }
0x355: {  	[sflag:s25] =	ssyncset.done $0x0  }
0x356: {  	[sflag:s25] =	ssyncadd.s32 $0xFFFFDC00  }
0x357: {  	[bflag:$0x0] =	sbarrier.arrive $0xFFFF  }
0x358: {  	s26 =	sld [smem:$0x7FC]  }
0x359: {  	s25 =	stileid.u32;
	s28 =	sld [smem:$0x7F3]  }
0x35a: {  	s11 =	sshll.u32 s25, $0x6  }
0x35b: {  	s29 =	simm.s32 $0x1F;
	s11 =	sor.u32 $0x1C1F, s11;
	s13 =	sshrl.u32 s26, $0x3  }
0x35c: {  	[hbm:s28], [sflag:s11] =	dma.local [spmem:s13], $0x2780  }
0x35d: {  	_ =	swait.ge [sflag:s29], $0x2780  }
0x35e: {  	s30 =	sld [smem:$0x7D2]  }
0x35f: {  	s31 =	sld [smem:$0x7F4];
	_ =	sdelay $0x1  }
0x360: {  	s15 =	sadd.s32 $0x1, s30  }
0x361: {  	p0 =	sne.s32 s15, s31  }
.Ltmp2:
0x362: {  	_ = 	snop;
	(pc) =	sbr.rel @p0 .LBB2_1-.Ltmp2, $4  }
0x363: {  	_ = 	snop  }
0x364: {  	s3 =	simm.s32 $0xA00;
	s5 =	simm.s32 $0x9A00  }
0x365: {  	s6 =	simm.s32 $0x1;
	s8 =	simm.s32 $0x2;
	[sflag:s29] =	ssyncset.done $0x0  }
0x366: {  	s7 =	simm.s32 $0x2E00;
	s9 =	simm.s32 $0x5200;
	[sflag:s29] =	ssyncadd.s32 $0xFFFFD880  }
0x367: {  	_ =	sfence.sel $0x180000  }
0x368: {  	[bflag:$0x0] =	sbarrier.arrive $0xFFFF  }
0x369: {  	_ =	strace $0x9000004A  }
0x36a: {  	s0 =	stileid.u32;
	[bflag:$0x2] =	sbarrier.arrive $0xFFFF  }
0x36b: {  	p0 =	sne.s32 s0, $0x0;
	s0 =	rddreg [dreg:$0x3]  }
0x36c: {  	s0 =	sadd.s32 @!p0 $0x100000, s0  }
0x36d: {  	[sflag:s0] =	ssyncadd.tile.s32 @!p0 $0x1;
	_ =	shalt  }
.Lfunc_end2:
_tile_overlayer_lowered:
.L_overlay_start_2:
0x36e: {  	(tag) =	ssettag $0x2  }
0x36f: {  	s0 =	rddreg [dreg:$0x0];
	s2 =	stileid.u32  }
0x370: {  	s1 =	rddreg [dreg:$0x1];
	p0 =	sne.s32 s2, $0x0  }
0x371: {  	s3 =	rddreg [dreg:$0x2];
	[bflag:$0x3] =	sbarrier.arrive $0xFFFF;
	s2 =	simm.s32 @!p0 $0x1C1F  }
0x372: {  	[timem:s3], [sflag:s2] =	dma.local @!p0 [hbm:s0], s1  }
0x373: {  	s0 =	simm.s32 @!p0 $0x1F  }
0x374: {  	_ =	swait.ge @!p0 [sflag:s0], s1  }
0x375: {  	s1 =	ssub.s32 @!p0 $0x0, s1;
	[sflag:s0] =	ssyncset.done @!p0 $0x0  }
0x376: {  	[sflag:s0] =	ssyncadd.s32 @!p0 s1  }
0x377: {  	[bflag:$0x3] =	sbarrier.arrive $0xFFFF  }
0x378: {  	_ =	shalt  }

</sc_bundles>
